<compile_context>
chip_gen: v7x
topology: tpu7x:2x2x1
jax: 0.10.2.dev20260603
libtpu: 0.0.44.dev20260713+nightly
codegen_flags: <defaults>
</compile_context>

<pallas_src>
import functools

import jax
import jax.numpy as jnp
from jax import lax
from jax.experimental import pallas as pl
from jax.experimental.pallas import tpu as pltpu
from jax.experimental.pallas import tpu_sc as plsc

NN = 50000
EE = 800000
BT = 1024
GRID = 50
NPAD = BT * GRID
CH = 128
NCHUNK = 6400
EPAD = NCHUNK * CH
NC, NS = 2, 16
NW = NC * NS
KW = NCHUNK // NW
KS = NCHUNK // NS
RPT = NPAD // NS

_mesh = plsc.VectorSubcoreMesh(
    core_axis_name="c", subcore_axis_name="s", num_cores=NC, num_subcores=NS)


def _deg_body(dst2d, z1, out, didx, ones_v, gsem, acc):
    del gsem
    c = lax.axis_index("c")
    s = lax.axis_index("s")
    w = s * NC + c
    pltpu.sync_copy(z1.at[pl.ds(s * RPT, RPT)], acc.at[pl.ds(s * RPT, RPT)])

    @pl.loop(0, CH, step=16)
    def _(i):
        ones_v[pl.ds(i, 16)] = jnp.full((16,), 1.0, jnp.float32)

    pltpu.sync_copy(dst2d.at[pl.ds(w * KW, KW)], didx)
    plsc.subcore_barrier()

    @pl.loop(0, KW)
    def _(k):
        pltpu.sync_copy(ones_v, acc.at[didx.at[k]], add=True)

    plsc.subcore_barrier()
    pltpu.sync_copy(acc.at[pl.ds(s * RPT, RPT)],
                    out.at[c, 0, pl.ds(s * RPT, RPT)])


_sc_params = pltpu.CompilerParams(use_tc_tiling_on_sc=False)

_sc_deg = pl.kernel(
    _deg_body,
    out_type=jax.ShapeDtypeStruct((NC, 1, NPAD), jnp.float32),
    mesh=_mesh,
    compiler_params=_sc_params,
    scratch_types=[
        pltpu.VMEM((KW, CH), jnp.int32),
        pltpu.VMEM((CH,), jnp.float32),
        pltpu.SemaphoreType.DMA,
        pltpu.VMEM_SHARED((NPAD,), jnp.float32),
    ],
)


def _gather_scatter_loop(tab, sidx, didx, rows, gsem, acc, nk):
    pltpu.async_copy(tab.at[sidx.at[0]], rows.at[0], gsem)

    @pl.loop(0, nk, step=2)
    def _(k0):
        for b in range(2):
            k = k0 + b
            pltpu.make_async_copy(tab.at[sidx.at[k]], rows.at[b], gsem).wait()
            nxt = k + 1

            @pl.when(nxt < nk)
            def _():
                pltpu.async_copy(tab.at[sidx.at[nxt]], rows.at[1 - b], gsem)

            pltpu.sync_copy(rows.at[b], acc.at[didx.at[k]], add=True)


def _agg8_body(p8, src2d, dst2d, z8, out, sidx, didx, rows, gsem, acc):
    c = lax.axis_index("c")
    s = lax.axis_index("s")
    w = s * NC + c
    pltpu.sync_copy(z8.at[pl.ds(s * RPT, RPT), :], acc.at[pl.ds(s * RPT, RPT), :])
    pltpu.sync_copy(src2d.at[pl.ds(w * KW, KW)], sidx)
    pltpu.sync_copy(dst2d.at[pl.ds(w * KW, KW)], didx)
    plsc.subcore_barrier()
    _gather_scatter_loop(p8, sidx, didx, rows, gsem, acc, KW)
    plsc.subcore_barrier()
    pltpu.sync_copy(acc.at[pl.ds(s * RPT, RPT), :],
                    out.at[c, pl.ds(s * RPT, RPT), :])


_sc_agg8 = pl.kernel(
    _agg8_body,
    out_type=jax.ShapeDtypeStruct((NC, NPAD, 8), jnp.float32),
    mesh=_mesh,
    compiler_params=_sc_params,
    scratch_types=[
        pltpu.VMEM((KW, CH), jnp.int32),
        pltpu.VMEM((KW, CH), jnp.int32),
        pltpu.VMEM((2, CH, 8), jnp.float32),
        pltpu.SemaphoreType.DMA,
        pltpu.VMEM_SHARED((NPAD, 8), jnp.float32),
    ],
)


def _agg16_body(q0, q1, q2, q3, src2d, dst2d, z16, out,
                sidx, didx, rows, gsem, acc):
    c = lax.axis_index("c")
    s = lax.axis_index("s")
    pltpu.sync_copy(src2d.at[pl.ds(s * KS, KS)], sidx)
    pltpu.sync_copy(dst2d.at[pl.ds(s * KS, KS)], didx)
    for g in range(2):
        pltpu.sync_copy(z16.at[pl.ds(s * RPT, RPT), :],
                        acc.at[pl.ds(s * RPT, RPT), :])
        plsc.subcore_barrier()

        @pl.when(c == 0)
        def _():
            _gather_scatter_loop((q0, q1)[g], sidx, didx, rows, gsem, acc, KS)

        @pl.when(c == 1)
        def _():
            _gather_scatter_loop((q2, q3)[g], sidx, didx, rows, gsem, acc, KS)

        plsc.subcore_barrier()
        pltpu.sync_copy(acc.at[pl.ds(s * RPT, RPT), :],
                        out.at[2 * c + g, pl.ds(s * RPT, RPT), :])


_sc_agg16 = pl.kernel(
    _agg16_body,
    out_type=jax.ShapeDtypeStruct((4, NPAD, 16), jnp.bfloat16),
    mesh=_mesh,
    compiler_params=_sc_params,
    scratch_types=[
        pltpu.VMEM((KS, CH), jnp.int32),
        pltpu.VMEM((KS, CH), jnp.int32),
        pltpu.VMEM((2, CH, 16), jnp.bfloat16),
        pltpu.SemaphoreType.DMA,
        pltpu.VMEM_SHARED((NPAD, 16), jnp.bfloat16),
    ],
)


def _tc1_body(d0_ref, d1_ref, x8_ref, p8_ref):
    deg = d0_ref[0, 0, :] + d1_ref[0, 0, :] + 1.0
    dis = lax.rsqrt(deg)
    p8_ref[...] = x8_ref[...] * dis[:, None]


def _tc1(d0, d1, x8):
    return pl.pallas_call(
        _tc1_body,
        grid=(GRID,),
        in_specs=[
            pl.BlockSpec((1, 1, BT), lambda i: (i, 0, 0)),
            pl.BlockSpec((1, 1, BT), lambda i: (i, 0, 0)),
            pl.BlockSpec((BT, 8), lambda i: (i, 0)),
        ],
        out_specs=pl.BlockSpec((BT, 8), lambda i: (i, 0)),
        out_shape=jax.ShapeDtypeStruct((NPAD, 8), jnp.float32),
    )(d0, d1, x8)


def _tc2_body(a0_ref, a1_ref, p4_ref, w1_ref, b1_ref, w2_ref,
              q0_ref, q1_ref, q2_ref, q3_ref):
    p4 = p4_ref[...]
    dis = p4[:, 3:4]
    su = (a0_ref[...] + a1_ref[...] + p4) * dis
    h1 = jnp.dot(su, w1_ref[...], preferred_element_type=jnp.float32)
    h1 = jnp.maximum(h1 + b1_ref[...], 0.0)
    q = jnp.dot(h1 * dis, w2_ref[...], preferred_element_type=jnp.float32)
    q = q.astype(jnp.bfloat16)
    q0_ref[...] = q[:, :16]
    q1_ref[...] = q[:, 16:32]
    q2_ref[...] = q[:, 32:48]
    q3_ref[...] = q[:, 48:]


def _tc2(a0, a1, p4, w1p, b1r, w2):
    return pl.pallas_call(
        _tc2_body,
        grid=(GRID,),
        in_specs=[
            pl.BlockSpec((BT, 8), lambda i: (i, 0)),
            pl.BlockSpec((BT, 8), lambda i: (i, 0)),
            pl.BlockSpec((BT, 8), lambda i: (i, 0)),
            pl.BlockSpec((8, 128), lambda i: (0, 0)),
            pl.BlockSpec((1, 128), lambda i: (0, 0)),
            pl.BlockSpec((128, 64), lambda i: (0, 0)),
        ],
        out_specs=[pl.BlockSpec((BT, 16), lambda i: (i, 0))] * 4,
        out_shape=[jax.ShapeDtypeStruct((NPAD, 16), jnp.bfloat16)] * 4,
    )(a0, a1, p4, w1p, b1r, w2)


def _tc3_body(g0_ref, g1_ref, g2_ref, g3_ref, q0_ref, q1_ref, q2_ref, q3_ref,
              p4_ref, b2_ref, wfc_ref, bfc_ref, out_ref, acc_ref):
    i = pl.program_id(0)
    dis = p4_ref[:, 3:4]
    parts = []
    for k, (g_ref, q_ref) in enumerate(
            ((g0_ref, q0_ref), (g1_ref, q1_ref),
             (g2_ref, q2_ref), (g3_ref, q3_ref))):
        b2k = b2_ref[:, 16 * k:16 * (k + 1)]
        gq = g_ref[...].astype(jnp.float32) + q_ref[...].astype(jnp.float32)
        parts.append(jnp.maximum(dis * gq + b2k, 0.0))
    h2 = jnp.concatenate(parts, axis=1)
    row = lax.broadcasted_iota(jnp.int32, (BT, 1), 0) + i * BT
    h2 = jnp.where(row < NN, h2, 0.0)

    @pl.when(i == 0)
    def _():
        acc_ref[...] = jnp.zeros_like(acc_ref)

    acc_ref[...] += jnp.sum(h2, axis=0, keepdims=True)

    @pl.when(i == GRID - 1)
    def _():
        g = acc_ref[...] * (1.0 / NN)
        out_ref[...] = (
            jnp.dot(g, wfc_ref[...], preferred_element_type=jnp.float32)
            + bfc_ref[...])


def _tc3(g0, g1, g2, g3, q0, q1, q2, q3, p4, b2r, wfcp, bfcp):
    return pl.pallas_call(
        _tc3_body,
        grid=(GRID,),
        in_specs=[
            pl.BlockSpec((BT, 16), lambda i: (i, 0)),
            pl.BlockSpec((BT, 16), lambda i: (i, 0)),
            pl.BlockSpec((BT, 16), lambda i: (i, 0)),
            pl.BlockSpec((BT, 16), lambda i: (i, 0)),
            pl.BlockSpec((BT, 16), lambda i: (i, 0)),
            pl.BlockSpec((BT, 16), lambda i: (i, 0)),
            pl.BlockSpec((BT, 16), lambda i: (i, 0)),
            pl.BlockSpec((BT, 16), lambda i: (i, 0)),
            pl.BlockSpec((BT, 8), lambda i: (i, 0)),
            pl.BlockSpec((1, 64), lambda i: (0, 0)),
            pl.BlockSpec((64, 4), lambda i: (0, 0)),
            pl.BlockSpec((1, 4), lambda i: (0, 0)),
        ],
        out_specs=pl.BlockSpec((1, 4), lambda i: (0, 0)),
        out_shape=jax.ShapeDtypeStruct((1, 4), jnp.float32),
        scratch_shapes=[pltpu.VMEM((1, 64), jnp.float32)],
    )(g0, g1, g2, g3, q0, q1, q2, q3, p4, b2r, wfcp, bfcp)


def kernel(x, edge_index, W1, b1, W2, b2, Wfc, bfc):
    f32 = jnp.float32
    pad = jnp.full((EPAD - EE,), NN, jnp.int32)
    src2d = jnp.concatenate([edge_index[0], pad]).reshape(NCHUNK, CH)
    dst2d = jnp.concatenate([edge_index[1], pad]).reshape(NCHUNK, CH)

    x8 = jnp.zeros((NPAD, 8), f32)
    x8 = x8.at[:NN, :3].set(x.astype(f32)).at[:NN, 3].set(1.0)

    w1p = jnp.zeros((8, 128), f32).at[:3].set(W1)
    b1r = b1.reshape(1, 128)
    b2r = b2.reshape(1, 64)
    wfcp = jnp.zeros((64, 4), f32).at[:, :3].set(Wfc)
    bfcp = jnp.zeros((1, 4), f32).at[0, :3].set(bfc)

    z1 = jnp.zeros((NPAD,), f32)
    z8 = jnp.zeros((NPAD, 8), f32)
    z16 = jnp.zeros((NPAD, 16), jnp.bfloat16)

    degp = _sc_deg(dst2d, z1)
    d0 = degp[0].reshape(GRID, 1, BT)
    d1 = degp[1].reshape(GRID, 1, BT)
    p8 = _tc1(d0, d1, x8)
    a = _sc_agg8(p8, src2d, dst2d, z8)
    q0, q1, q2, q3 = _tc2(a[0], a[1], p8, w1p, b1r, W2)
    g = _sc_agg16(q0, q1, q2, q3, src2d, dst2d, z16)
    o = _tc3(g[0], g[1], g[2], g[3], q0, q1, q2, q3,
             p8, b2r, wfcp, bfcp)
    return o[0, :3]

# --- scband reference (transcript-rebuilt; emitter-appended) ---
"""Pipeline reference for scband-gnnmodel-25744033972357 (READ-ONLY COPY).

The authoritative reference and input builder live on the scoring server;
editing this copy changes nothing except your own understanding.
"""

import jax, jax.numpy as jnp
import numpy as np

N = 50000
E = 800000


def setup_inputs(seed: int = 0) -> dict:
    key = jax.random.key(seed)
    ks = jax.random.split(key, 8)
    x = jax.random.normal(ks[0], (N, 3), dtype=jnp.float32)
    edge_index = jax.random.randint(ks[1], (2, E), 0, N, dtype=jnp.int32)
    W1 = jax.random.normal(ks[2], (3, 128), dtype=jnp.float32) * (1.0 / np.sqrt(3.0))
    b1 = jnp.zeros((128,), dtype=jnp.float32)
    W2 = jax.random.normal(ks[3], (128, 64), dtype=jnp.float32) * (1.0 / np.sqrt(128.0))
    b2 = jnp.zeros((64,), dtype=jnp.float32)
    Wfc = jax.random.normal(ks[4], (64, 3), dtype=jnp.float32) * (1.0 / np.sqrt(64.0))
    bfc = jnp.zeros((3,), dtype=jnp.float32)
    return {"x": x, "edge_index": edge_index, "W1": W1, "b1": b1, "W2": W2, "b2": b2, "Wfc": Wfc, "bfc": bfc}


def _gcn_conv(x, edge_index, W, b):
    # PyG-style GCNConv: add self-loops, symmetric normalization, linear transform, scatter-add aggregate
    n = x.shape[0]
    loop = jnp.arange(n, dtype=edge_index.dtype)
    src = jnp.concatenate([edge_index[0], loop])
    dst = jnp.concatenate([edge_index[1], loop])
    h = x @ W
    deg = jnp.zeros((n,), dtype=jnp.float32).at[dst].add(1.0)
    dis = jnp.where(deg > 0, jax.lax.rsqrt(jnp.maximum(deg, 1e-12)), 0.0)
    norm = dis[src] * dis[dst]
    msg = h[src] * norm[:, None]
    out = jax.ops.segment_sum(msg, dst, num_segments=n)
    return out + b


def reference(x, edge_index, W1, b1, W2, b2, Wfc, bfc):
    h = jax.nn.relu(_gcn_conv(x, edge_index, W1, b1))
    h = jax.nn.relu(_gcn_conv(h, edge_index, W2, b2))
    g = jnp.mean(h, axis=0)
    out = g @ Wfc + bfc
    return out

if __name__ == "__main__":
    import jax
    _d = setup_inputs()
    print(jax.jit(kernel)(*tuple(_d.values())))

</pallas_src>

<mosaic_0001>
#map = affine_map<(d0, d1) -> (0, 0)>
#map1 = affine_map<(d0, d1) -> (0, 0, 0)>
module attributes {stable_mosaic.version = 14 : i64} {
  func.func @_agg16_body(%arg0: i32, %arg1: i32, %arg2: memref<51200x16xbf16, #tpu.memory_space<hbm>>, %arg3: memref<51200x16xbf16, #tpu.memory_space<hbm>>, %arg4: memref<51200x16xbf16, #tpu.memory_space<hbm>>, %arg5: memref<51200x16xbf16, #tpu.memory_space<hbm>>, %arg6: memref<6400x128xi32, #tpu.memory_space<hbm>>, %arg7: memref<6400x128xi32, #tpu.memory_space<hbm>>, %arg8: memref<51200x16xbf16, #tpu.memory_space<hbm>>, %arg9: memref<4x51200x16xbf16, #tpu.memory_space<hbm>>, %arg10: memref<400x128xi32, #tpu.memory_space<vmem>>, %arg11: memref<400x128xi32, #tpu.memory_space<vmem>>, %arg12: memref<2x128x16xbf16, #tpu.memory_space<vmem>>, %arg13: memref<!tpu.dma_semaphore, #tpu.memory_space<semaphore_mem>>, %arg14: memref<51200x16xbf16, #tpu.memory_space<vmem_shared>>) attributes {dimension_semantics = [#tpu.dimension_semantics<core_parallel>, #tpu.dimension_semantics<subcore_parallel>], iteration_bounds = array<i64: 2, 16>, scalar_prefetch = 0 : i64, scratch_operands = 5 : i64, tpu.core_type = #tpu.core_type<sc_vector_subcore>, window_params = [{transform_indices = #map}, {transform_indices = #map}, {transform_indices = #map}, {transform_indices = #map}, {transform_indices = #map}, {transform_indices = #map}, {transform_indices = #map}, {transform_indices = #map1}]} {
    %mul3A = arith.constant 400 : i32
    %mul3A_0 = arith.muli %arg1, %mul3A : i32
    "tpu.region"() ({
      %run_scoped3A = tpu.sem_alloc : memref<!tpu.dma_semaphore, #tpu.memory_space<semaphore_mem>>
      %dma_start3A = arith.constant 0 : i32
      %dma_start3A_46 = tpu.memref_slice %arg6[%mul3A_0, %dma_start3A] : memref<6400x128xi32, #tpu.memory_space<hbm>> -> memref<400x128xi32, #tpu.memory_space<hbm>>
      %dma_start3A_47 = arith.constant 0 : i32
      %dma_start3A_48 = tpu.memref_slice %arg6[%mul3A_0, %dma_start3A_47] : memref<6400x128xi32, #tpu.memory_space<hbm>> -> memref<400x128xi32, #tpu.memory_space<hbm>>
      tpu.enqueue_dma source(%dma_start3A_48 : memref<400x128xi32, #tpu.memory_space<hbm>>) target(%arg10 : memref<400x128xi32, #tpu.memory_space<vmem>>) target_semaphore(%run_scoped3A : memref<!tpu.dma_semaphore, #tpu.memory_space<semaphore_mem>>)
      %dma_wait3A = arith.constant 0 : i32
      %dma_wait3A_49 = tpu.memref_slice %arg6[%mul3A_0, %dma_wait3A] : memref<6400x128xi32, #tpu.memory_space<hbm>> -> memref<400x128xi32, #tpu.memory_space<hbm>>
      %dma_wait3A_50 = arith.constant 0 : i32
      %dma_wait3A_51 = tpu.memref_slice %arg6[%mul3A_0, %dma_wait3A_50] : memref<6400x128xi32, #tpu.memory_space<hbm>> -> memref<400x128xi32, #tpu.memory_space<hbm>>
      tpu.wait_dma2 semaphore(%run_scoped3A : memref<!tpu.dma_semaphore, #tpu.memory_space<semaphore_mem>>) src(%dma_wait3A_51 : memref<400x128xi32, #tpu.memory_space<hbm>>) dst(%arg10 : memref<400x128xi32, #tpu.memory_space<vmem>>)
      tpu.yield
    }) : () -> ()
    %mul3A_1 = arith.constant 400 : i32
    %mul3A_2 = arith.muli %arg1, %mul3A_1 : i32
    "tpu.region"() ({
      %run_scoped3A = tpu.sem_alloc : memref<!tpu.dma_semaphore, #tpu.memory_space<semaphore_mem>>
      %dma_start3A = arith.constant 0 : i32
      %dma_start3A_46 = tpu.memref_slice %arg7[%mul3A_2, %dma_start3A] : memref<6400x128xi32, #tpu.memory_space<hbm>> -> memref<400x128xi32, #tpu.memory_space<hbm>>
      %dma_start3A_47 = arith.constant 0 : i32
      %dma_start3A_48 = tpu.memref_slice %arg7[%mul3A_2, %dma_start3A_47] : memref<6400x128xi32, #tpu.memory_space<hbm>> -> memref<400x128xi32, #tpu.memory_space<hbm>>
      tpu.enqueue_dma source(%dma_start3A_48 : memref<400x128xi32, #tpu.memory_space<hbm>>) target(%arg11 : memref<400x128xi32, #tpu.memory_space<vmem>>) target_semaphore(%run_scoped3A : memref<!tpu.dma_semaphore, #tpu.memory_space<semaphore_mem>>)
      %dma_wait3A = arith.constant 0 : i32
      %dma_wait3A_49 = tpu.memref_slice %arg7[%mul3A_2, %dma_wait3A] : memref<6400x128xi32, #tpu.memory_space<hbm>> -> memref<400x128xi32, #tpu.memory_space<hbm>>
      %dma_wait3A_50 = arith.constant 0 : i32
      %dma_wait3A_51 = tpu.memref_slice %arg7[%mul3A_2, %dma_wait3A_50] : memref<6400x128xi32, #tpu.memory_space<hbm>> -> memref<400x128xi32, #tpu.memory_space<hbm>>
      tpu.wait_dma2 semaphore(%run_scoped3A : memref<!tpu.dma_semaphore, #tpu.memory_space<semaphore_mem>>) src(%dma_wait3A_51 : memref<400x128xi32, #tpu.memory_space<hbm>>) dst(%arg11 : memref<400x128xi32, #tpu.memory_space<vmem>>)
      tpu.yield
    }) : () -> ()
    %mul3A_3 = arith.constant 3200 : i32
    %mul3A_4 = arith.muli %arg1, %mul3A_3 : i32
    %mul3A_5 = arith.constant 3200 : i32
    %mul3A_6 = arith.muli %arg1, %mul3A_5 : i32
    "tpu.region"() ({
      %run_scoped3A = tpu.sem_alloc : memref<!tpu.dma_semaphore, #tpu.memory_space<semaphore_mem>>
      %dma_start3A = arith.constant 0 : i32
      %dma_start3A_46 = tpu.memref_slice %arg14[%mul3A_6, %dma_start3A] : memref<51200x16xbf16, #tpu.memory_space<vmem_shared>> -> memref<3200x16xbf16, #tpu.memory_space<vmem_shared>>
      %dma_start3A_47 = arith.constant 0 : i32
      %dma_start3A_48 = tpu.memref_slice %arg8[%mul3A_4, %dma_start3A_47] : memref<51200x16xbf16, #tpu.memory_space<hbm>> -> memref<3200x16xbf16, #tpu.memory_space<hbm>>
      tpu.enqueue_dma source(%dma_start3A_48 : memref<3200x16xbf16, #tpu.memory_space<hbm>>) target(%dma_start3A_46 : memref<3200x16xbf16, #tpu.memory_space<vmem_shared>>) target_semaphore(%run_scoped3A : memref<!tpu.dma_semaphore, #tpu.memory_space<semaphore_mem>>)
      %dma_wait3A = arith.constant 0 : i32
      %dma_wait3A_49 = tpu.memref_slice %arg14[%mul3A_6, %dma_wait3A] : memref<51200x16xbf16, #tpu.memory_space<vmem_shared>> -> memref<3200x16xbf16, #tpu.memory_space<vmem_shared>>
      %dma_wait3A_50 = arith.constant 0 : i32
      %dma_wait3A_51 = tpu.memref_slice %arg8[%mul3A_4, %dma_wait3A_50] : memref<51200x16xbf16, #tpu.memory_space<hbm>> -> memref<3200x16xbf16, #tpu.memory_space<hbm>>
      tpu.wait_dma2 semaphore(%run_scoped3A : memref<!tpu.dma_semaphore, #tpu.memory_space<semaphore_mem>>) src(%dma_wait3A_51 : memref<3200x16xbf16, #tpu.memory_space<hbm>>) dst(%dma_wait3A_49 : memref<3200x16xbf16, #tpu.memory_space<vmem_shared>>)
      tpu.yield
    }) : () -> ()
    %barrier3A = arith.constant 0 : index
    tpu.barrier barrier_id(%barrier3A)
    %eq3A = arith.constant 0 : i32
    %eq3A_7 = arith.cmpi eq, %arg0, %eq3A : i32
    %convert_element_type3A = arith.extui %eq3A_7 : i1 to i32
    %cond3A = arith.constant 0 : i32
    %cond3A_8 = arith.cmpi ne, %convert_element_type3A, %cond3A : i32
    scf.if %cond3A_8 {
      %dma_start3A = arith.constant 0 : i32
      %dma_start3A_46 = arith.constant 0 : i32
      %dma_start3A_47 = arith.constant 0 : i32
      %dma_start3A_48 = arith.constant 0 : i32
      %dma_start3A_49 = tpu.memref_slice %arg12[%dma_start3A_46, %dma_start3A_47, %dma_start3A_48] : memref<2x128x16xbf16, #tpu.memory_space<vmem>> -> memref<1x128x16xbf16, #tpu.memory_space<vmem>>
      %dma_start3A_50 = tpu.memref_squeeze %dma_start3A_49 : memref<1x128x16xbf16, #tpu.memory_space<vmem>> -> memref<128x16xbf16, #tpu.memory_space<vmem>>
      %dma_start3A_51 = arith.constant 0 : i32
      %dma_start3A_52 = tpu.memref_slice %arg10[%dma_start3A, %dma_start3A_51] : memref<400x128xi32, #tpu.memory_space<vmem>> -> memref<1x128xi32, #tpu.memory_space<vmem>>
      %dma_start3A_53 = tpu.memref_squeeze %dma_start3A_52 : memref<1x128xi32, #tpu.memory_space<vmem>> -> memref<128xi32, #tpu.memory_space<vmem>>
      %dma_start3A_54 = arith.constant 0 : i32
      %dma_start3A_55 = arith.constant 0 : i32
      %dma_start3A_56 = tpu.memref_slice %arg2[%dma_start3A_54, %dma_start3A_55] : memref<51200x16xbf16, #tpu.memory_space<hbm>> -> memref<51200x16xbf16, #tpu.memory_space<hbm>>
      tpu.enqueue_indirect_dma source(%dma_start3A_56 : memref<51200x16xbf16, #tpu.memory_space<hbm>>) target(%dma_start3A_50 : memref<128x16xbf16, #tpu.memory_space<vmem>>) offsets(%dma_start3A_53 : memref<128xi32, #tpu.memory_space<vmem>>) semaphore(%arg13 : memref<!tpu.dma_semaphore, #tpu.memory_space<semaphore_mem>>)
      %scan3A = arith.constant 0 : i32
      %scan3A_57 = arith.constant 200 : i32
      %scan3A_58 = arith.addi %scan3A, %scan3A_57 : i32
      %scan3A_59 = arith.constant 1 : i32
      scf.for %scan3A_61 = %scan3A to %scan3A_58 step %scan3A_59  : i32 {
        %mul3A_62 = arith.constant 2 : i32
        %mul3A_63 = arith.muli %scan3A_61, %mul3A_62 : i32
        %add3A_64 = arith.constant 0 : i32
        %add3A_65 = arith.addi %add3A_64, %mul3A_63 : i32
        %add3A_66 = arith.constant 0 : i32
        %add3A_67 = arith.addi %add3A_65, %add3A_66 : i32
        %dma_wait3A = arith.constant 0 : i32
        %dma_wait3A_68 = arith.constant 0 : i32
        %dma_wait3A_69 = arith.constant 0 : i32
        %dma_wait3A_70 = tpu.memref_slice %arg12[%dma_wait3A, %dma_wait3A_68, %dma_wait3A_69] : memref<2x128x16xbf16, #tpu.memory_space<vmem>> -> memref<1x128x16xbf16, #tpu.memory_space<vmem>>
        %dma_wait3A_71 = tpu.memref_squeeze %dma_wait3A_70 : memref<1x128x16xbf16, #tpu.memory_space<vmem>> -> memref<128x16xbf16, #tpu.memory_space<vmem>>
        %dma_wait3A_72 = arith.constant 0 : i32
        %dma_wait3A_73 = tpu.memref_slice %arg10[%add3A_67, %dma_wait3A_72] : memref<400x128xi32, #tpu.memory_space<vmem>> -> memref<1x128xi32, #tpu.memory_space<vmem>>
        %dma_wait3A_74 = tpu.memref_squeeze %dma_wait3A_73 : memref<1x128xi32, #tpu.memory_space<vmem>> -> memref<128xi32, #tpu.memory_space<vmem>>
        %dma_wait3A_75 = arith.constant 0 : i32
        %dma_wait3A_76 = arith.constant 0 : i32
        %dma_wait3A_77 = tpu.memref_slice %arg2[%dma_wait3A_75, %dma_wait3A_76] : memref<51200x16xbf16, #tpu.memory_space<hbm>> -> memref<51200x16xbf16, #tpu.memory_space<hbm>>
        tpu.wait_indirect_dma semaphore(%arg13 : memref<!tpu.dma_semaphore, #tpu.memory_space<semaphore_mem>>) src(%dma_wait3A_77 : memref<51200x16xbf16, #tpu.memory_space<hbm>>) dst(%dma_wait3A_71 : memref<128x16xbf16, #tpu.memory_space<vmem>>)
        %add3A_78 = arith.constant 1 : i32
        %add3A_79 = arith.addi %add3A_67, %add3A_78 : i32
        %lt3A = arith.constant 400 : i32
        %lt3A_80 = arith.cmpi slt, %add3A_79, %lt3A : i32
        %convert_element_type3A_81 = arith.extui %lt3A_80 : i1 to i32
        %cond3A_82 = arith.constant 0 : i32
        %cond3A_83 = arith.cmpi ne, %convert_element_type3A_81, %cond3A_82 : i32
        scf.if %cond3A_83 {
          %dma_start3A_105 = arith.constant 1 : i32
          %dma_start3A_106 = arith.constant 0 : i32
          %dma_start3A_107 = arith.constant 0 : i32
          %dma_start3A_108 = tpu.memref_slice %arg12[%dma_start3A_105, %dma_start3A_106, %dma_start3A_107] : memref<2x128x16xbf16, #tpu.memory_space<vmem>> -> memref<1x128x16xbf16, #tpu.memory_space<vmem>>
          %dma_start3A_109 = tpu.memref_squeeze %dma_start3A_108 : memref<1x128x16xbf16, #tpu.memory_space<vmem>> -> memref<128x16xbf16, #tpu.memory_space<vmem>>
          %dma_start3A_110 = arith.constant 0 : i32
          %dma_start3A_111 = tpu.memref_slice %arg10[%add3A_79, %dma_start3A_110] : memref<400x128xi32, #tpu.memory_space<vmem>> -> memref<1x128xi32, #tpu.memory_space<vmem>>
          %dma_start3A_112 = tpu.memref_squeeze %dma_start3A_111 : memref<1x128xi32, #tpu.memory_space<vmem>> -> memref<128xi32, #tpu.memory_space<vmem>>
          %dma_start3A_113 = arith.constant 0 : i32
          %dma_start3A_114 = arith.constant 0 : i32
          %dma_start3A_115 = tpu.memref_slice %arg2[%dma_start3A_113, %dma_start3A_114] : memref<51200x16xbf16, #tpu.memory_space<hbm>> -> memref<51200x16xbf16, #tpu.memory_space<hbm>>
          tpu.enqueue_indirect_dma source(%dma_start3A_115 : memref<51200x16xbf16, #tpu.memory_space<hbm>>) target(%dma_start3A_109 : memref<128x16xbf16, #tpu.memory_space<vmem>>) offsets(%dma_start3A_112 : memref<128xi32, #tpu.memory_space<vmem>>) semaphore(%arg13 : memref<!tpu.dma_semaphore, #tpu.memory_space<semaphore_mem>>)
        } else {
        }
        %run_scoped3A = arith.constant 0 : i32
        "tpu.region"() ({
          %run_scoped3A_105 = tpu.sem_alloc : memref<!tpu.dma_semaphore, #tpu.memory_space<semaphore_mem>>
          %dma_start3A_106 = arith.constant 0 : i32
          %dma_start3A_107 = arith.constant 0 : i32
          %dma_start3A_108 = tpu.memref_slice %arg12[%run_scoped3A, %dma_start3A_106, %dma_start3A_107] : memref<2x128x16xbf16, #tpu.memory_space<vmem>> -> memref<1x128x16xbf16, #tpu.memory_space<vmem>>
          %dma_start3A_109 = tpu.memref_squeeze %dma_start3A_108 : memref<1x128x16xbf16, #tpu.memory_space<vmem>> -> memref<128x16xbf16, #tpu.memory_space<vmem>>
          %dma_start3A_110 = arith.constant 0 : i32
          %dma_start3A_111 = tpu.memref_slice %arg11[%add3A_67, %dma_start3A_110] : memref<400x128xi32, #tpu.memory_space<vmem>> -> memref<1x128xi32, #tpu.memory_space<vmem>>
          %dma_start3A_112 = tpu.memref_squeeze %dma_start3A_111 : memref<1x128xi32, #tpu.memory_space<vmem>> -> memref<128xi32, #tpu.memory_space<vmem>>
          %dma_start3A_113 = arith.constant 0 : i32
          %dma_start3A_114 = arith.constant 0 : i32
          %dma_start3A_115 = tpu.memref_slice %arg14[%dma_start3A_113, %dma_start3A_114] : memref<51200x16xbf16, #tpu.memory_space<vmem_shared>> -> memref<51200x16xbf16, #tpu.memory_space<vmem_shared>>
          tpu.enqueue_indirect_dma source(%dma_start3A_109 : memref<128x16xbf16, #tpu.memory_space<vmem>>) target(%dma_start3A_115 : memref<51200x16xbf16, #tpu.memory_space<vmem_shared>>) offsets(%dma_start3A_112 : memref<128xi32, #tpu.memory_space<vmem>>) semaphore(%run_scoped3A_105 : memref<!tpu.dma_semaphore, #tpu.memory_space<semaphore_mem>>) {add = true}
          %dma_wait3A_116 = arith.constant 0 : i32
          %dma_wait3A_117 = arith.constant 0 : i32
          %dma_wait3A_118 = tpu.memref_slice %arg12[%run_scoped3A, %dma_wait3A_116, %dma_wait3A_117] : memref<2x128x16xbf16, #tpu.memory_space<vmem>> -> memref<1x128x16xbf16, #tpu.memory_space<vmem>>
          %dma_wait3A_119 = tpu.memref_squeeze %dma_wait3A_118 : memref<1x128x16xbf16, #tpu.memory_space<vmem>> -> memref<128x16xbf16, #tpu.memory_space<vmem>>
          %dma_wait3A_120 = arith.constant 0 : i32
          %dma_wait3A_121 = tpu.memref_slice %arg11[%add3A_67, %dma_wait3A_120] : memref<400x128xi32, #tpu.memory_space<vmem>> -> memref<1x128xi32, #tpu.memory_space<vmem>>
          %dma_wait3A_122 = tpu.memref_squeeze %dma_wait3A_121 : memref<1x128xi32, #tpu.memory_space<vmem>> -> memref<128xi32, #tpu.memory_space<vmem>>
          %dma_wait3A_123 = arith.constant 0 : i32
          %dma_wait3A_124 = arith.constant 0 : i32
          %dma_wait3A_125 = tpu.memref_slice %arg14[%dma_wait3A_123, %dma_wait3A_124] : memref<51200x16xbf16, #tpu.memory_space<vmem_shared>> -> memref<51200x16xbf16, #tpu.memory_space<vmem_shared>>
          tpu.wait_indirect_dma semaphore(%run_scoped3A_105 : memref<!tpu.dma_semaphore, #tpu.memory_space<semaphore_mem>>) src(%dma_wait3A_119 : memref<128x16xbf16, #tpu.memory_space<vmem>>) dst(%dma_wait3A_125 : memref<51200x16xbf16, #tpu.memory_space<vmem_shared>>)
          tpu.yield
        }) : () -> ()
        %add3A_84 = arith.constant 1 : i32
        %add3A_85 = arith.addi %add3A_65, %add3A_84 : i32
        %dma_wait3A_86 = arith.constant 1 : i32
        %dma_wait3A_87 = arith.constant 0 : i32
        %dma_wait3A_88 = arith.constant 0 : i32
        %dma_wait3A_89 = tpu.memref_slice %arg12[%dma_wait3A_86, %dma_wait3A_87, %dma_wait3A_88] : memref<2x128x16xbf16, #tpu.memory_space<vmem>> -> memref<1x128x16xbf16, #tpu.memory_space<vmem>>
        %dma_wait3A_90 = tpu.memref_squeeze %dma_wait3A_89 : memref<1x128x16xbf16, #tpu.memory_space<vmem>> -> memref<128x16xbf16, #tpu.memory_space<vmem>>
        %dma_wait3A_91 = arith.constant 0 : i32
        %dma_wait3A_92 = tpu.memref_slice %arg10[%add3A_85, %dma_wait3A_91] : memref<400x128xi32, #tpu.memory_space<vmem>> -> memref<1x128xi32, #tpu.memory_space<vmem>>
        %dma_wait3A_93 = tpu.memref_squeeze %dma_wait3A_92 : memref<1x128xi32, #tpu.memory_space<vmem>> -> memref<128xi32, #tpu.memory_space<vmem>>
        %dma_wait3A_94 = arith.constant 0 : i32
        %dma_wait3A_95 = arith.constant 0 : i32
        %dma_wait3A_96 = tpu.memref_slice %arg2[%dma_wait3A_94, %dma_wait3A_95] : memref<51200x16xbf16, #tpu.memory_space<hbm>> -> memref<51200x16xbf16, #tpu.memory_space<hbm>>
        tpu.wait_indirect_dma semaphore(%arg13 : memref<!tpu.dma_semaphore, #tpu.memory_space<semaphore_mem>>) src(%dma_wait3A_96 : memref<51200x16xbf16, #tpu.memory_space<hbm>>) dst(%dma_wait3A_90 : memref<128x16xbf16, #tpu.memory_space<vmem>>)
        %add3A_97 = arith.constant 1 : i32
        %add3A_98 = arith.addi %add3A_85, %add3A_97 : i32
        %lt3A_99 = arith.constant 400 : i32
        %lt3A_100 = arith.cmpi slt, %add3A_98, %lt3A_99 : i32
        %convert_element_type3A_101 = arith.extui %lt3A_100 : i1 to i32
        %cond3A_102 = arith.constant 0 : i32
        %cond3A_103 = arith.cmpi ne, %convert_element_type3A_101, %cond3A_102 : i32
        scf.if %cond3A_103 {
          %dma_start3A_105 = arith.constant 0 : i32
          %dma_start3A_106 = arith.constant 0 : i32
          %dma_start3A_107 = arith.constant 0 : i32
          %dma_start3A_108 = tpu.memref_slice %arg12[%dma_start3A_105, %dma_start3A_106, %dma_start3A_107] : memref<2x128x16xbf16, #tpu.memory_space<vmem>> -> memref<1x128x16xbf16, #tpu.memory_space<vmem>>
          %dma_start3A_109 = tpu.memref_squeeze %dma_start3A_108 : memref<1x128x16xbf16, #tpu.memory_space<vmem>> -> memref<128x16xbf16, #tpu.memory_space<vmem>>
          %dma_start3A_110 = arith.constant 0 : i32
          %dma_start3A_111 = tpu.memref_slice %arg10[%add3A_98, %dma_start3A_110] : memref<400x128xi32, #tpu.memory_space<vmem>> -> memref<1x128xi32, #tpu.memory_space<vmem>>
          %dma_start3A_112 = tpu.memref_squeeze %dma_start3A_111 : memref<1x128xi32, #tpu.memory_space<vmem>> -> memref<128xi32, #tpu.memory_space<vmem>>
          %dma_start3A_113 = arith.constant 0 : i32
          %dma_start3A_114 = arith.constant 0 : i32
          %dma_start3A_115 = tpu.memref_slice %arg2[%dma_start3A_113, %dma_start3A_114] : memref<51200x16xbf16, #tpu.memory_space<hbm>> -> memref<51200x16xbf16, #tpu.memory_space<hbm>>
          tpu.enqueue_indirect_dma source(%dma_start3A_115 : memref<51200x16xbf16, #tpu.memory_space<hbm>>) target(%dma_start3A_109 : memref<128x16xbf16, #tpu.memory_space<vmem>>) offsets(%dma_start3A_112 : memref<128xi32, #tpu.memory_space<vmem>>) semaphore(%arg13 : memref<!tpu.dma_semaphore, #tpu.memory_space<semaphore_mem>>)
        } else {
        }
        %run_scoped3A_104 = arith.constant 1 : i32
        "tpu.region"() ({
          %run_scoped3A_105 = tpu.sem_alloc : memref<!tpu.dma_semaphore, #tpu.memory_space<semaphore_mem>>
          %dma_start3A_106 = arith.constant 0 : i32
          %dma_start3A_107 = arith.constant 0 : i32
          %dma_start3A_108 = tpu.memref_slice %arg12[%run_scoped3A_104, %dma_start3A_106, %dma_start3A_107] : memref<2x128x16xbf16, #tpu.memory_space<vmem>> -> memref<1x128x16xbf16, #tpu.memory_space<vmem>>
          %dma_start3A_109 = tpu.memref_squeeze %dma_start3A_108 : memref<1x128x16xbf16, #tpu.memory_space<vmem>> -> memref<128x16xbf16, #tpu.memory_space<vmem>>
          %dma_start3A_110 = arith.constant 0 : i32
          %dma_start3A_111 = tpu.memref_slice %arg11[%add3A_85, %dma_start3A_110] : memref<400x128xi32, #tpu.memory_space<vmem>> -> memref<1x128xi32, #tpu.memory_space<vmem>>
          %dma_start3A_112 = tpu.memref_squeeze %dma_start3A_111 : memref<1x128xi32, #tpu.memory_space<vmem>> -> memref<128xi32, #tpu.memory_space<vmem>>
          %dma_start3A_113 = arith.constant 0 : i32
          %dma_start3A_114 = arith.constant 0 : i32
          %dma_start3A_115 = tpu.memref_slice %arg14[%dma_start3A_113, %dma_start3A_114] : memref<51200x16xbf16, #tpu.memory_space<vmem_shared>> -> memref<51200x16xbf16, #tpu.memory_space<vmem_shared>>
          tpu.enqueue_indirect_dma source(%dma_start3A_109 : memref<128x16xbf16, #tpu.memory_space<vmem>>) target(%dma_start3A_115 : memref<51200x16xbf16, #tpu.memory_space<vmem_shared>>) offsets(%dma_start3A_112 : memref<128xi32, #tpu.memory_space<vmem>>) semaphore(%run_scoped3A_105 : memref<!tpu.dma_semaphore, #tpu.memory_space<semaphore_mem>>) {add = true}
          %dma_wait3A_116 = arith.constant 0 : i32
          %dma_wait3A_117 = arith.constant 0 : i32
          %dma_wait3A_118 = tpu.memref_slice %arg12[%run_scoped3A_104, %dma_wait3A_116, %dma_wait3A_117] : memref<2x128x16xbf16, #tpu.memory_space<vmem>> -> memref<1x128x16xbf16, #tpu.memory_space<vmem>>
          %dma_wait3A_119 = tpu.memref_squeeze %dma_wait3A_118 : memref<1x128x16xbf16, #tpu.memory_space<vmem>> -> memref<128x16xbf16, #tpu.memory_space<vmem>>
          %dma_wait3A_120 = arith.constant 0 : i32
          %dma_wait3A_121 = tpu.memref_slice %arg11[%add3A_85, %dma_wait3A_120] : memref<400x128xi32, #tpu.memory_space<vmem>> -> memref<1x128xi32, #tpu.memory_space<vmem>>
          %dma_wait3A_122 = tpu.memref_squeeze %dma_wait3A_121 : memref<1x128xi32, #tpu.memory_space<vmem>> -> memref<128xi32, #tpu.memory_space<vmem>>
          %dma_wait3A_123 = arith.constant 0 : i32
          %dma_wait3A_124 = arith.constant 0 : i32
          %dma_wait3A_125 = tpu.memref_slice %arg14[%dma_wait3A_123, %dma_wait3A_124] : memref<51200x16xbf16, #tpu.memory_space<vmem_shared>> -> memref<51200x16xbf16, #tpu.memory_space<vmem_shared>>
          tpu.wait_indirect_dma semaphore(%run_scoped3A_105 : memref<!tpu.dma_semaphore, #tpu.memory_space<semaphore_mem>>) src(%dma_wait3A_119 : memref<128x16xbf16, #tpu.memory_space<vmem>>) dst(%dma_wait3A_125 : memref<51200x16xbf16, #tpu.memory_space<vmem_shared>>)
          tpu.yield
        }) : () -> ()
      }
      %scan3A_60 = arith.constant 200 : i32
    } else {
    }
    %eq3A_9 = arith.constant 1 : i32
    %eq3A_10 = arith.cmpi eq, %arg0, %eq3A_9 : i32
    %convert_element_type3A_11 = arith.extui %eq3A_10 : i1 to i32
    %cond3A_12 = arith.constant 0 : i32
    %cond3A_13 = arith.cmpi ne, %convert_element_type3A_11, %cond3A_12 : i32
    scf.if %cond3A_13 {
      %dma_start3A = arith.constant 0 : i32
      %dma_start3A_46 = arith.constant 0 : i32
      %dma_start3A_47 = arith.constant 0 : i32
      %dma_start3A_48 = arith.constant 0 : i32
      %dma_start3A_49 = tpu.memref_slice %arg12[%dma_start3A_46, %dma_start3A_47, %dma_start3A_48] : memref<2x128x16xbf16, #tpu.memory_space<vmem>> -> memref<1x128x16xbf16, #tpu.memory_space<vmem>>
      %dma_start3A_50 = tpu.memref_squeeze %dma_start3A_49 : memref<1x128x16xbf16, #tpu.memory_space<vmem>> -> memref<128x16xbf16, #tpu.memory_space<vmem>>
      %dma_start3A_51 = arith.constant 0 : i32
      %dma_start3A_52 = tpu.memref_slice %arg10[%dma_start3A, %dma_start3A_51] : memref<400x128xi32, #tpu.memory_space<vmem>> -> memref<1x128xi32, #tpu.memory_space<vmem>>
      %dma_start3A_53 = tpu.memref_squeeze %dma_start3A_52 : memref<1x128xi32, #tpu.memory_space<vmem>> -> memref<128xi32, #tpu.memory_space<vmem>>
      %dma_start3A_54 = arith.constant 0 : i32
      %dma_start3A_55 = arith.constant 0 : i32
      %dma_start3A_56 = tpu.memref_slice %arg4[%dma_start3A_54, %dma_start3A_55] : memref<51200x16xbf16, #tpu.memory_space<hbm>> -> memref<51200x16xbf16, #tpu.memory_space<hbm>>
      tpu.enqueue_indirect_dma source(%dma_start3A_56 : memref<51200x16xbf16, #tpu.memory_space<hbm>>) target(%dma_start3A_50 : memref<128x16xbf16, #tpu.memory_space<vmem>>) offsets(%dma_start3A_53 : memref<128xi32, #tpu.memory_space<vmem>>) semaphore(%arg13 : memref<!tpu.dma_semaphore, #tpu.memory_space<semaphore_mem>>)
      %scan3A = arith.constant 0 : i32
      %scan3A_57 = arith.constant 200 : i32
      %scan3A_58 = arith.addi %scan3A, %scan3A_57 : i32
      %scan3A_59 = arith.constant 1 : i32
      scf.for %scan3A_61 = %scan3A to %scan3A_58 step %scan3A_59  : i32 {
        %mul3A_62 = arith.constant 2 : i32
        %mul3A_63 = arith.muli %scan3A_61, %mul3A_62 : i32
        %add3A_64 = arith.constant 0 : i32
        %add3A_65 = arith.addi %add3A_64, %mul3A_63 : i32
        %add3A_66 = arith.constant 0 : i32
        %add3A_67 = arith.addi %add3A_65, %add3A_66 : i32
        %dma_wait3A = arith.constant 0 : i32
        %dma_wait3A_68 = arith.constant 0 : i32
        %dma_wait3A_69 = arith.constant 0 : i32
        %dma_wait3A_70 = tpu.memref_slice %arg12[%dma_wait3A, %dma_wait3A_68, %dma_wait3A_69] : memref<2x128x16xbf16, #tpu.memory_space<vmem>> -> memref<1x128x16xbf16, #tpu.memory_space<vmem>>
        %dma_wait3A_71 = tpu.memref_squeeze %dma_wait3A_70 : memref<1x128x16xbf16, #tpu.memory_space<vmem>> -> memref<128x16xbf16, #tpu.memory_space<vmem>>
        %dma_wait3A_72 = arith.constant 0 : i32
        %dma_wait3A_73 = tpu.memref_slice %arg10[%add3A_67, %dma_wait3A_72] : memref<400x128xi32, #tpu.memory_space<vmem>> -> memref<1x128xi32, #tpu.memory_space<vmem>>
        %dma_wait3A_74 = tpu.memref_squeeze %dma_wait3A_73 : memref<1x128xi32, #tpu.memory_space<vmem>> -> memref<128xi32, #tpu.memory_space<vmem>>
        %dma_wait3A_75 = arith.constant 0 : i32
        %dma_wait3A_76 = arith.constant 0 : i32
        %dma_wait3A_77 = tpu.memref_slice %arg4[%dma_wait3A_75, %dma_wait3A_76] : memref<51200x16xbf16, #tpu.memory_space<hbm>> -> memref<51200x16xbf16, #tpu.memory_space<hbm>>
        tpu.wait_indirect_dma semaphore(%arg13 : memref<!tpu.dma_semaphore, #tpu.memory_space<semaphore_mem>>) src(%dma_wait3A_77 : memref<51200x16xbf16, #tpu.memory_space<hbm>>) dst(%dma_wait3A_71 : memref<128x16xbf16, #tpu.memory_space<vmem>>)
        %add3A_78 = arith.constant 1 : i32
        %add3A_79 = arith.addi %add3A_67, %add3A_78 : i32
        %lt3A = arith.constant 400 : i32
        %lt3A_80 = arith.cmpi slt, %add3A_79, %lt3A : i32
        %convert_element_type3A_81 = arith.extui %lt3A_80 : i1 to i32
        %cond3A_82 = arith.constant 0 : i32
        %cond3A_83 = arith.cmpi ne, %convert_element_type3A_81, %cond3A_82 : i32
        scf.if %cond3A_83 {
          %dma_start3A_105 = arith.constant 1 : i32
          %dma_start3A_106 = arith.constant 0 : i32
          %dma_start3A_107 = arith.constant 0 : i32
          %dma_start3A_108 = tpu.memref_slice %arg12[%dma_start3A_105, %dma_start3A_106, %dma_start3A_107] : memref<2x128x16xbf16, #tpu.memory_space<vmem>> -> memref<1x128x16xbf16, #tpu.memory_space<vmem>>
          %dma_start3A_109 = tpu.memref_squeeze %dma_start3A_108 : memref<1x128x16xbf16, #tpu.memory_space<vmem>> -> memref<128x16xbf16, #tpu.memory_space<vmem>>
          %dma_start3A_110 = arith.constant 0 : i32
          %dma_start3A_111 = tpu.memref_slice %arg10[%add3A_79, %dma_start3A_110] : memref<400x128xi32, #tpu.memory_space<vmem>> -> memref<1x128xi32, #tpu.memory_space<vmem>>
          %dma_start3A_112 = tpu.memref_squeeze %dma_start3A_111 : memref<1x128xi32, #tpu.memory_space<vmem>> -> memref<128xi32, #tpu.memory_space<vmem>>
          %dma_start3A_113 = arith.constant 0 : i32
          %dma_start3A_114 = arith.constant 0 : i32
          %dma_start3A_115 = tpu.memref_slice %arg4[%dma_start3A_113, %dma_start3A_114] : memref<51200x16xbf16, #tpu.memory_space<hbm>> -> memref<51200x16xbf16, #tpu.memory_space<hbm>>
          tpu.enqueue_indirect_dma source(%dma_start3A_115 : memref<51200x16xbf16, #tpu.memory_space<hbm>>) target(%dma_start3A_109 : memref<128x16xbf16, #tpu.memory_space<vmem>>) offsets(%dma_start3A_112 : memref<128xi32, #tpu.memory_space<vmem>>) semaphore(%arg13 : memref<!tpu.dma_semaphore, #tpu.memory_space<semaphore_mem>>)
        } else {
        }
        %run_scoped3A = arith.constant 0 : i32
        "tpu.region"() ({
          %run_scoped3A_105 = tpu.sem_alloc : memref<!tpu.dma_semaphore, #tpu.memory_space<semaphore_mem>>
          %dma_start3A_106 = arith.constant 0 : i32
          %dma_start3A_107 = arith.constant 0 : i32
          %dma_start3A_108 = tpu.memref_slice %arg12[%run_scoped3A, %dma_start3A_106, %dma_start3A_107] : memref<2x128x16xbf16, #tpu.memory_space<vmem>> -> memref<1x128x16xbf16, #tpu.memory_space<vmem>>
          %dma_start3A_109 = tpu.memref_squeeze %dma_start3A_108 : memref<1x128x16xbf16, #tpu.memory_space<vmem>> -> memref<128x16xbf16, #tpu.memory_space<vmem>>
          %dma_start3A_110 = arith.constant 0 : i32
          %dma_start3A_111 = tpu.memref_slice %arg11[%add3A_67, %dma_start3A_110] : memref<400x128xi32, #tpu.memory_space<vmem>> -> memref<1x128xi32, #tpu.memory_space<vmem>>
          %dma_start3A_112 = tpu.memref_squeeze %dma_start3A_111 : memref<1x128xi32, #tpu.memory_space<vmem>> -> memref<128xi32, #tpu.memory_space<vmem>>
          %dma_start3A_113 = arith.constant 0 : i32
          %dma_start3A_114 = arith.constant 0 : i32
          %dma_start3A_115 = tpu.memref_slice %arg14[%dma_start3A_113, %dma_start3A_114] : memref<51200x16xbf16, #tpu.memory_space<vmem_shared>> -> memref<51200x16xbf16, #tpu.memory_space<vmem_shared>>
          tpu.enqueue_indirect_dma source(%dma_start3A_109 : memref<128x16xbf16, #tpu.memory_space<vmem>>) target(%dma_start3A_115 : memref<51200x16xbf16, #tpu.memory_space<vmem_shared>>) offsets(%dma_start3A_112 : memref<128xi32, #tpu.memory_space<vmem>>) semaphore(%run_scoped3A_105 : memref<!tpu.dma_semaphore, #tpu.memory_space<semaphore_mem>>) {add = true}
          %dma_wait3A_116 = arith.constant 0 : i32
          %dma_wait3A_117 = arith.constant 0 : i32
          %dma_wait3A_118 = tpu.memref_slice %arg12[%run_scoped3A, %dma_wait3A_116, %dma_wait3A_117] : memref<2x128x16xbf16, #tpu.memory_space<vmem>> -> memref<1x128x16xbf16, #tpu.memory_space<vmem>>
          %dma_wait3A_119 = tpu.memref_squeeze %dma_wait3A_118 : memref<1x128x16xbf16, #tpu.memory_space<vmem>> -> memref<128x16xbf16, #tpu.memory_space<vmem>>
          %dma_wait3A_120 = arith.constant 0 : i32
          %dma_wait3A_121 = tpu.memref_slice %arg11[%add3A_67, %dma_wait3A_120] : memref<400x128xi32, #tpu.memory_space<vmem>> -> memref<1x128xi32, #tpu.memory_space<vmem>>
          %dma_wait3A_122 = tpu.memref_squeeze %dma_wait3A_121 : memref<1x128xi32, #tpu.memory_space<vmem>> -> memref<128xi32, #tpu.memory_space<vmem>>
          %dma_wait3A_123 = arith.constant 0 : i32
          %dma_wait3A_124 = arith.constant 0 : i32
          %dma_wait3A_125 = tpu.memref_slice %arg14[%dma_wait3A_123, %dma_wait3A_124] : memref<51200x16xbf16, #tpu.memory_space<vmem_shared>> -> memref<51200x16xbf16, #tpu.memory_space<vmem_shared>>
          tpu.wait_indirect_dma semaphore(%run_scoped3A_105 : memref<!tpu.dma_semaphore, #tpu.memory_space<semaphore_mem>>) src(%dma_wait3A_119 : memref<128x16xbf16, #tpu.memory_space<vmem>>) dst(%dma_wait3A_125 : memref<51200x16xbf16, #tpu.memory_space<vmem_shared>>)
          tpu.yield
        }) : () -> ()
        %add3A_84 = arith.constant 1 : i32
        %add3A_85 = arith.addi %add3A_65, %add3A_84 : i32
        %dma_wait3A_86 = arith.constant 1 : i32
        %dma_wait3A_87 = arith.constant 0 : i32
        %dma_wait3A_88 = arith.constant 0 : i32
        %dma_wait3A_89 = tpu.memref_slice %arg12[%dma_wait3A_86, %dma_wait3A_87, %dma_wait3A_88] : memref<2x128x16xbf16, #tpu.memory_space<vmem>> -> memref<1x128x16xbf16, #tpu.memory_space<vmem>>
        %dma_wait3A_90 = tpu.memref_squeeze %dma_wait3A_89 : memref<1x128x16xbf16, #tpu.memory_space<vmem>> -> memref<128x16xbf16, #tpu.memory_space<vmem>>
        %dma_wait3A_91 = arith.constant 0 : i32
        %dma_wait3A_92 = tpu.memref_slice %arg10[%add3A_85, %dma_wait3A_91] : memref<400x128xi32, #tpu.memory_space<vmem>> -> memref<1x128xi32, #tpu.memory_space<vmem>>
        %dma_wait3A_93 = tpu.memref_squeeze %dma_wait3A_92 : memref<1x128xi32, #tpu.memory_space<vmem>> -> memref<128xi32, #tpu.memory_space<vmem>>
        %dma_wait3A_94 = arith.constant 0 : i32
        %dma_wait3A_95 = arith.constant 0 : i32
        %dma_wait3A_96 = tpu.memref_slice %arg4[%dma_wait3A_94, %dma_wait3A_95] : memref<51200x16xbf16, #tpu.memory_space<hbm>> -> memref<51200x16xbf16, #tpu.memory_space<hbm>>
        tpu.wait_indirect_dma semaphore(%arg13 : memref<!tpu.dma_semaphore, #tpu.memory_space<semaphore_mem>>) src(%dma_wait3A_96 : memref<51200x16xbf16, #tpu.memory_space<hbm>>) dst(%dma_wait3A_90 : memref<128x16xbf16, #tpu.memory_space<vmem>>)
        %add3A_97 = arith.constant 1 : i32
        %add3A_98 = arith.addi %add3A_85, %add3A_97 : i32
        %lt3A_99 = arith.constant 400 : i32
        %lt3A_100 = arith.cmpi slt, %add3A_98, %lt3A_99 : i32
        %convert_element_type3A_101 = arith.extui %lt3A_100 : i1 to i32
        %cond3A_102 = arith.constant 0 : i32
        %cond3A_103 = arith.cmpi ne, %convert_element_type3A_101, %cond3A_102 : i32
        scf.if %cond3A_103 {
          %dma_start3A_105 = arith.constant 0 : i32
          %dma_start3A_106 = arith.constant 0 : i32
          %dma_start3A_107 = arith.constant 0 : i32
          %dma_start3A_108 = tpu.memref_slice %arg12[%dma_start3A_105, %dma_start3A_106, %dma_start3A_107] : memref<2x128x16xbf16, #tpu.memory_space<vmem>> -> memref<1x128x16xbf16, #tpu.memory_space<vmem>>
          %dma_start3A_109 = tpu.memref_squeeze %dma_start3A_108 : memref<1x128x16xbf16, #tpu.memory_space<vmem>> -> memref<128x16xbf16, #tpu.memory_space<vmem>>
          %dma_start3A_110 = arith.constant 0 : i32
          %dma_start3A_111 = tpu.memref_slice %arg10[%add3A_98, %dma_start3A_110] : memref<400x128xi32, #tpu.memory_space<vmem>> -> memref<1x128xi32, #tpu.memory_space<vmem>>
          %dma_start3A_112 = tpu.memref_squeeze %dma_start3A_111 : memref<1x128xi32, #tpu.memory_space<vmem>> -> memref<128xi32, #tpu.memory_space<vmem>>
          %dma_start3A_113 = arith.constant 0 : i32
          %dma_start3A_114 = arith.constant 0 : i32
          %dma_start3A_115 = tpu.memref_slice %arg4[%dma_start3A_113, %dma_start3A_114] : memref<51200x16xbf16, #tpu.memory_space<hbm>> -> memref<51200x16xbf16, #tpu.memory_space<hbm>>
          tpu.enqueue_indirect_dma source(%dma_start3A_115 : memref<51200x16xbf16, #tpu.memory_space<hbm>>) target(%dma_start3A_109 : memref<128x16xbf16, #tpu.memory_space<vmem>>) offsets(%dma_start3A_112 : memref<128xi32, #tpu.memory_space<vmem>>) semaphore(%arg13 : memref<!tpu.dma_semaphore, #tpu.memory_space<semaphore_mem>>)
        } else {
        }
        %run_scoped3A_104 = arith.constant 1 : i32
        "tpu.region"() ({
          %run_scoped3A_105 = tpu.sem_alloc : memref<!tpu.dma_semaphore, #tpu.memory_space<semaphore_mem>>
          %dma_start3A_106 = arith.constant 0 : i32
          %dma_start3A_107 = arith.constant 0 : i32
          %dma_start3A_108 = tpu.memref_slice %arg12[%run_scoped3A_104, %dma_start3A_106, %dma_start3A_107] : memref<2x128x16xbf16, #tpu.memory_space<vmem>> -> memref<1x128x16xbf16, #tpu.memory_space<vmem>>
          %dma_start3A_109 = tpu.memref_squeeze %dma_start3A_108 : memref<1x128x16xbf16, #tpu.memory_space<vmem>> -> memref<128x16xbf16, #tpu.memory_space<vmem>>
          %dma_start3A_110 = arith.constant 0 : i32
          %dma_start3A_111 = tpu.memref_slice %arg11[%add3A_85, %dma_start3A_110] : memref<400x128xi32, #tpu.memory_space<vmem>> -> memref<1x128xi32, #tpu.memory_space<vmem>>
          %dma_start3A_112 = tpu.memref_squeeze %dma_start3A_111 : memref<1x128xi32, #tpu.memory_space<vmem>> -> memref<128xi32, #tpu.memory_space<vmem>>
          %dma_start3A_113 = arith.constant 0 : i32
          %dma_start3A_114 = arith.constant 0 : i32
          %dma_start3A_115 = tpu.memref_slice %arg14[%dma_start3A_113, %dma_start3A_114] : memref<51200x16xbf16, #tpu.memory_space<vmem_shared>> -> memref<51200x16xbf16, #tpu.memory_space<vmem_shared>>
          tpu.enqueue_indirect_dma source(%dma_start3A_109 : memref<128x16xbf16, #tpu.memory_space<vmem>>) target(%dma_start3A_115 : memref<51200x16xbf16, #tpu.memory_space<vmem_shared>>) offsets(%dma_start3A_112 : memref<128xi32, #tpu.memory_space<vmem>>) semaphore(%run_scoped3A_105 : memref<!tpu.dma_semaphore, #tpu.memory_space<semaphore_mem>>) {add = true}
          %dma_wait3A_116 = arith.constant 0 : i32
          %dma_wait3A_117 = arith.constant 0 : i32
          %dma_wait3A_118 = tpu.memref_slice %arg12[%run_scoped3A_104, %dma_wait3A_116, %dma_wait3A_117] : memref<2x128x16xbf16, #tpu.memory_space<vmem>> -> memref<1x128x16xbf16, #tpu.memory_space<vmem>>
          %dma_wait3A_119 = tpu.memref_squeeze %dma_wait3A_118 : memref<1x128x16xbf16, #tpu.memory_space<vmem>> -> memref<128x16xbf16, #tpu.memory_space<vmem>>
          %dma_wait3A_120 = arith.constant 0 : i32
          %dma_wait3A_121 = tpu.memref_slice %arg11[%add3A_85, %dma_wait3A_120] : memref<400x128xi32, #tpu.memory_space<vmem>> -> memref<1x128xi32, #tpu.memory_space<vmem>>
          %dma_wait3A_122 = tpu.memref_squeeze %dma_wait3A_121 : memref<1x128xi32, #tpu.memory_space<vmem>> -> memref<128xi32, #tpu.memory_space<vmem>>
          %dma_wait3A_123 = arith.constant 0 : i32
          %dma_wait3A_124 = arith.constant 0 : i32
          %dma_wait3A_125 = tpu.memref_slice %arg14[%dma_wait3A_123, %dma_wait3A_124] : memref<51200x16xbf16, #tpu.memory_space<vmem_shared>> -> memref<51200x16xbf16, #tpu.memory_space<vmem_shared>>
          tpu.wait_indirect_dma semaphore(%run_scoped3A_105 : memref<!tpu.dma_semaphore, #tpu.memory_space<semaphore_mem>>) src(%dma_wait3A_119 : memref<128x16xbf16, #tpu.memory_space<vmem>>) dst(%dma_wait3A_125 : memref<51200x16xbf16, #tpu.memory_space<vmem_shared>>)
          tpu.yield
        }) : () -> ()
      }
      %scan3A_60 = arith.constant 200 : i32
    } else {
    }
    %barrier3A_14 = arith.constant 0 : index
    tpu.barrier barrier_id(%barrier3A_14)
    %mul3A_15 = arith.constant 3200 : i32
    %mul3A_16 = arith.muli %arg1, %mul3A_15 : i32
    %mul3A_17 = arith.constant 2 : i32
    %mul3A_18 = arith.muli %mul3A_17, %arg0 : i32
    %add3A = arith.constant 0 : i32
    %add3A_19 = arith.addi %mul3A_18, %add3A : i32
    %mul3A_20 = arith.constant 3200 : i32
    %mul3A_21 = arith.muli %arg1, %mul3A_20 : i32
    "tpu.region"() ({
      %run_scoped3A = tpu.sem_alloc : memref<!tpu.dma_semaphore, #tpu.memory_space<semaphore_mem>>
      %dma_start3A = arith.constant 0 : i32
      %dma_start3A_46 = tpu.memref_slice %arg9[%add3A_19, %mul3A_21, %dma_start3A] : memref<4x51200x16xbf16, #tpu.memory_space<hbm>> -> memref<1x3200x16xbf16, #tpu.memory_space<hbm>>
      %dma_start3A_47 = tpu.memref_squeeze %dma_start3A_46 : memref<1x3200x16xbf16, #tpu.memory_space<hbm>> -> memref<3200x16xbf16, #tpu.memory_space<hbm>>
      %dma_start3A_48 = arith.constant 0 : i32
      %dma_start3A_49 = tpu.memref_slice %arg14[%mul3A_16, %dma_start3A_48] : memref<51200x16xbf16, #tpu.memory_space<vmem_shared>> -> memref<3200x16xbf16, #tpu.memory_space<vmem_shared>>
      tpu.enqueue_dma source(%dma_start3A_49 : memref<3200x16xbf16, #tpu.memory_space<vmem_shared>>) target(%dma_start3A_47 : memref<3200x16xbf16, #tpu.memory_space<hbm>>) target_semaphore(%run_scoped3A : memref<!tpu.dma_semaphore, #tpu.memory_space<semaphore_mem>>)
      %dma_wait3A = arith.constant 0 : i32
      %dma_wait3A_50 = tpu.memref_slice %arg9[%add3A_19, %mul3A_21, %dma_wait3A] : memref<4x51200x16xbf16, #tpu.memory_space<hbm>> -> memref<1x3200x16xbf16, #tpu.memory_space<hbm>>
      %dma_wait3A_51 = tpu.memref_squeeze %dma_wait3A_50 : memref<1x3200x16xbf16, #tpu.memory_space<hbm>> -> memref<3200x16xbf16, #tpu.memory_space<hbm>>
      %dma_wait3A_52 = arith.constant 0 : i32
      %dma_wait3A_53 = tpu.memref_slice %arg14[%mul3A_16, %dma_wait3A_52] : memref<51200x16xbf16, #tpu.memory_space<vmem_shared>> -> memref<3200x16xbf16, #tpu.memory_space<vmem_shared>>
      tpu.wait_dma2 semaphore(%run_scoped3A : memref<!tpu.dma_semaphore, #tpu.memory_space<semaphore_mem>>) src(%dma_wait3A_53 : memref<3200x16xbf16, #tpu.memory_space<vmem_shared>>) dst(%dma_wait3A_51 : memref<3200x16xbf16, #tpu.memory_space<hbm>>)
      tpu.yield
    }) : () -> ()
    %mul3A_22 = arith.constant 3200 : i32
    %mul3A_23 = arith.muli %arg1, %mul3A_22 : i32
    %mul3A_24 = arith.constant 3200 : i32
    %mul3A_25 = arith.muli %arg1, %mul3A_24 : i32
    "tpu.region"() ({
      %run_scoped3A = tpu.sem_alloc : memref<!tpu.dma_semaphore, #tpu.memory_space<semaphore_mem>>
      %dma_start3A = arith.constant 0 : i32
      %dma_start3A_46 = tpu.memref_slice %arg14[%mul3A_25, %dma_start3A] : memref<51200x16xbf16, #tpu.memory_space<vmem_shared>> -> memref<3200x16xbf16, #tpu.memory_space<vmem_shared>>
      %dma_start3A_47 = arith.constant 0 : i32
      %dma_start3A_48 = tpu.memref_slice %arg8[%mul3A_23, %dma_start3A_47] : memref<51200x16xbf16, #tpu.memory_space<hbm>> -> memref<3200x16xbf16, #tpu.memory_space<hbm>>
      tpu.enqueue_dma source(%dma_start3A_48 : memref<3200x16xbf16, #tpu.memory_space<hbm>>) target(%dma_start3A_46 : memref<3200x16xbf16, #tpu.memory_space<vmem_shared>>) target_semaphore(%run_scoped3A : memref<!tpu.dma_semaphore, #tpu.memory_space<semaphore_mem>>)
      %dma_wait3A = arith.constant 0 : i32
      %dma_wait3A_49 = tpu.memref_slice %arg14[%mul3A_25, %dma_wait3A] : memref<51200x16xbf16, #tpu.memory_space<vmem_shared>> -> memref<3200x16xbf16, #tpu.memory_space<vmem_shared>>
      %dma_wait3A_50 = arith.constant 0 : i32
      %dma_wait3A_51 = tpu.memref_slice %arg8[%mul3A_23, %dma_wait3A_50] : memref<51200x16xbf16, #tpu.memory_space<hbm>> -> memref<3200x16xbf16, #tpu.memory_space<hbm>>
      tpu.wait_dma2 semaphore(%run_scoped3A : memref<!tpu.dma_semaphore, #tpu.memory_space<semaphore_mem>>) src(%dma_wait3A_51 : memref<3200x16xbf16, #tpu.memory_space<hbm>>) dst(%dma_wait3A_49 : memref<3200x16xbf16, #tpu.memory_space<vmem_shared>>)
      tpu.yield
    }) : () -> ()
    %barrier3A_26 = arith.constant 0 : index
    tpu.barrier barrier_id(%barrier3A_26)
    %eq3A_27 = arith.constant 0 : i32
    %eq3A_28 = arith.cmpi eq, %arg0, %eq3A_27 : i32
    %convert_element_type3A_29 = arith.extui %eq3A_28 : i1 to i32
    %cond3A_30 = arith.constant 0 : i32
    %cond3A_31 = arith.cmpi ne, %convert_element_type3A_29, %cond3A_30 : i32
    scf.if %cond3A_31 {
      %dma_start3A = arith.constant 0 : i32
      %dma_start3A_46 = arith.constant 0 : i32
      %dma_start3A_47 = arith.constant 0 : i32
      %dma_start3A_48 = arith.constant 0 : i32
      %dma_start3A_49 = tpu.memref_slice %arg12[%dma_start3A_46, %dma_start3A_47, %dma_start3A_48] : memref<2x128x16xbf16, #tpu.memory_space<vmem>> -> memref<1x128x16xbf16, #tpu.memory_space<vmem>>
      %dma_start3A_50 = tpu.memref_squeeze %dma_start3A_49 : memref<1x128x16xbf16, #tpu.memory_space<vmem>> -> memref<128x16xbf16, #tpu.memory_space<vmem>>
      %dma_start3A_51 = arith.constant 0 : i32
      %dma_start3A_52 = tpu.memref_slice %arg10[%dma_start3A, %dma_start3A_51] : memref<400x128xi32, #tpu.memory_space<vmem>> -> memref<1x128xi32, #tpu.memory_space<vmem>>
      %dma_start3A_53 = tpu.memref_squeeze %dma_start3A_52 : memref<1x128xi32, #tpu.memory_space<vmem>> -> memref<128xi32, #tpu.memory_space<vmem>>
      %dma_start3A_54 = arith.constant 0 : i32
      %dma_start3A_55 = arith.constant 0 : i32
      %dma_start3A_56 = tpu.memref_slice %arg3[%dma_start3A_54, %dma_start3A_55] : memref<51200x16xbf16, #tpu.memory_space<hbm>> -> memref<51200x16xbf16, #tpu.memory_space<hbm>>
      tpu.enqueue_indirect_dma source(%dma_start3A_56 : memref<51200x16xbf16, #tpu.memory_space<hbm>>) target(%dma_start3A_50 : memref<128x16xbf16, #tpu.memory_space<vmem>>) offsets(%dma_start3A_53 : memref<128xi32, #tpu.memory_space<vmem>>) semaphore(%arg13 : memref<!tpu.dma_semaphore, #tpu.memory_space<semaphore_mem>>)
      %scan3A = arith.constant 0 : i32
      %scan3A_57 = arith.constant 200 : i32
      %scan3A_58 = arith.addi %scan3A, %scan3A_57 : i32
      %scan3A_59 = arith.constant 1 : i32
      scf.for %scan3A_61 = %scan3A to %scan3A_58 step %scan3A_59  : i32 {
        %mul3A_62 = arith.constant 2 : i32
        %mul3A_63 = arith.muli %scan3A_61, %mul3A_62 : i32
        %add3A_64 = arith.constant 0 : i32
        %add3A_65 = arith.addi %add3A_64, %mul3A_63 : i32
        %add3A_66 = arith.constant 0 : i32
        %add3A_67 = arith.addi %add3A_65, %add3A_66 : i32
        %dma_wait3A = arith.constant 0 : i32
        %dma_wait3A_68 = arith.constant 0 : i32
        %dma_wait3A_69 = arith.constant 0 : i32
        %dma_wait3A_70 = tpu.memref_slice %arg12[%dma_wait3A, %dma_wait3A_68, %dma_wait3A_69] : memref<2x128x16xbf16, #tpu.memory_space<vmem>> -> memref<1x128x16xbf16, #tpu.memory_space<vmem>>
        %dma_wait3A_71 = tpu.memref_squeeze %dma_wait3A_70 : memref<1x128x16xbf16, #tpu.memory_space<vmem>> -> memref<128x16xbf16, #tpu.memory_space<vmem>>
        %dma_wait3A_72 = arith.constant 0 : i32
        %dma_wait3A_73 = tpu.memref_slice %arg10[%add3A_67, %dma_wait3A_72] : memref<400x128xi32, #tpu.memory_space<vmem>> -> memref<1x128xi32, #tpu.memory_space<vmem>>
        %dma_wait3A_74 = tpu.memref_squeeze %dma_wait3A_73 : memref<1x128xi32, #tpu.memory_space<vmem>> -> memref<128xi32, #tpu.memory_space<vmem>>
        %dma_wait3A_75 = arith.constant 0 : i32
        %dma_wait3A_76 = arith.constant 0 : i32
        %dma_wait3A_77 = tpu.memref_slice %arg3[%dma_wait3A_75, %dma_wait3A_76] : memref<51200x16xbf16, #tpu.memory_space<hbm>> -> memref<51200x16xbf16, #tpu.memory_space<hbm>>
        tpu.wait_indirect_dma semaphore(%arg13 : memref<!tpu.dma_semaphore, #tpu.memory_space<semaphore_mem>>) src(%dma_wait3A_77 : memref<51200x16xbf16, #tpu.memory_space<hbm>>) dst(%dma_wait3A_71 : memref<128x16xbf16, #tpu.memory_space<vmem>>)
        %add3A_78 = arith.constant 1 : i32
        %add3A_79 = arith.addi %add3A_67, %add3A_78 : i32
        %lt3A = arith.constant 400 : i32
        %lt3A_80 = arith.cmpi slt, %add3A_79, %lt3A : i32
        %convert_element_type3A_81 = arith.extui %lt3A_80 : i1 to i32
        %cond3A_82 = arith.constant 0 : i32
        %cond3A_83 = arith.cmpi ne, %convert_element_type3A_81, %cond3A_82 : i32
        scf.if %cond3A_83 {
          %dma_start3A_105 = arith.constant 1 : i32
          %dma_start3A_106 = arith.constant 0 : i32
          %dma_start3A_107 = arith.constant 0 : i32
          %dma_start3A_108 = tpu.memref_slice %arg12[%dma_start3A_105, %dma_start3A_106, %dma_start3A_107] : memref<2x128x16xbf16, #tpu.memory_space<vmem>> -> memref<1x128x16xbf16, #tpu.memory_space<vmem>>
          %dma_start3A_109 = tpu.memref_squeeze %dma_start3A_108 : memref<1x128x16xbf16, #tpu.memory_space<vmem>> -> memref<128x16xbf16, #tpu.memory_space<vmem>>
          %dma_start3A_110 = arith.constant 0 : i32
          %dma_start3A_111 = tpu.memref_slice %arg10[%add3A_79, %dma_start3A_110] : memref<400x128xi32, #tpu.memory_space<vmem>> -> memref<1x128xi32, #tpu.memory_space<vmem>>
          %dma_start3A_112 = tpu.memref_squeeze %dma_start3A_111 : memref<1x128xi32, #tpu.memory_space<vmem>> -> memref<128xi32, #tpu.memory_space<vmem>>
          %dma_start3A_113 = arith.constant 0 : i32
          %dma_start3A_114 = arith.constant 0 : i32
          %dma_start3A_115 = tpu.memref_slice %arg3[%dma_start3A_113, %dma_start3A_114] : memref<51200x16xbf16, #tpu.memory_space<hbm>> -> memref<51200x16xbf16, #tpu.memory_space<hbm>>
          tpu.enqueue_indirect_dma source(%dma_start3A_115 : memref<51200x16xbf16, #tpu.memory_space<hbm>>) target(%dma_start3A_109 : memref<128x16xbf16, #tpu.memory_space<vmem>>) offsets(%dma_start3A_112 : memref<128xi32, #tpu.memory_space<vmem>>) semaphore(%arg13 : memref<!tpu.dma_semaphore, #tpu.memory_space<semaphore_mem>>)
        } else {
        }
        %run_scoped3A = arith.constant 0 : i32
        "tpu.region"() ({
          %run_scoped3A_105 = tpu.sem_alloc : memref<!tpu.dma_semaphore, #tpu.memory_space<semaphore_mem>>
          %dma_start3A_106 = arith.constant 0 : i32
          %dma_start3A_107 = arith.constant 0 : i32
          %dma_start3A_108 = tpu.memref_slice %arg12[%run_scoped3A, %dma_start3A_106, %dma_start3A_107] : memref<2x128x16xbf16, #tpu.memory_space<vmem>> -> memref<1x128x16xbf16, #tpu.memory_space<vmem>>
          %dma_start3A_109 = tpu.memref_squeeze %dma_start3A_108 : memref<1x128x16xbf16, #tpu.memory_space<vmem>> -> memref<128x16xbf16, #tpu.memory_space<vmem>>
          %dma_start3A_110 = arith.constant 0 : i32
          %dma_start3A_111 = tpu.memref_slice %arg11[%add3A_67, %dma_start3A_110] : memref<400x128xi32, #tpu.memory_space<vmem>> -> memref<1x128xi32, #tpu.memory_space<vmem>>
          %dma_start3A_112 = tpu.memref_squeeze %dma_start3A_111 : memref<1x128xi32, #tpu.memory_space<vmem>> -> memref<128xi32, #tpu.memory_space<vmem>>
          %dma_start3A_113 = arith.constant 0 : i32
          %dma_start3A_114 = arith.constant 0 : i32
          %dma_start3A_115 = tpu.memref_slice %arg14[%dma_start3A_113, %dma_start3A_114] : memref<51200x16xbf16, #tpu.memory_space<vmem_shared>> -> memref<51200x16xbf16, #tpu.memory_space<vmem_shared>>
          tpu.enqueue_indirect_dma source(%dma_start3A_109 : memref<128x16xbf16, #tpu.memory_space<vmem>>) target(%dma_start3A_115 : memref<51200x16xbf16, #tpu.memory_space<vmem_shared>>) offsets(%dma_start3A_112 : memref<128xi32, #tpu.memory_space<vmem>>) semaphore(%run_scoped3A_105 : memref<!tpu.dma_semaphore, #tpu.memory_space<semaphore_mem>>) {add = true}
          %dma_wait3A_116 = arith.constant 0 : i32
          %dma_wait3A_117 = arith.constant 0 : i32
          %dma_wait3A_118 = tpu.memref_slice %arg12[%run_scoped3A, %dma_wait3A_116, %dma_wait3A_117] : memref<2x128x16xbf16, #tpu.memory_space<vmem>> -> memref<1x128x16xbf16, #tpu.memory_space<vmem>>
          %dma_wait3A_119 = tpu.memref_squeeze %dma_wait3A_118 : memref<1x128x16xbf16, #tpu.memory_space<vmem>> -> memref<128x16xbf16, #tpu.memory_space<vmem>>
          %dma_wait3A_120 = arith.constant 0 : i32
          %dma_wait3A_121 = tpu.memref_slice %arg11[%add3A_67, %dma_wait3A_120] : memref<400x128xi32, #tpu.memory_space<vmem>> -> memref<1x128xi32, #tpu.memory_space<vmem>>
          %dma_wait3A_122 = tpu.memref_squeeze %dma_wait3A_121 : memref<1x128xi32, #tpu.memory_space<vmem>> -> memref<128xi32, #tpu.memory_space<vmem>>
          %dma_wait3A_123 = arith.constant 0 : i32
          %dma_wait3A_124 = arith.constant 0 : i32
          %dma_wait3A_125 = tpu.memref_slice %arg14[%dma_wait3A_123, %dma_wait3A_124] : memref<51200x16xbf16, #tpu.memory_space<vmem_shared>> -> memref<51200x16xbf16, #tpu.memory_space<vmem_shared>>
          tpu.wait_indirect_dma semaphore(%run_scoped3A_105 : memref<!tpu.dma_semaphore, #tpu.memory_space<semaphore_mem>>) src(%dma_wait3A_119 : memref<128x16xbf16, #tpu.memory_space<vmem>>) dst(%dma_wait3A_125 : memref<51200x16xbf16, #tpu.memory_space<vmem_shared>>)
          tpu.yield
        }) : () -> ()
        %add3A_84 = arith.constant 1 : i32
        %add3A_85 = arith.addi %add3A_65, %add3A_84 : i32
        %dma_wait3A_86 = arith.constant 1 : i32
        %dma_wait3A_87 = arith.constant 0 : i32
        %dma_wait3A_88 = arith.constant 0 : i32
        %dma_wait3A_89 = tpu.memref_slice %arg12[%dma_wait3A_86, %dma_wait3A_87, %dma_wait3A_88] : memref<2x128x16xbf16, #tpu.memory_space<vmem>> -> memref<1x128x16xbf16, #tpu.memory_space<vmem>>
        %dma_wait3A_90 = tpu.memref_squeeze %dma_wait3A_89 : memref<1x128x16xbf16, #tpu.memory_space<vmem>> -> memref<128x16xbf16, #tpu.memory_space<vmem>>
        %dma_wait3A_91 = arith.constant 0 : i32
        %dma_wait3A_92 = tpu.memref_slice %arg10[%add3A_85, %dma_wait3A_91] : memref<400x128xi32, #tpu.memory_space<vmem>> -> memref<1x128xi32, #tpu.memory_space<vmem>>
        %dma_wait3A_93 = tpu.memref_squeeze %dma_wait3A_92 : memref<1x128xi32, #tpu.memory_space<vmem>> -> memref<128xi32, #tpu.memory_space<vmem>>
        %dma_wait3A_94 = arith.constant 0 : i32
        %dma_wait3A_95 = arith.constant 0 : i32
        %dma_wait3A_96 = tpu.memref_slice %arg3[%dma_wait3A_94, %dma_wait3A_95] : memref<51200x16xbf16, #tpu.memory_space<hbm>> -> memref<51200x16xbf16, #tpu.memory_space<hbm>>
        tpu.wait_indirect_dma semaphore(%arg13 : memref<!tpu.dma_semaphore, #tpu.memory_space<semaphore_mem>>) src(%dma_wait3A_96 : memref<51200x16xbf16, #tpu.memory_space<hbm>>) dst(%dma_wait3A_90 : memref<128x16xbf16, #tpu.memory_space<vmem>>)
        %add3A_97 = arith.constant 1 : i32
        %add3A_98 = arith.addi %add3A_85, %add3A_97 : i32
        %lt3A_99 = arith.constant 400 : i32
        %lt3A_100 = arith.cmpi slt, %add3A_98, %lt3A_99 : i32
        %convert_element_type3A_101 = arith.extui %lt3A_100 : i1 to i32
        %cond3A_102 = arith.constant 0 : i32
        %cond3A_103 = arith.cmpi ne, %convert_element_type3A_101, %cond3A_102 : i32
        scf.if %cond3A_103 {
          %dma_start3A_105 = arith.constant 0 : i32
          %dma_start3A_106 = arith.constant 0 : i32
          %dma_start3A_107 = arith.constant 0 : i32
          %dma_start3A_108 = tpu.memref_slice %arg12[%dma_start3A_105, %dma_start3A_106, %dma_start3A_107] : memref<2x128x16xbf16, #tpu.memory_space<vmem>> -> memref<1x128x16xbf16, #tpu.memory_space<vmem>>
          %dma_start3A_109 = tpu.memref_squeeze %dma_start3A_108 : memref<1x128x16xbf16, #tpu.memory_space<vmem>> -> memref<128x16xbf16, #tpu.memory_space<vmem>>
          %dma_start3A_110 = arith.constant 0 : i32
          %dma_start3A_111 = tpu.memref_slice %arg10[%add3A_98, %dma_start3A_110] : memref<400x128xi32, #tpu.memory_space<vmem>> -> memref<1x128xi32, #tpu.memory_space<vmem>>
          %dma_start3A_112 = tpu.memref_squeeze %dma_start3A_111 : memref<1x128xi32, #tpu.memory_space<vmem>> -> memref<128xi32, #tpu.memory_space<vmem>>
          %dma_start3A_113 = arith.constant 0 : i32
          %dma_start3A_114 = arith.constant 0 : i32
          %dma_start3A_115 = tpu.memref_slice %arg3[%dma_start3A_113, %dma_start3A_114] : memref<51200x16xbf16, #tpu.memory_space<hbm>> -> memref<51200x16xbf16, #tpu.memory_space<hbm>>
          tpu.enqueue_indirect_dma source(%dma_start3A_115 : memref<51200x16xbf16, #tpu.memory_space<hbm>>) target(%dma_start3A_109 : memref<128x16xbf16, #tpu.memory_space<vmem>>) offsets(%dma_start3A_112 : memref<128xi32, #tpu.memory_space<vmem>>) semaphore(%arg13 : memref<!tpu.dma_semaphore, #tpu.memory_space<semaphore_mem>>)
        } else {
        }
        %run_scoped3A_104 = arith.constant 1 : i32
        "tpu.region"() ({
          %run_scoped3A_105 = tpu.sem_alloc : memref<!tpu.dma_semaphore, #tpu.memory_space<semaphore_mem>>
          %dma_start3A_106 = arith.constant 0 : i32
          %dma_start3A_107 = arith.constant 0 : i32
          %dma_start3A_108 = tpu.memref_slice %arg12[%run_scoped3A_104, %dma_start3A_106, %dma_start3A_107] : memref<2x128x16xbf16, #tpu.memory_space<vmem>> -> memref<1x128x16xbf16, #tpu.memory_space<vmem>>
          %dma_start3A_109 = tpu.memref_squeeze %dma_start3A_108 : memref<1x128x16xbf16, #tpu.memory_space<vmem>> -> memref<128x16xbf16, #tpu.memory_space<vmem>>
          %dma_start3A_110 = arith.constant 0 : i32
          %dma_start3A_111 = tpu.memref_slice %arg11[%add3A_85, %dma_start3A_110] : memref<400x128xi32, #tpu.memory_space<vmem>> -> memref<1x128xi32, #tpu.memory_space<vmem>>
          %dma_start3A_112 = tpu.memref_squeeze %dma_start3A_111 : memref<1x128xi32, #tpu.memory_space<vmem>> -> memref<128xi32, #tpu.memory_space<vmem>>
          %dma_start3A_113 = arith.constant 0 : i32
          %dma_start3A_114 = arith.constant 0 : i32
          %dma_start3A_115 = tpu.memref_slice %arg14[%dma_start3A_113, %dma_start3A_114] : memref<51200x16xbf16, #tpu.memory_space<vmem_shared>> -> memref<51200x16xbf16, #tpu.memory_space<vmem_shared>>
          tpu.enqueue_indirect_dma source(%dma_start3A_109 : memref<128x16xbf16, #tpu.memory_space<vmem>>) target(%dma_start3A_115 : memref<51200x16xbf16, #tpu.memory_space<vmem_shared>>) offsets(%dma_start3A_112 : memref<128xi32, #tpu.memory_space<vmem>>) semaphore(%run_scoped3A_105 : memref<!tpu.dma_semaphore, #tpu.memory_space<semaphore_mem>>) {add = true}
          %dma_wait3A_116 = arith.constant 0 : i32
          %dma_wait3A_117 = arith.constant 0 : i32
          %dma_wait3A_118 = tpu.memref_slice %arg12[%run_scoped3A_104, %dma_wait3A_116, %dma_wait3A_117] : memref<2x128x16xbf16, #tpu.memory_space<vmem>> -> memref<1x128x16xbf16, #tpu.memory_space<vmem>>
          %dma_wait3A_119 = tpu.memref_squeeze %dma_wait3A_118 : memref<1x128x16xbf16, #tpu.memory_space<vmem>> -> memref<128x16xbf16, #tpu.memory_space<vmem>>
          %dma_wait3A_120 = arith.constant 0 : i32
          %dma_wait3A_121 = tpu.memref_slice %arg11[%add3A_85, %dma_wait3A_120] : memref<400x128xi32, #tpu.memory_space<vmem>> -> memref<1x128xi32, #tpu.memory_space<vmem>>
          %dma_wait3A_122 = tpu.memref_squeeze %dma_wait3A_121 : memref<1x128xi32, #tpu.memory_space<vmem>> -> memref<128xi32, #tpu.memory_space<vmem>>
          %dma_wait3A_123 = arith.constant 0 : i32
          %dma_wait3A_124 = arith.constant 0 : i32
          %dma_wait3A_125 = tpu.memref_slice %arg14[%dma_wait3A_123, %dma_wait3A_124] : memref<51200x16xbf16, #tpu.memory_space<vmem_shared>> -> memref<51200x16xbf16, #tpu.memory_space<vmem_shared>>
          tpu.wait_indirect_dma semaphore(%run_scoped3A_105 : memref<!tpu.dma_semaphore, #tpu.memory_space<semaphore_mem>>) src(%dma_wait3A_119 : memref<128x16xbf16, #tpu.memory_space<vmem>>) dst(%dma_wait3A_125 : memref<51200x16xbf16, #tpu.memory_space<vmem_shared>>)
          tpu.yield
        }) : () -> ()
      }
      %scan3A_60 = arith.constant 200 : i32
    } else {
    }
    %eq3A_32 = arith.constant 1 : i32
    %eq3A_33 = arith.cmpi eq, %arg0, %eq3A_32 : i32
    %convert_element_type3A_34 = arith.extui %eq3A_33 : i1 to i32
    %cond3A_35 = arith.constant 0 : i32
    %cond3A_36 = arith.cmpi ne, %convert_element_type3A_34, %cond3A_35 : i32
    scf.if %cond3A_36 {
      %dma_start3A = arith.constant 0 : i32
      %dma_start3A_46 = arith.constant 0 : i32
      %dma_start3A_47 = arith.constant 0 : i32
      %dma_start3A_48 = arith.constant 0 : i32
      %dma_start3A_49 = tpu.memref_slice %arg12[%dma_start3A_46, %dma_start3A_47, %dma_start3A_48] : memref<2x128x16xbf16, #tpu.memory_space<vmem>> -> memref<1x128x16xbf16, #tpu.memory_space<vmem>>
      %dma_start3A_50 = tpu.memref_squeeze %dma_start3A_49 : memref<1x128x16xbf16, #tpu.memory_space<vmem>> -> memref<128x16xbf16, #tpu.memory_space<vmem>>
      %dma_start3A_51 = arith.constant 0 : i32
      %dma_start3A_52 = tpu.memref_slice %arg10[%dma_start3A, %dma_start3A_51] : memref<400x128xi32, #tpu.memory_space<vmem>> -> memref<1x128xi32, #tpu.memory_space<vmem>>
      %dma_start3A_53 = tpu.memref_squeeze %dma_start3A_52 : memref<1x128xi32, #tpu.memory_space<vmem>> -> memref<128xi32, #tpu.memory_space<vmem>>
      %dma_start3A_54 = arith.constant 0 : i32
      %dma_start3A_55 = arith.constant 0 : i32
      %dma_start3A_56 = tpu.memref_slice %arg5[%dma_start3A_54, %dma_start3A_55] : memref<51200x16xbf16, #tpu.memory_space<hbm>> -> memref<51200x16xbf16, #tpu.memory_space<hbm>>
      tpu.enqueue_indirect_dma source(%dma_start3A_56 : memref<51200x16xbf16, #tpu.memory_space<hbm>>) target(%dma_start3A_50 : memref<128x16xbf16, #tpu.memory_space<vmem>>) offsets(%dma_start3A_53 : memref<128xi32, #tpu.memory_space<vmem>>) semaphore(%arg13 : memref<!tpu.dma_semaphore, #tpu.memory_space<semaphore_mem>>)
      %scan3A = arith.constant 0 : i32
      %scan3A_57 = arith.constant 200 : i32
      %scan3A_58 = arith.addi %scan3A, %scan3A_57 : i32
      %scan3A_59 = arith.constant 1 : i32
      scf.for %scan3A_61 = %scan3A to %scan3A_58 step %scan3A_59  : i32 {
        %mul3A_62 = arith.constant 2 : i32
        %mul3A_63 = arith.muli %scan3A_61, %mul3A_62 : i32
        %add3A_64 = arith.constant 0 : i32
        %add3A_65 = arith.addi %add3A_64, %mul3A_63 : i32
        %add3A_66 = arith.constant 0 : i32
        %add3A_67 = arith.addi %add3A_65, %add3A_66 : i32
        %dma_wait3A = arith.constant 0 : i32
        %dma_wait3A_68 = arith.constant 0 : i32
        %dma_wait3A_69 = arith.constant 0 : i32
        %dma_wait3A_70 = tpu.memref_slice %arg12[%dma_wait3A, %dma_wait3A_68, %dma_wait3A_69] : memref<2x128x16xbf16, #tpu.memory_space<vmem>> -> memref<1x128x16xbf16, #tpu.memory_space<vmem>>
        %dma_wait3A_71 = tpu.memref_squeeze %dma_wait3A_70 : memref<1x128x16xbf16, #tpu.memory_space<vmem>> -> memref<128x16xbf16, #tpu.memory_space<vmem>>
        %dma_wait3A_72 = arith.constant 0 : i32
        %dma_wait3A_73 = tpu.memref_slice %arg10[%add3A_67, %dma_wait3A_72] : memref<400x128xi32, #tpu.memory_space<vmem>> -> memref<1x128xi32, #tpu.memory_space<vmem>>
        %dma_wait3A_74 = tpu.memref_squeeze %dma_wait3A_73 : memref<1x128xi32, #tpu.memory_space<vmem>> -> memref<128xi32, #tpu.memory_space<vmem>>
        %dma_wait3A_75 = arith.constant 0 : i32
        %dma_wait3A_76 = arith.constant 0 : i32
        %dma_wait3A_77 = tpu.memref_slice %arg5[%dma_wait3A_75, %dma_wait3A_76] : memref<51200x16xbf16, #tpu.memory_space<hbm>> -> memref<51200x16xbf16, #tpu.memory_space<hbm>>
        tpu.wait_indirect_dma semaphore(%arg13 : memref<!tpu.dma_semaphore, #tpu.memory_space<semaphore_mem>>) src(%dma_wait3A_77 : memref<51200x16xbf16, #tpu.memory_space<hbm>>) dst(%dma_wait3A_71 : memref<128x16xbf16, #tpu.memory_space<vmem>>)
        %add3A_78 = arith.constant 1 : i32
        %add3A_79 = arith.addi %add3A_67, %add3A_78 : i32
        %lt3A = arith.constant 400 : i32
        %lt3A_80 = arith.cmpi slt, %add3A_79, %lt3A : i32
        %convert_element_type3A_81 = arith.extui %lt3A_80 : i1 to i32
        %cond3A_82 = arith.constant 0 : i32
        %cond3A_83 = arith.cmpi ne, %convert_element_type3A_81, %cond3A_82 : i32
        scf.if %cond3A_83 {
          %dma_start3A_105 = arith.constant 1 : i32
          %dma_start3A_106 = arith.constant 0 : i32
          %dma_start3A_107 = arith.constant 0 : i32
          %dma_start3A_108 = tpu.memref_slice %arg12[%dma_start3A_105, %dma_start3A_106, %dma_start3A_107] : memref<2x128x16xbf16, #tpu.memory_space<vmem>> -> memref<1x128x16xbf16, #tpu.memory_space<vmem>>
          %dma_start3A_109 = tpu.memref_squeeze %dma_start3A_108 : memref<1x128x16xbf16, #tpu.memory_space<vmem>> -> memref<128x16xbf16, #tpu.memory_space<vmem>>
          %dma_start3A_110 = arith.constant 0 : i32
          %dma_start3A_111 = tpu.memref_slice %arg10[%add3A_79, %dma_start3A_110] : memref<400x128xi32, #tpu.memory_space<vmem>> -> memref<1x128xi32, #tpu.memory_space<vmem>>
          %dma_start3A_112 = tpu.memref_squeeze %dma_start3A_111 : memref<1x128xi32, #tpu.memory_space<vmem>> -> memref<128xi32, #tpu.memory_space<vmem>>
          %dma_start3A_113 = arith.constant 0 : i32
          %dma_start3A_114 = arith.constant 0 : i32
          %dma_start3A_115 = tpu.memref_slice %arg5[%dma_start3A_113, %dma_start3A_114] : memref<51200x16xbf16, #tpu.memory_space<hbm>> -> memref<51200x16xbf16, #tpu.memory_space<hbm>>
          tpu.enqueue_indirect_dma source(%dma_start3A_115 : memref<51200x16xbf16, #tpu.memory_space<hbm>>) target(%dma_start3A_109 : memref<128x16xbf16, #tpu.memory_space<vmem>>) offsets(%dma_start3A_112 : memref<128xi32, #tpu.memory_space<vmem>>) semaphore(%arg13 : memref<!tpu.dma_semaphore, #tpu.memory_space<semaphore_mem>>)
        } else {
        }
        %run_scoped3A = arith.constant 0 : i32
        "tpu.region"() ({
          %run_scoped3A_105 = tpu.sem_alloc : memref<!tpu.dma_semaphore, #tpu.memory_space<semaphore_mem>>
          %dma_start3A_106 = arith.constant 0 : i32
          %dma_start3A_107 = arith.constant 0 : i32
          %dma_start3A_108 = tpu.memref_slice %arg12[%run_scoped3A, %dma_start3A_106, %dma_start3A_107] : memref<2x128x16xbf16, #tpu.memory_space<vmem>> -> memref<1x128x16xbf16, #tpu.memory_space<vmem>>
          %dma_start3A_109 = tpu.memref_squeeze %dma_start3A_108 : memref<1x128x16xbf16, #tpu.memory_space<vmem>> -> memref<128x16xbf16, #tpu.memory_space<vmem>>
          %dma_start3A_110 = arith.constant 0 : i32
          %dma_start3A_111 = tpu.memref_slice %arg11[%add3A_67, %dma_start3A_110] : memref<400x128xi32, #tpu.memory_space<vmem>> -> memref<1x128xi32, #tpu.memory_space<vmem>>
          %dma_start3A_112 = tpu.memref_squeeze %dma_start3A_111 : memref<1x128xi32, #tpu.memory_space<vmem>> -> memref<128xi32, #tpu.memory_space<vmem>>
          %dma_start3A_113 = arith.constant 0 : i32
          %dma_start3A_114 = arith.constant 0 : i32
          %dma_start3A_115 = tpu.memref_slice %arg14[%dma_start3A_113, %dma_start3A_114] : memref<51200x16xbf16, #tpu.memory_space<vmem_shared>> -> memref<51200x16xbf16, #tpu.memory_space<vmem_shared>>
          tpu.enqueue_indirect_dma source(%dma_start3A_109 : memref<128x16xbf16, #tpu.memory_space<vmem>>) target(%dma_start3A_115 : memref<51200x16xbf16, #tpu.memory_space<vmem_shared>>) offsets(%dma_start3A_112 : memref<128xi32, #tpu.memory_space<vmem>>) semaphore(%run_scoped3A_105 : memref<!tpu.dma_semaphore, #tpu.memory_space<semaphore_mem>>) {add = true}
          %dma_wait3A_116 = arith.constant 0 : i32
          %dma_wait3A_117 = arith.constant 0 : i32
          %dma_wait3A_118 = tpu.memref_slice %arg12[%run_scoped3A, %dma_wait3A_116, %dma_wait3A_117] : memref<2x128x16xbf16, #tpu.memory_space<vmem>> -> memref<1x128x16xbf16, #tpu.memory_space<vmem>>
          %dma_wait3A_119 = tpu.memref_squeeze %dma_wait3A_118 : memref<1x128x16xbf16, #tpu.memory_space<vmem>> -> memref<128x16xbf16, #tpu.memory_space<vmem>>
          %dma_wait3A_120 = arith.constant 0 : i32
          %dma_wait3A_121 = tpu.memref_slice %arg11[%add3A_67, %dma_wait3A_120] : memref<400x128xi32, #tpu.memory_space<vmem>> -> memref<1x128xi32, #tpu.memory_space<vmem>>
          %dma_wait3A_122 = tpu.memref_squeeze %dma_wait3A_121 : memref<1x128xi32, #tpu.memory_space<vmem>> -> memref<128xi32, #tpu.memory_space<vmem>>
          %dma_wait3A_123 = arith.constant 0 : i32
          %dma_wait3A_124 = arith.constant 0 : i32
          %dma_wait3A_125 = tpu.memref_slice %arg14[%dma_wait3A_123, %dma_wait3A_124] : memref<51200x16xbf16, #tpu.memory_space<vmem_shared>> -> memref<51200x16xbf16, #tpu.memory_space<vmem_shared>>
          tpu.wait_indirect_dma semaphore(%run_scoped3A_105 : memref<!tpu.dma_semaphore, #tpu.memory_space<semaphore_mem>>) src(%dma_wait3A_119 : memref<128x16xbf16, #tpu.memory_space<vmem>>) dst(%dma_wait3A_125 : memref<51200x16xbf16, #tpu.memory_space<vmem_shared>>)
          tpu.yield
        }) : () -> ()
        %add3A_84 = arith.constant 1 : i32
        %add3A_85 = arith.addi %add3A_65, %add3A_84 : i32
        %dma_wait3A_86 = arith.constant 1 : i32
        %dma_wait3A_87 = arith.constant 0 : i32
        %dma_wait3A_88 = arith.constant 0 : i32
        %dma_wait3A_89 = tpu.memref_slice %arg12[%dma_wait3A_86, %dma_wait3A_87, %dma_wait3A_88] : memref<2x128x16xbf16, #tpu.memory_space<vmem>> -> memref<1x128x16xbf16, #tpu.memory_space<vmem>>
        %dma_wait3A_90 = tpu.memref_squeeze %dma_wait3A_89 : memref<1x128x16xbf16, #tpu.memory_space<vmem>> -> memref<128x16xbf16, #tpu.memory_space<vmem>>
        %dma_wait3A_91 = arith.constant 0 : i32
        %dma_wait3A_92 = tpu.memref_slice %arg10[%add3A_85, %dma_wait3A_91] : memref<400x128xi32, #tpu.memory_space<vmem>> -> memref<1x128xi32, #tpu.memory_space<vmem>>
        %dma_wait3A_93 = tpu.memref_squeeze %dma_wait3A_92 : memref<1x128xi32, #tpu.memory_space<vmem>> -> memref<128xi32, #tpu.memory_space<vmem>>
        %dma_wait3A_94 = arith.constant 0 : i32
        %dma_wait3A_95 = arith.constant 0 : i32
        %dma_wait3A_96 = tpu.memref_slice %arg5[%dma_wait3A_94, %dma_wait3A_95] : memref<51200x16xbf16, #tpu.memory_space<hbm>> -> memref<51200x16xbf16, #tpu.memory_space<hbm>>
        tpu.wait_indirect_dma semaphore(%arg13 : memref<!tpu.dma_semaphore, #tpu.memory_space<semaphore_mem>>) src(%dma_wait3A_96 : memref<51200x16xbf16, #tpu.memory_space<hbm>>) dst(%dma_wait3A_90 : memref<128x16xbf16, #tpu.memory_space<vmem>>)
        %add3A_97 = arith.constant 1 : i32
        %add3A_98 = arith.addi %add3A_85, %add3A_97 : i32
        %lt3A_99 = arith.constant 400 : i32
        %lt3A_100 = arith.cmpi slt, %add3A_98, %lt3A_99 : i32
        %convert_element_type3A_101 = arith.extui %lt3A_100 : i1 to i32
        %cond3A_102 = arith.constant 0 : i32
        %cond3A_103 = arith.cmpi ne, %convert_element_type3A_101, %cond3A_102 : i32
        scf.if %cond3A_103 {
          %dma_start3A_105 = arith.constant 0 : i32
          %dma_start3A_106 = arith.constant 0 : i32
          %dma_start3A_107 = arith.constant 0 : i32
          %dma_start3A_108 = tpu.memref_slice %arg12[%dma_start3A_105, %dma_start3A_106, %dma_start3A_107] : memref<2x128x16xbf16, #tpu.memory_space<vmem>> -> memref<1x128x16xbf16, #tpu.memory_space<vmem>>
          %dma_start3A_109 = tpu.memref_squeeze %dma_start3A_108 : memref<1x128x16xbf16, #tpu.memory_space<vmem>> -> memref<128x16xbf16, #tpu.memory_space<vmem>>
          %dma_start3A_110 = arith.constant 0 : i32
          %dma_start3A_111 = tpu.memref_slice %arg10[%add3A_98, %dma_start3A_110] : memref<400x128xi32, #tpu.memory_space<vmem>> -> memref<1x128xi32, #tpu.memory_space<vmem>>
          %dma_start3A_112 = tpu.memref_squeeze %dma_start3A_111 : memref<1x128xi32, #tpu.memory_space<vmem>> -> memref<128xi32, #tpu.memory_space<vmem>>
          %dma_start3A_113 = arith.constant 0 : i32
          %dma_start3A_114 = arith.constant 0 : i32
          %dma_start3A_115 = tpu.memref_slice %arg5[%dma_start3A_113, %dma_start3A_114] : memref<51200x16xbf16, #tpu.memory_space<hbm>> -> memref<51200x16xbf16, #tpu.memory_space<hbm>>
          tpu.enqueue_indirect_dma source(%dma_start3A_115 : memref<51200x16xbf16, #tpu.memory_space<hbm>>) target(%dma_start3A_109 : memref<128x16xbf16, #tpu.memory_space<vmem>>) offsets(%dma_start3A_112 : memref<128xi32, #tpu.memory_space<vmem>>) semaphore(%arg13 : memref<!tpu.dma_semaphore, #tpu.memory_space<semaphore_mem>>)
        } else {
        }
        %run_scoped3A_104 = arith.constant 1 : i32
        "tpu.region"() ({
          %run_scoped3A_105 = tpu.sem_alloc : memref<!tpu.dma_semaphore, #tpu.memory_space<semaphore_mem>>
          %dma_start3A_106 = arith.constant 0 : i32
          %dma_start3A_107 = arith.constant 0 : i32
          %dma_start3A_108 = tpu.memref_slice %arg12[%run_scoped3A_104, %dma_start3A_106, %dma_start3A_107] : memref<2x128x16xbf16, #tpu.memory_space<vmem>> -> memref<1x128x16xbf16, #tpu.memory_space<vmem>>
          %dma_start3A_109 = tpu.memref_squeeze %dma_start3A_108 : memref<1x128x16xbf16, #tpu.memory_space<vmem>> -> memref<128x16xbf16, #tpu.memory_space<vmem>>
          %dma_start3A_110 = arith.constant 0 : i32
          %dma_start3A_111 = tpu.memref_slice %arg11[%add3A_85, %dma_start3A_110] : memref<400x128xi32, #tpu.memory_space<vmem>> -> memref<1x128xi32, #tpu.memory_space<vmem>>
          %dma_start3A_112 = tpu.memref_squeeze %dma_start3A_111 : memref<1x128xi32, #tpu.memory_space<vmem>> -> memref<128xi32, #tpu.memory_space<vmem>>
          %dma_start3A_113 = arith.constant 0 : i32
          %dma_start3A_114 = arith.constant 0 : i32
          %dma_start3A_115 = tpu.memref_slice %arg14[%dma_start3A_113, %dma_start3A_114] : memref<51200x16xbf16, #tpu.memory_space<vmem_shared>> -> memref<51200x16xbf16, #tpu.memory_space<vmem_shared>>
          tpu.enqueue_indirect_dma source(%dma_start3A_109 : memref<128x16xbf16, #tpu.memory_space<vmem>>) target(%dma_start3A_115 : memref<51200x16xbf16, #tpu.memory_space<vmem_shared>>) offsets(%dma_start3A_112 : memref<128xi32, #tpu.memory_space<vmem>>) semaphore(%run_scoped3A_105 : memref<!tpu.dma_semaphore, #tpu.memory_space<semaphore_mem>>) {add = true}
          %dma_wait3A_116 = arith.constant 0 : i32
          %dma_wait3A_117 = arith.constant 0 : i32
          %dma_wait3A_118 = tpu.memref_slice %arg12[%run_scoped3A_104, %dma_wait3A_116, %dma_wait3A_117] : memref<2x128x16xbf16, #tpu.memory_space<vmem>> -> memref<1x128x16xbf16, #tpu.memory_space<vmem>>
          %dma_wait3A_119 = tpu.memref_squeeze %dma_wait3A_118 : memref<1x128x16xbf16, #tpu.memory_space<vmem>> -> memref<128x16xbf16, #tpu.memory_space<vmem>>
          %dma_wait3A_120 = arith.constant 0 : i32
          %dma_wait3A_121 = tpu.memref_slice %arg11[%add3A_85, %dma_wait3A_120] : memref<400x128xi32, #tpu.memory_space<vmem>> -> memref<1x128xi32, #tpu.memory_space<vmem>>
          %dma_wait3A_122 = tpu.memref_squeeze %dma_wait3A_121 : memref<1x128xi32, #tpu.memory_space<vmem>> -> memref<128xi32, #tpu.memory_space<vmem>>
          %dma_wait3A_123 = arith.constant 0 : i32
          %dma_wait3A_124 = arith.constant 0 : i32
          %dma_wait3A_125 = tpu.memref_slice %arg14[%dma_wait3A_123, %dma_wait3A_124] : memref<51200x16xbf16, #tpu.memory_space<vmem_shared>> -> memref<51200x16xbf16, #tpu.memory_space<vmem_shared>>
          tpu.wait_indirect_dma semaphore(%run_scoped3A_105 : memref<!tpu.dma_semaphore, #tpu.memory_space<semaphore_mem>>) src(%dma_wait3A_119 : memref<128x16xbf16, #tpu.memory_space<vmem>>) dst(%dma_wait3A_125 : memref<51200x16xbf16, #tpu.memory_space<vmem_shared>>)
          tpu.yield
        }) : () -> ()
      }
      %scan3A_60 = arith.constant 200 : i32
    } else {
    }
    %barrier3A_37 = arith.constant 0 : index
    tpu.barrier barrier_id(%barrier3A_37)
    %mul3A_38 = arith.constant 3200 : i32
    %mul3A_39 = arith.muli %arg1, %mul3A_38 : i32
    %mul3A_40 = arith.constant 2 : i32
    %mul3A_41 = arith.muli %mul3A_40, %arg0 : i32
    %add3A_42 = arith.constant 1 : i32
    %add3A_43 = arith.addi %mul3A_41, %add3A_42 : i32
    %mul3A_44 = arith.constant 3200 : i32
    %mul3A_45 = arith.muli %arg1, %mul3A_44 : i32
    "tpu.region"() ({
      %run_scoped3A = tpu.sem_alloc : memref<!tpu.dma_semaphore, #tpu.memory_space<semaphore_mem>>
      %dma_start3A = arith.constant 0 : i32
      %dma_start3A_46 = tpu.memref_slice %arg9[%add3A_43, %mul3A_45, %dma_start3A] : memref<4x51200x16xbf16, #tpu.memory_space<hbm>> -> memref<1x3200x16xbf16, #tpu.memory_space<hbm>>
      %dma_start3A_47 = tpu.memref_squeeze %dma_start3A_46 : memref<1x3200x16xbf16, #tpu.memory_space<hbm>> -> memref<3200x16xbf16, #tpu.memory_space<hbm>>
      %dma_start3A_48 = arith.constant 0 : i32
      %dma_start3A_49 = tpu.memref_slice %arg14[%mul3A_39, %dma_start3A_48] : memref<51200x16xbf16, #tpu.memory_space<vmem_shared>> -> memref<3200x16xbf16, #tpu.memory_space<vmem_shared>>
      tpu.enqueue_dma source(%dma_start3A_49 : memref<3200x16xbf16, #tpu.memory_space<vmem_shared>>) target(%dma_start3A_47 : memref<3200x16xbf16, #tpu.memory_space<hbm>>) target_semaphore(%run_scoped3A : memref<!tpu.dma_semaphore, #tpu.memory_space<semaphore_mem>>)
      %dma_wait3A = arith.constant 0 : i32
      %dma_wait3A_50 = tpu.memref_slice %arg9[%add3A_43, %mul3A_45, %dma_wait3A] : memref<4x51200x16xbf16, #tpu.memory_space<hbm>> -> memref<1x3200x16xbf16, #tpu.memory_space<hbm>>
      %dma_wait3A_51 = tpu.memref_squeeze %dma_wait3A_50 : memref<1x3200x16xbf16, #tpu.memory_space<hbm>> -> memref<3200x16xbf16, #tpu.memory_space<hbm>>
      %dma_wait3A_52 = arith.constant 0 : i32
      %dma_wait3A_53 = tpu.memref_slice %arg14[%mul3A_39, %dma_wait3A_52] : memref<51200x16xbf16, #tpu.memory_space<vmem_shared>> -> memref<3200x16xbf16, #tpu.memory_space<vmem_shared>>
      tpu.wait_dma2 semaphore(%run_scoped3A : memref<!tpu.dma_semaphore, #tpu.memory_space<semaphore_mem>>) src(%dma_wait3A_53 : memref<3200x16xbf16, #tpu.memory_space<vmem_shared>>) dst(%dma_wait3A_51 : memref<3200x16xbf16, #tpu.memory_space<hbm>>)
      tpu.yield
    }) : () -> ()
    return
  }
}

#map = affine_map<(d0, d1) -> (0, 0)>
#map1 = affine_map<(d0, d1) -> (0)>
#map2 = affine_map<(d0, d1) -> (0, 0, 0)>
module attributes {stable_mosaic.version = 14 : i64} {
  func.func @_deg_body(%arg0: i32, %arg1: i32, %arg2: memref<6400x128xi32, #tpu.memory_space<hbm>>, %arg3: memref<51200xf32, #tpu.memory_space<hbm>>, %arg4: memref<2x1x51200xf32, #tpu.memory_space<hbm>>, %arg5: memref<200x128xi32, #tpu.memory_space<vmem>>, %arg6: memref<128xf32, #tpu.memory_space<vmem>>, %arg7: memref<!tpu.dma_semaphore, #tpu.memory_space<semaphore_mem>>, %arg8: memref<51200xf32, #tpu.memory_space<vmem_shared>>) attributes {dimension_semantics = [#tpu.dimension_semantics<core_parallel>, #tpu.dimension_semantics<subcore_parallel>], iteration_bounds = array<i64: 2, 16>, scalar_prefetch = 0 : i64, scratch_operands = 4 : i64, tpu.core_type = #tpu.core_type<sc_vector_subcore>, window_params = [{transform_indices = #map}, {transform_indices = #map1}, {transform_indices = #map2}]} {
    %mul3A = arith.constant 2 : i32
    %mul3A_0 = arith.muli %arg1, %mul3A : i32
    %add3A = arith.addi %mul3A_0, %arg0 : i32
    %mul3A_1 = arith.constant 3200 : i32
    %mul3A_2 = arith.muli %arg1, %mul3A_1 : i32
    %mul3A_3 = arith.constant 3200 : i32
    %mul3A_4 = arith.muli %arg1, %mul3A_3 : i32
    "tpu.region"() ({
      %run_scoped3A_21 = tpu.sem_alloc : memref<!tpu.dma_semaphore, #tpu.memory_space<semaphore_mem>>
      %dma_start3A = tpu.memref_slice %arg8[%mul3A_4] : memref<51200xf32, #tpu.memory_space<vmem_shared>> -> memref<3200xf32, #tpu.memory_space<vmem_shared>>
      %dma_start3A_22 = tpu.memref_slice %arg3[%mul3A_2] : memref<51200xf32, #tpu.memory_space<hbm>> -> memref<3200xf32, #tpu.memory_space<hbm>>
      tpu.enqueue_dma source(%dma_start3A_22 : memref<3200xf32, #tpu.memory_space<hbm>>) target(%dma_start3A : memref<3200xf32, #tpu.memory_space<vmem_shared>>) target_semaphore(%run_scoped3A_21 : memref<!tpu.dma_semaphore, #tpu.memory_space<semaphore_mem>>)
      %dma_wait3A = tpu.memref_slice %arg8[%mul3A_4] : memref<51200xf32, #tpu.memory_space<vmem_shared>> -> memref<3200xf32, #tpu.memory_space<vmem_shared>>
      %dma_wait3A_23 = tpu.memref_slice %arg3[%mul3A_2] : memref<51200xf32, #tpu.memory_space<hbm>> -> memref<3200xf32, #tpu.memory_space<hbm>>
      tpu.wait_dma2 semaphore(%run_scoped3A_21 : memref<!tpu.dma_semaphore, #tpu.memory_space<semaphore_mem>>) src(%dma_wait3A_23 : memref<3200xf32, #tpu.memory_space<hbm>>) dst(%dma_wait3A : memref<3200xf32, #tpu.memory_space<vmem_shared>>)
      tpu.yield
    }) : () -> ()
    %scan3A = arith.constant 0 : i32
    %scan3A_5 = arith.constant 8 : i32
    %scan3A_6 = arith.addi %scan3A, %scan3A_5 : i32
    %scan3A_7 = arith.constant 1 : i32
    scf.for %scan3A_21 = %scan3A to %scan3A_6 step %scan3A_7  : i32 {
      %mul3A_22 = arith.constant 16 : i32
      %mul3A_23 = arith.muli %scan3A_21, %mul3A_22 : i32
      %add3A_24 = arith.constant 0 : i32
      %add3A_25 = arith.addi %add3A_24, %mul3A_23 : i32
      %broadcast_in_dim3A = arith.constant 1.000000e+00 : f32
      %broadcast_in_dim3A_26 = vector.broadcast %broadcast_in_dim3A : f32 to vector<16xf32>
      %swap3A = arith.index_cast %add3A_25 : i32 to index
      %swap3A_27 = tpu.vector_load %arg6[%swap3A] {strides = array<i32>} : memref<128xf32, #tpu.memory_space<vmem>>, vector<16xf32>,
      %swap3A_28 = vector.shape_cast %swap3A_27 : vector<16xf32> to vector<16xf32>
      %swap3A_29 = vector.shape_cast %broadcast_in_dim3A_26 : vector<16xf32> to vector<16xf32>
      tpu.vector_store %arg6[%swap3A], %swap3A_29 {strides = array<i32>} : memref<128xf32, #tpu.memory_space<vmem>>, vector<16xf32>,
    }
    %scan3A_8 = arith.constant 8 : i32
    %mul3A_9 = arith.constant 200 : i32
    %mul3A_10 = arith.muli %add3A, %mul3A_9 : i32
    "tpu.region"() ({
      %run_scoped3A_21 = tpu.sem_alloc : memref<!tpu.dma_semaphore, #tpu.memory_space<semaphore_mem>>
      %dma_start3A = arith.constant 0 : i32
      %dma_start3A_22 = tpu.memref_slice %arg2[%mul3A_10, %dma_start3A] : memref<6400x128xi32, #tpu.memory_space<hbm>> -> memref<200x128xi32, #tpu.memory_space<hbm>>
      %dma_start3A_23 = arith.constant 0 : i32
      %dma_start3A_24 = tpu.memref_slice %arg2[%mul3A_10, %dma_start3A_23] : memref<6400x128xi32, #tpu.memory_space<hbm>> -> memref<200x128xi32, #tpu.memory_space<hbm>>
      tpu.enqueue_dma source(%dma_start3A_24 : memref<200x128xi32, #tpu.memory_space<hbm>>) target(%arg5 : memref<200x128xi32, #tpu.memory_space<vmem>>) target_semaphore(%run_scoped3A_21 : memref<!tpu.dma_semaphore, #tpu.memory_space<semaphore_mem>>)
      %dma_wait3A = arith.constant 0 : i32
      %dma_wait3A_25 = tpu.memref_slice %arg2[%mul3A_10, %dma_wait3A] : memref<6400x128xi32, #tpu.memory_space<hbm>> -> memref<200x128xi32, #tpu.memory_space<hbm>>
      %dma_wait3A_26 = arith.constant 0 : i32
      %dma_wait3A_27 = tpu.memref_slice %arg2[%mul3A_10, %dma_wait3A_26] : memref<6400x128xi32, #tpu.memory_space<hbm>> -> memref<200x128xi32, #tpu.memory_space<hbm>>
      tpu.wait_dma2 semaphore(%run_scoped3A_21 : memref<!tpu.dma_semaphore, #tpu.memory_space<semaphore_mem>>) src(%dma_wait3A_27 : memref<200x128xi32, #tpu.memory_space<hbm>>) dst(%arg5 : memref<200x128xi32, #tpu.memory_space<vmem>>)
      tpu.yield
    }) : () -> ()
    %barrier3A = arith.constant 0 : index
    tpu.barrier barrier_id(%barrier3A)
    %scan3A_11 = arith.constant 0 : i32
    %scan3A_12 = arith.constant 200 : i32
    %scan3A_13 = arith.addi %scan3A_11, %scan3A_12 : i32
    %scan3A_14 = arith.constant 1 : i32
    scf.for %scan3A_21 = %scan3A_11 to %scan3A_13 step %scan3A_14  : i32 {
      %mul3A_22 = arith.constant 1 : i32
      %mul3A_23 = arith.muli %scan3A_21, %mul3A_22 : i32
      %add3A_24 = arith.constant 0 : i32
      %add3A_25 = arith.addi %add3A_24, %mul3A_23 : i32
      "tpu.region"() ({
        %run_scoped3A_26 = tpu.sem_alloc : memref<!tpu.dma_semaphore, #tpu.memory_space<semaphore_mem>>
        %dma_start3A = arith.constant 0 : i32
        %dma_start3A_27 = tpu.memref_slice %arg5[%add3A_25, %dma_start3A] : memref<200x128xi32, #tpu.memory_space<vmem>> -> memref<1x128xi32, #tpu.memory_space<vmem>>
        %dma_start3A_28 = tpu.memref_squeeze %dma_start3A_27 : memref<1x128xi32, #tpu.memory_space<vmem>> -> memref<128xi32, #tpu.memory_space<vmem>>
        %dma_start3A_29 = arith.constant 0 : i32
        %dma_start3A_30 = tpu.memref_slice %arg8[%dma_start3A_29] : memref<51200xf32, #tpu.memory_space<vmem_shared>> -> memref<51200xf32, #tpu.memory_space<vmem_shared>>
        tpu.enqueue_indirect_dma source(%arg6 : memref<128xf32, #tpu.memory_space<vmem>>) target(%dma_start3A_30 : memref<51200xf32, #tpu.memory_space<vmem_shared>>) offsets(%dma_start3A_28 : memref<128xi32, #tpu.memory_space<vmem>>) semaphore(%run_scoped3A_26 : memref<!tpu.dma_semaphore, #tpu.memory_space<semaphore_mem>>) {add = true}
        %dma_wait3A = arith.constant 0 : i32
        %dma_wait3A_31 = tpu.memref_slice %arg5[%add3A_25, %dma_wait3A] : memref<200x128xi32, #tpu.memory_space<vmem>> -> memref<1x128xi32, #tpu.memory_space<vmem>>
        %dma_wait3A_32 = tpu.memref_squeeze %dma_wait3A_31 : memref<1x128xi32, #tpu.memory_space<vmem>> -> memref<128xi32, #tpu.memory_space<vmem>>
        %dma_wait3A_33 = arith.constant 0 : i32
        %dma_wait3A_34 = tpu.memref_slice %arg8[%dma_wait3A_33] : memref<51200xf32, #tpu.memory_space<vmem_shared>> -> memref<51200xf32, #tpu.memory_space<vmem_shared>>
        tpu.wait_indirect_dma semaphore(%run_scoped3A_26 : memref<!tpu.dma_semaphore, #tpu.memory_space<semaphore_mem>>) src(%arg6 : memref<128xf32, #tpu.memory_space<vmem>>) dst(%dma_wait3A_34 : memref<51200xf32, #tpu.memory_space<vmem_shared>>)
        tpu.yield
      }) : () -> ()
    }
    %scan3A_15 = arith.constant 200 : i32
    %barrier3A_16 = arith.constant 0 : index
    tpu.barrier barrier_id(%barrier3A_16)
    %mul3A_17 = arith.constant 3200 : i32
    %mul3A_18 = arith.muli %arg1, %mul3A_17 : i32
    %mul3A_19 = arith.constant 3200 : i32
    %mul3A_20 = arith.muli %arg1, %mul3A_19 : i32
    %run_scoped3A = arith.constant 0 : i32
    "tpu.region"() ({
      %run_scoped3A_21 = tpu.sem_alloc : memref<!tpu.dma_semaphore, #tpu.memory_space<semaphore_mem>>
      %dma_start3A = tpu.memref_slice %arg4[%arg0, %run_scoped3A, %mul3A_20] : memref<2x1x51200xf32, #tpu.memory_space<hbm>> -> memref<1x1x3200xf32, #tpu.memory_space<hbm>>
      %dma_start3A_22 = tpu.memref_squeeze %dma_start3A : memref<1x1x3200xf32, #tpu.memory_space<hbm>> -> memref<3200xf32, #tpu.memory_space<hbm>>
      %dma_start3A_23 = tpu.memref_slice %arg8[%mul3A_18] : memref<51200xf32, #tpu.memory_space<vmem_shared>> -> memref<3200xf32, #tpu.memory_space<vmem_shared>>
      tpu.enqueue_dma source(%dma_start3A_23 : memref<3200xf32, #tpu.memory_space<vmem_shared>>) target(%dma_start3A_22 : memref<3200xf32, #tpu.memory_space<hbm>>) target_semaphore(%run_scoped3A_21 : memref<!tpu.dma_semaphore, #tpu.memory_space<semaphore_mem>>)
      %dma_wait3A = tpu.memref_slice %arg4[%arg0, %run_scoped3A, %mul3A_20] : memref<2x1x51200xf32, #tpu.memory_space<hbm>> -> memref<1x1x3200xf32, #tpu.memory_space<hbm>>
      %dma_wait3A_24 = tpu.memref_squeeze %dma_wait3A : memref<1x1x3200xf32, #tpu.memory_space<hbm>> -> memref<3200xf32, #tpu.memory_space<hbm>>
      %dma_wait3A_25 = tpu.memref_slice %arg8[%mul3A_18] : memref<51200xf32, #tpu.memory_space<vmem_shared>> -> memref<3200xf32, #tpu.memory_space<vmem_shared>>
      tpu.wait_dma2 semaphore(%run_scoped3A_21 : memref<!tpu.dma_semaphore, #tpu.memory_space<semaphore_mem>>) src(%dma_wait3A_25 : memref<3200xf32, #tpu.memory_space<vmem_shared>>) dst(%dma_wait3A_24 : memref<3200xf32, #tpu.memory_space<hbm>>)
      tpu.yield
    }) : () -> ()
    return
  }
}

#map = affine_map<(d0, d1) -> (0, 0)>
#map1 = affine_map<(d0, d1) -> (0, 0, 0)>
module attributes {stable_mosaic.version = 14 : i64} {
  func.func @_agg8_body(%arg0: i32, %arg1: i32, %arg2: memref<51200x8xf32, #tpu.memory_space<hbm>>, %arg3: memref<6400x128xi32, #tpu.memory_space<hbm>>, %arg4: memref<6400x128xi32, #tpu.memory_space<hbm>>, %arg5: memref<51200x8xf32, #tpu.memory_space<hbm>>, %arg6: memref<2x51200x8xf32, #tpu.memory_space<hbm>>, %arg7: memref<200x128xi32, #tpu.memory_space<vmem>>, %arg8: memref<200x128xi32, #tpu.memory_space<vmem>>, %arg9: memref<2x128x8xf32, #tpu.memory_space<vmem>>, %arg10: memref<!tpu.dma_semaphore, #tpu.memory_space<semaphore_mem>>, %arg11: memref<51200x8xf32, #tpu.memory_space<vmem_shared>>) attributes {dimension_semantics = [#tpu.dimension_semantics<core_parallel>, #tpu.dimension_semantics<subcore_parallel>], iteration_bounds = array<i64: 2, 16>, scalar_prefetch = 0 : i64, scratch_operands = 5 : i64, tpu.core_type = #tpu.core_type<sc_vector_subcore>, window_params = [{transform_indices = #map}, {transform_indices = #map}, {transform_indices = #map}, {transform_indices = #map}, {transform_indices = #map1}]} {
    %mul3A = arith.constant 2 : i32
    %mul3A_0 = arith.muli %arg1, %mul3A : i32
    %add3A = arith.addi %mul3A_0, %arg0 : i32
    %mul3A_1 = arith.constant 3200 : i32
    %mul3A_2 = arith.muli %arg1, %mul3A_1 : i32
    %mul3A_3 = arith.constant 3200 : i32
    %mul3A_4 = arith.muli %arg1, %mul3A_3 : i32
    "tpu.region"() ({
      %run_scoped3A = tpu.sem_alloc : memref<!tpu.dma_semaphore, #tpu.memory_space<semaphore_mem>>
      %dma_start3A_29 = arith.constant 0 : i32
      %dma_start3A_30 = tpu.memref_slice %arg11[%mul3A_4, %dma_start3A_29] : memref<51200x8xf32, #tpu.memory_space<vmem_shared>> -> memref<3200x8xf32, #tpu.memory_space<vmem_shared>>
      %dma_start3A_31 = arith.constant 0 : i32
      %dma_start3A_32 = tpu.memref_slice %arg5[%mul3A_2, %dma_start3A_31] : memref<51200x8xf32, #tpu.memory_space<hbm>> -> memref<3200x8xf32, #tpu.memory_space<hbm>>
      tpu.enqueue_dma source(%dma_start3A_32 : memref<3200x8xf32, #tpu.memory_space<hbm>>) target(%dma_start3A_30 : memref<3200x8xf32, #tpu.memory_space<vmem_shared>>) target_semaphore(%run_scoped3A : memref<!tpu.dma_semaphore, #tpu.memory_space<semaphore_mem>>)
      %dma_wait3A = arith.constant 0 : i32
      %dma_wait3A_33 = tpu.memref_slice %arg11[%mul3A_4, %dma_wait3A] : memref<51200x8xf32, #tpu.memory_space<vmem_shared>> -> memref<3200x8xf32, #tpu.memory_space<vmem_shared>>
      %dma_wait3A_34 = arith.constant 0 : i32
      %dma_wait3A_35 = tpu.memref_slice %arg5[%mul3A_2, %dma_wait3A_34] : memref<51200x8xf32, #tpu.memory_space<hbm>> -> memref<3200x8xf32, #tpu.memory_space<hbm>>
      tpu.wait_dma2 semaphore(%run_scoped3A : memref<!tpu.dma_semaphore, #tpu.memory_space<semaphore_mem>>) src(%dma_wait3A_35 : memref<3200x8xf32, #tpu.memory_space<hbm>>) dst(%dma_wait3A_33 : memref<3200x8xf32, #tpu.memory_space<vmem_shared>>)
      tpu.yield
    }) : () -> ()
    %mul3A_5 = arith.constant 200 : i32
    %mul3A_6 = arith.muli %add3A, %mul3A_5 : i32
    "tpu.region"() ({
      %run_scoped3A = tpu.sem_alloc : memref<!tpu.dma_semaphore, #tpu.memory_space<semaphore_mem>>
      %dma_start3A_29 = arith.constant 0 : i32
      %dma_start3A_30 = tpu.memref_slice %arg3[%mul3A_6, %dma_start3A_29] : memref<6400x128xi32, #tpu.memory_space<hbm>> -> memref<200x128xi32, #tpu.memory_space<hbm>>
      %dma_start3A_31 = arith.constant 0 : i32
      %dma_start3A_32 = tpu.memref_slice %arg3[%mul3A_6, %dma_start3A_31] : memref<6400x128xi32, #tpu.memory_space<hbm>> -> memref<200x128xi32, #tpu.memory_space<hbm>>
      tpu.enqueue_dma source(%dma_start3A_32 : memref<200x128xi32, #tpu.memory_space<hbm>>) target(%arg7 : memref<200x128xi32, #tpu.memory_space<vmem>>) target_semaphore(%run_scoped3A : memref<!tpu.dma_semaphore, #tpu.memory_space<semaphore_mem>>)
      %dma_wait3A = arith.constant 0 : i32
      %dma_wait3A_33 = tpu.memref_slice %arg3[%mul3A_6, %dma_wait3A] : memref<6400x128xi32, #tpu.memory_space<hbm>> -> memref<200x128xi32, #tpu.memory_space<hbm>>
      %dma_wait3A_34 = arith.constant 0 : i32
      %dma_wait3A_35 = tpu.memref_slice %arg3[%mul3A_6, %dma_wait3A_34] : memref<6400x128xi32, #tpu.memory_space<hbm>> -> memref<200x128xi32, #tpu.memory_space<hbm>>
      tpu.wait_dma2 semaphore(%run_scoped3A : memref<!tpu.dma_semaphore, #tpu.memory_space<semaphore_mem>>) src(%dma_wait3A_35 : memref<200x128xi32, #tpu.memory_space<hbm>>) dst(%arg7 : memref<200x128xi32, #tpu.memory_space<vmem>>)
      tpu.yield
    }) : () -> ()
    %mul3A_7 = arith.constant 200 : i32
    %mul3A_8 = arith.muli %add3A, %mul3A_7 : i32
    "tpu.region"() ({
      %run_scoped3A = tpu.sem_alloc : memref<!tpu.dma_semaphore, #tpu.memory_space<semaphore_mem>>
      %dma_start3A_29 = arith.constant 0 : i32
      %dma_start3A_30 = tpu.memref_slice %arg4[%mul3A_8, %dma_start3A_29] : memref<6400x128xi32, #tpu.memory_space<hbm>> -> memref<200x128xi32, #tpu.memory_space<hbm>>
      %dma_start3A_31 = arith.constant 0 : i32
      %dma_start3A_32 = tpu.memref_slice %arg4[%mul3A_8, %dma_start3A_31] : memref<6400x128xi32, #tpu.memory_space<hbm>> -> memref<200x128xi32, #tpu.memory_space<hbm>>
      tpu.enqueue_dma source(%dma_start3A_32 : memref<200x128xi32, #tpu.memory_space<hbm>>) target(%arg8 : memref<200x128xi32, #tpu.memory_space<vmem>>) target_semaphore(%run_scoped3A : memref<!tpu.dma_semaphore, #tpu.memory_space<semaphore_mem>>)
      %dma_wait3A = arith.constant 0 : i32
      %dma_wait3A_33 = tpu.memref_slice %arg4[%mul3A_8, %dma_wait3A] : memref<6400x128xi32, #tpu.memory_space<hbm>> -> memref<200x128xi32, #tpu.memory_space<hbm>>
      %dma_wait3A_34 = arith.constant 0 : i32
      %dma_wait3A_35 = tpu.memref_slice %arg4[%mul3A_8, %dma_wait3A_34] : memref<6400x128xi32, #tpu.memory_space<hbm>> -> memref<200x128xi32, #tpu.memory_space<hbm>>
      tpu.wait_dma2 semaphore(%run_scoped3A : memref<!tpu.dma_semaphore, #tpu.memory_space<semaphore_mem>>) src(%dma_wait3A_35 : memref<200x128xi32, #tpu.memory_space<hbm>>) dst(%arg8 : memref<200x128xi32, #tpu.memory_space<vmem>>)
      tpu.yield
    }) : () -> ()
    %barrier3A = arith.constant 0 : index
    tpu.barrier barrier_id(%barrier3A)
    %dma_start3A = arith.constant 0 : i32
    %dma_start3A_9 = arith.constant 0 : i32
    %dma_start3A_10 = arith.constant 0 : i32
    %dma_start3A_11 = arith.constant 0 : i32
    %dma_start3A_12 = tpu.memref_slice %arg9[%dma_start3A_9, %dma_start3A_10, %dma_start3A_11] : memref<2x128x8xf32, #tpu.memory_space<vmem>> -> memref<1x128x8xf32, #tpu.memory_space<vmem>>
    %dma_start3A_13 = tpu.memref_squeeze %dma_start3A_12 : memref<1x128x8xf32, #tpu.memory_space<vmem>> -> memref<128x8xf32, #tpu.memory_space<vmem>>
    %dma_start3A_14 = arith.constant 0 : i32
    %dma_start3A_15 = tpu.memref_slice %arg7[%dma_start3A, %dma_start3A_14] : memref<200x128xi32, #tpu.memory_space<vmem>> -> memref<1x128xi32, #tpu.memory_space<vmem>>
    %dma_start3A_16 = tpu.memref_squeeze %dma_start3A_15 : memref<1x128xi32, #tpu.memory_space<vmem>> -> memref<128xi32, #tpu.memory_space<vmem>>
    %dma_start3A_17 = arith.constant 0 : i32
    %dma_start3A_18 = arith.constant 0 : i32
    %dma_start3A_19 = tpu.memref_slice %arg2[%dma_start3A_17, %dma_start3A_18] : memref<51200x8xf32, #tpu.memory_space<hbm>> -> memref<51200x8xf32, #tpu.memory_space<hbm>>
    tpu.enqueue_indirect_dma source(%dma_start3A_19 : memref<51200x8xf32, #tpu.memory_space<hbm>>) target(%dma_start3A_13 : memref<128x8xf32, #tpu.memory_space<vmem>>) offsets(%dma_start3A_16 : memref<128xi32, #tpu.memory_space<vmem>>) semaphore(%arg10 : memref<!tpu.dma_semaphore, #tpu.memory_space<semaphore_mem>>)
    %scan3A = arith.constant 0 : i32
    %scan3A_20 = arith.constant 100 : i32
    %scan3A_21 = arith.addi %scan3A, %scan3A_20 : i32
    %scan3A_22 = arith.constant 1 : i32
    scf.for %scan3A_29 = %scan3A to %scan3A_21 step %scan3A_22  : i32 {
      %mul3A_30 = arith.constant 2 : i32
      %mul3A_31 = arith.muli %scan3A_29, %mul3A_30 : i32
      %add3A_32 = arith.constant 0 : i32
      %add3A_33 = arith.addi %add3A_32, %mul3A_31 : i32
      %add3A_34 = arith.constant 0 : i32
      %add3A_35 = arith.addi %add3A_33, %add3A_34 : i32
      %dma_wait3A = arith.constant 0 : i32
      %dma_wait3A_36 = arith.constant 0 : i32
      %dma_wait3A_37 = arith.constant 0 : i32
      %dma_wait3A_38 = tpu.memref_slice %arg9[%dma_wait3A, %dma_wait3A_36, %dma_wait3A_37] : memref<2x128x8xf32, #tpu.memory_space<vmem>> -> memref<1x128x8xf32, #tpu.memory_space<vmem>>
      %dma_wait3A_39 = tpu.memref_squeeze %dma_wait3A_38 : memref<1x128x8xf32, #tpu.memory_space<vmem>> -> memref<128x8xf32, #tpu.memory_space<vmem>>
      %dma_wait3A_40 = arith.constant 0 : i32
      %dma_wait3A_41 = tpu.memref_slice %arg7[%add3A_35, %dma_wait3A_40] : memref<200x128xi32, #tpu.memory_space<vmem>> -> memref<1x128xi32, #tpu.memory_space<vmem>>
      %dma_wait3A_42 = tpu.memref_squeeze %dma_wait3A_41 : memref<1x128xi32, #tpu.memory_space<vmem>> -> memref<128xi32, #tpu.memory_space<vmem>>
      %dma_wait3A_43 = arith.constant 0 : i32
      %dma_wait3A_44 = arith.constant 0 : i32
      %dma_wait3A_45 = tpu.memref_slice %arg2[%dma_wait3A_43, %dma_wait3A_44] : memref<51200x8xf32, #tpu.memory_space<hbm>> -> memref<51200x8xf32, #tpu.memory_space<hbm>>
      tpu.wait_indirect_dma semaphore(%arg10 : memref<!tpu.dma_semaphore, #tpu.memory_space<semaphore_mem>>) src(%dma_wait3A_45 : memref<51200x8xf32, #tpu.memory_space<hbm>>) dst(%dma_wait3A_39 : memref<128x8xf32, #tpu.memory_space<vmem>>)
      %add3A_46 = arith.constant 1 : i32
      %add3A_47 = arith.addi %add3A_35, %add3A_46 : i32
      %lt3A = arith.constant 200 : i32
      %lt3A_48 = arith.cmpi slt, %add3A_47, %lt3A : i32
      %convert_element_type3A = arith.extui %lt3A_48 : i1 to i32
      %cond3A = arith.constant 0 : i32
      %cond3A_49 = arith.cmpi ne, %convert_element_type3A, %cond3A : i32
      scf.if %cond3A_49 {
        %dma_start3A_71 = arith.constant 1 : i32
        %dma_start3A_72 = arith.constant 0 : i32
        %dma_start3A_73 = arith.constant 0 : i32
        %dma_start3A_74 = tpu.memref_slice %arg9[%dma_start3A_71, %dma_start3A_72, %dma_start3A_73] : memref<2x128x8xf32, #tpu.memory_space<vmem>> -> memref<1x128x8xf32, #tpu.memory_space<vmem>>
        %dma_start3A_75 = tpu.memref_squeeze %dma_start3A_74 : memref<1x128x8xf32, #tpu.memory_space<vmem>> -> memref<128x8xf32, #tpu.memory_space<vmem>>
        %dma_start3A_76 = arith.constant 0 : i32
        %dma_start3A_77 = tpu.memref_slice %arg7[%add3A_47, %dma_start3A_76] : memref<200x128xi32, #tpu.memory_space<vmem>> -> memref<1x128xi32, #tpu.memory_space<vmem>>
        %dma_start3A_78 = tpu.memref_squeeze %dma_start3A_77 : memref<1x128xi32, #tpu.memory_space<vmem>> -> memref<128xi32, #tpu.memory_space<vmem>>
        %dma_start3A_79 = arith.constant 0 : i32
        %dma_start3A_80 = arith.constant 0 : i32
        %dma_start3A_81 = tpu.memref_slice %arg2[%dma_start3A_79, %dma_start3A_80] : memref<51200x8xf32, #tpu.memory_space<hbm>> -> memref<51200x8xf32, #tpu.memory_space<hbm>>
        tpu.enqueue_indirect_dma source(%dma_start3A_81 : memref<51200x8xf32, #tpu.memory_space<hbm>>) target(%dma_start3A_75 : memref<128x8xf32, #tpu.memory_space<vmem>>) offsets(%dma_start3A_78 : memref<128xi32, #tpu.memory_space<vmem>>) semaphore(%arg10 : memref<!tpu.dma_semaphore, #tpu.memory_space<semaphore_mem>>)
      } else {
      }
      %run_scoped3A = arith.constant 0 : i32
      "tpu.region"() ({
        %run_scoped3A_71 = tpu.sem_alloc : memref<!tpu.dma_semaphore, #tpu.memory_space<semaphore_mem>>
        %dma_start3A_72 = arith.constant 0 : i32
        %dma_start3A_73 = arith.constant 0 : i32
        %dma_start3A_74 = tpu.memref_slice %arg9[%run_scoped3A, %dma_start3A_72, %dma_start3A_73] : memref<2x128x8xf32, #tpu.memory_space<vmem>> -> memref<1x128x8xf32, #tpu.memory_space<vmem>>
        %dma_start3A_75 = tpu.memref_squeeze %dma_start3A_74 : memref<1x128x8xf32, #tpu.memory_space<vmem>> -> memref<128x8xf32, #tpu.memory_space<vmem>>
        %dma_start3A_76 = arith.constant 0 : i32
        %dma_start3A_77 = tpu.memref_slice %arg8[%add3A_35, %dma_start3A_76] : memref<200x128xi32, #tpu.memory_space<vmem>> -> memref<1x128xi32, #tpu.memory_space<vmem>>
        %dma_start3A_78 = tpu.memref_squeeze %dma_start3A_77 : memref<1x128xi32, #tpu.memory_space<vmem>> -> memref<128xi32, #tpu.memory_space<vmem>>
        %dma_start3A_79 = arith.constant 0 : i32
        %dma_start3A_80 = arith.constant 0 : i32
        %dma_start3A_81 = tpu.memref_slice %arg11[%dma_start3A_79, %dma_start3A_80] : memref<51200x8xf32, #tpu.memory_space<vmem_shared>> -> memref<51200x8xf32, #tpu.memory_space<vmem_shared>>
        tpu.enqueue_indirect_dma source(%dma_start3A_75 : memref<128x8xf32, #tpu.memory_space<vmem>>) target(%dma_start3A_81 : memref<51200x8xf32, #tpu.memory_space<vmem_shared>>) offsets(%dma_start3A_78 : memref<128xi32, #tpu.memory_space<vmem>>) semaphore(%run_scoped3A_71 : memref<!tpu.dma_semaphore, #tpu.memory_space<semaphore_mem>>) {add = true}
        %dma_wait3A_82 = arith.constant 0 : i32
        %dma_wait3A_83 = arith.constant 0 : i32
        %dma_wait3A_84 = tpu.memref_slice %arg9[%run_scoped3A, %dma_wait3A_82, %dma_wait3A_83] : memref<2x128x8xf32, #tpu.memory_space<vmem>> -> memref<1x128x8xf32, #tpu.memory_space<vmem>>
        %dma_wait3A_85 = tpu.memref_squeeze %dma_wait3A_84 : memref<1x128x8xf32, #tpu.memory_space<vmem>> -> memref<128x8xf32, #tpu.memory_space<vmem>>
        %dma_wait3A_86 = arith.constant 0 : i32
        %dma_wait3A_87 = tpu.memref_slice %arg8[%add3A_35, %dma_wait3A_86] : memref<200x128xi32, #tpu.memory_space<vmem>> -> memref<1x128xi32, #tpu.memory_space<vmem>>
        %dma_wait3A_88 = tpu.memref_squeeze %dma_wait3A_87 : memref<1x128xi32, #tpu.memory_space<vmem>> -> memref<128xi32, #tpu.memory_space<vmem>>
        %dma_wait3A_89 = arith.constant 0 : i32
        %dma_wait3A_90 = arith.constant 0 : i32
        %dma_wait3A_91 = tpu.memref_slice %arg11[%dma_wait3A_89, %dma_wait3A_90] : memref<51200x8xf32, #tpu.memory_space<vmem_shared>> -> memref<51200x8xf32, #tpu.memory_space<vmem_shared>>
        tpu.wait_indirect_dma semaphore(%run_scoped3A_71 : memref<!tpu.dma_semaphore, #tpu.memory_space<semaphore_mem>>) src(%dma_wait3A_85 : memref<128x8xf32, #tpu.memory_space<vmem>>) dst(%dma_wait3A_91 : memref<51200x8xf32, #tpu.memory_space<vmem_shared>>)
        tpu.yield
      }) : () -> ()
      %add3A_50 = arith.constant 1 : i32
      %add3A_51 = arith.addi %add3A_33, %add3A_50 : i32
      %dma_wait3A_52 = arith.constant 1 : i32
      %dma_wait3A_53 = arith.constant 0 : i32
      %dma_wait3A_54 = arith.constant 0 : i32
      %dma_wait3A_55 = tpu.memref_slice %arg9[%dma_wait3A_52, %dma_wait3A_53, %dma_wait3A_54] : memref<2x128x8xf32, #tpu.memory_space<vmem>> -> memref<1x128x8xf32, #tpu.memory_space<vmem>>
      %dma_wait3A_56 = tpu.memref_squeeze %dma_wait3A_55 : memref<1x128x8xf32, #tpu.memory_space<vmem>> -> memref<128x8xf32, #tpu.memory_space<vmem>>
      %dma_wait3A_57 = arith.constant 0 : i32
      %dma_wait3A_58 = tpu.memref_slice %arg7[%add3A_51, %dma_wait3A_57] : memref<200x128xi32, #tpu.memory_space<vmem>> -> memref<1x128xi32, #tpu.memory_space<vmem>>
      %dma_wait3A_59 = tpu.memref_squeeze %dma_wait3A_58 : memref<1x128xi32, #tpu.memory_space<vmem>> -> memref<128xi32, #tpu.memory_space<vmem>>
      %dma_wait3A_60 = arith.constant 0 : i32
      %dma_wait3A_61 = arith.constant 0 : i32
      %dma_wait3A_62 = tpu.memref_slice %arg2[%dma_wait3A_60, %dma_wait3A_61] : memref<51200x8xf32, #tpu.memory_space<hbm>> -> memref<51200x8xf32, #tpu.memory_space<hbm>>
      tpu.wait_indirect_dma semaphore(%arg10 : memref<!tpu.dma_semaphore, #tpu.memory_space<semaphore_mem>>) src(%dma_wait3A_62 : memref<51200x8xf32, #tpu.memory_space<hbm>>) dst(%dma_wait3A_56 : memref<128x8xf32, #tpu.memory_space<vmem>>)
      %add3A_63 = arith.constant 1 : i32
      %add3A_64 = arith.addi %add3A_51, %add3A_63 : i32
      %lt3A_65 = arith.constant 200 : i32
      %lt3A_66 = arith.cmpi slt, %add3A_64, %lt3A_65 : i32
      %convert_element_type3A_67 = arith.extui %lt3A_66 : i1 to i32
      %cond3A_68 = arith.constant 0 : i32
      %cond3A_69 = arith.cmpi ne, %convert_element_type3A_67, %cond3A_68 : i32
      scf.if %cond3A_69 {
        %dma_start3A_71 = arith.constant 0 : i32
        %dma_start3A_72 = arith.constant 0 : i32
        %dma_start3A_73 = arith.constant 0 : i32
        %dma_start3A_74 = tpu.memref_slice %arg9[%dma_start3A_71, %dma_start3A_72, %dma_start3A_73] : memref<2x128x8xf32, #tpu.memory_space<vmem>> -> memref<1x128x8xf32, #tpu.memory_space<vmem>>
        %dma_start3A_75 = tpu.memref_squeeze %dma_start3A_74 : memref<1x128x8xf32, #tpu.memory_space<vmem>> -> memref<128x8xf32, #tpu.memory_space<vmem>>
        %dma_start3A_76 = arith.constant 0 : i32
        %dma_start3A_77 = tpu.memref_slice %arg7[%add3A_64, %dma_start3A_76] : memref<200x128xi32, #tpu.memory_space<vmem>> -> memref<1x128xi32, #tpu.memory_space<vmem>>
        %dma_start3A_78 = tpu.memref_squeeze %dma_start3A_77 : memref<1x128xi32, #tpu.memory_space<vmem>> -> memref<128xi32, #tpu.memory_space<vmem>>
        %dma_start3A_79 = arith.constant 0 : i32
        %dma_start3A_80 = arith.constant 0 : i32
        %dma_start3A_81 = tpu.memref_slice %arg2[%dma_start3A_79, %dma_start3A_80] : memref<51200x8xf32, #tpu.memory_space<hbm>> -> memref<51200x8xf32, #tpu.memory_space<hbm>>
        tpu.enqueue_indirect_dma source(%dma_start3A_81 : memref<51200x8xf32, #tpu.memory_space<hbm>>) target(%dma_start3A_75 : memref<128x8xf32, #tpu.memory_space<vmem>>) offsets(%dma_start3A_78 : memref<128xi32, #tpu.memory_space<vmem>>) semaphore(%arg10 : memref<!tpu.dma_semaphore, #tpu.memory_space<semaphore_mem>>)
      } else {
      }
      %run_scoped3A_70 = arith.constant 1 : i32
      "tpu.region"() ({
        %run_scoped3A_71 = tpu.sem_alloc : memref<!tpu.dma_semaphore, #tpu.memory_space<semaphore_mem>>
        %dma_start3A_72 = arith.constant 0 : i32
        %dma_start3A_73 = arith.constant 0 : i32
        %dma_start3A_74 = tpu.memref_slice %arg9[%run_scoped3A_70, %dma_start3A_72, %dma_start3A_73] : memref<2x128x8xf32, #tpu.memory_space<vmem>> -> memref<1x128x8xf32, #tpu.memory_space<vmem>>
        %dma_start3A_75 = tpu.memref_squeeze %dma_start3A_74 : memref<1x128x8xf32, #tpu.memory_space<vmem>> -> memref<128x8xf32, #tpu.memory_space<vmem>>
        %dma_start3A_76 = arith.constant 0 : i32
        %dma_start3A_77 = tpu.memref_slice %arg8[%add3A_51, %dma_start3A_76] : memref<200x128xi32, #tpu.memory_space<vmem>> -> memref<1x128xi32, #tpu.memory_space<vmem>>
        %dma_start3A_78 = tpu.memref_squeeze %dma_start3A_77 : memref<1x128xi32, #tpu.memory_space<vmem>> -> memref<128xi32, #tpu.memory_space<vmem>>
        %dma_start3A_79 = arith.constant 0 : i32
        %dma_start3A_80 = arith.constant 0 : i32
        %dma_start3A_81 = tpu.memref_slice %arg11[%dma_start3A_79, %dma_start3A_80] : memref<51200x8xf32, #tpu.memory_space<vmem_shared>> -> memref<51200x8xf32, #tpu.memory_space<vmem_shared>>
        tpu.enqueue_indirect_dma source(%dma_start3A_75 : memref<128x8xf32, #tpu.memory_space<vmem>>) target(%dma_start3A_81 : memref<51200x8xf32, #tpu.memory_space<vmem_shared>>) offsets(%dma_start3A_78 : memref<128xi32, #tpu.memory_space<vmem>>) semaphore(%run_scoped3A_71 : memref<!tpu.dma_semaphore, #tpu.memory_space<semaphore_mem>>) {add = true}
        %dma_wait3A_82 = arith.constant 0 : i32
        %dma_wait3A_83 = arith.constant 0 : i32
        %dma_wait3A_84 = tpu.memref_slice %arg9[%run_scoped3A_70, %dma_wait3A_82, %dma_wait3A_83] : memref<2x128x8xf32, #tpu.memory_space<vmem>> -> memref<1x128x8xf32, #tpu.memory_space<vmem>>
        %dma_wait3A_85 = tpu.memref_squeeze %dma_wait3A_84 : memref<1x128x8xf32, #tpu.memory_space<vmem>> -> memref<128x8xf32, #tpu.memory_space<vmem>>
        %dma_wait3A_86 = arith.constant 0 : i32
        %dma_wait3A_87 = tpu.memref_slice %arg8[%add3A_51, %dma_wait3A_86] : memref<200x128xi32, #tpu.memory_space<vmem>> -> memref<1x128xi32, #tpu.memory_space<vmem>>
        %dma_wait3A_88 = tpu.memref_squeeze %dma_wait3A_87 : memref<1x128xi32, #tpu.memory_space<vmem>> -> memref<128xi32, #tpu.memory_space<vmem>>
        %dma_wait3A_89 = arith.constant 0 : i32
        %dma_wait3A_90 = arith.constant 0 : i32
        %dma_wait3A_91 = tpu.memref_slice %arg11[%dma_wait3A_89, %dma_wait3A_90] : memref<51200x8xf32, #tpu.memory_space<vmem_shared>> -> memref<51200x8xf32, #tpu.memory_space<vmem_shared>>
        tpu.wait_indirect_dma semaphore(%run_scoped3A_71 : memref<!tpu.dma_semaphore, #tpu.memory_space<semaphore_mem>>) src(%dma_wait3A_85 : memref<128x8xf32, #tpu.memory_space<vmem>>) dst(%dma_wait3A_91 : memref<51200x8xf32, #tpu.memory_space<vmem_shared>>)
        tpu.yield
      }) : () -> ()
    }
    %scan3A_23 = arith.constant 100 : i32
    %barrier3A_24 = arith.constant 0 : index
    tpu.barrier barrier_id(%barrier3A_24)
    %mul3A_25 = arith.constant 3200 : i32
    %mul3A_26 = arith.muli %arg1, %mul3A_25 : i32
    %mul3A_27 = arith.constant 3200 : i32
    %mul3A_28 = arith.muli %arg1, %mul3A_27 : i32
    "tpu.region"() ({
      %run_scoped3A = tpu.sem_alloc : memref<!tpu.dma_semaphore, #tpu.memory_space<semaphore_mem>>
      %dma_start3A_29 = arith.constant 0 : i32
      %dma_start3A_30 = tpu.memref_slice %arg6[%arg0, %mul3A_28, %dma_start3A_29] : memref<2x51200x8xf32, #tpu.memory_space<hbm>> -> memref<1x3200x8xf32, #tpu.memory_space<hbm>>
      %dma_start3A_31 = tpu.memref_squeeze %dma_start3A_30 : memref<1x3200x8xf32, #tpu.memory_space<hbm>> -> memref<3200x8xf32, #tpu.memory_space<hbm>>
      %dma_start3A_32 = arith.constant 0 : i32
      %dma_start3A_33 = tpu.memref_slice %arg11[%mul3A_26, %dma_start3A_32] : memref<51200x8xf32, #tpu.memory_space<vmem_shared>> -> memref<3200x8xf32, #tpu.memory_space<vmem_shared>>
      tpu.enqueue_dma source(%dma_start3A_33 : memref<3200x8xf32, #tpu.memory_space<vmem_shared>>) target(%dma_start3A_31 : memref<3200x8xf32, #tpu.memory_space<hbm>>) target_semaphore(%run_scoped3A : memref<!tpu.dma_semaphore, #tpu.memory_space<semaphore_mem>>)
      %dma_wait3A = arith.constant 0 : i32
      %dma_wait3A_34 = tpu.memref_slice %arg6[%arg0, %mul3A_28, %dma_wait3A] : memref<2x51200x8xf32, #tpu.memory_space<hbm>> -> memref<1x3200x8xf32, #tpu.memory_space<hbm>>
      %dma_wait3A_35 = tpu.memref_squeeze %dma_wait3A_34 : memref<1x3200x8xf32, #tpu.memory_space<hbm>> -> memref<3200x8xf32, #tpu.memory_space<hbm>>
      %dma_wait3A_36 = arith.constant 0 : i32
      %dma_wait3A_37 = tpu.memref_slice %arg11[%mul3A_26, %dma_wait3A_36] : memref<51200x8xf32, #tpu.memory_space<vmem_shared>> -> memref<3200x8xf32, #tpu.memory_space<vmem_shared>>
      tpu.wait_dma2 semaphore(%run_scoped3A : memref<!tpu.dma_semaphore, #tpu.memory_space<semaphore_mem>>) src(%dma_wait3A_37 : memref<3200x8xf32, #tpu.memory_space<vmem_shared>>) dst(%dma_wait3A_35 : memref<3200x8xf32, #tpu.memory_space<hbm>>)
      tpu.yield
    }) : () -> ()
    return
  }
}

module attributes {stable_mosaic.version = 14 : i64} {
  func.func @_tc1_body(%arg0: i32, %arg1: memref<1x1x1024xf32, #tpu.memory_space<vmem>>, %arg2: memref<1x1x1024xf32, #tpu.memory_space<vmem>>, %arg3: memref<1024x8xf32, #tpu.memory_space<vmem>>, %arg4: memref<1024x8xf32, #tpu.memory_space<vmem>>) attributes {dimension_semantics = [#tpu.dimension_semantics<arbitrary>], iteration_bounds = array<i64: 50>, scalar_prefetch = 0 : i64, scratch_operands = 0 : i64, tpu.core_type = #tpu.core_type<tc>, window_params = [{transform_indices = @transform_0, window_bounds = array<i64: 1, 1, 1024>}, {transform_indices = @transform_1, window_bounds = array<i64: 1, 1, 1024>}, {transform_indices = @transform_2, window_bounds = array<i64: 1024, 8>}, {transform_indices = @transform_3, window_bounds = array<i64: 1024, 8>}]} {
    %get3A = arith.constant 0 : index
    %get3A_0 = arith.constant 0 : index
    %get3A_1 = arith.constant 0 : index
    %get3A_2 = vector.load %arg1[%get3A, %get3A_0, %get3A_1] : memref<1x1x1024xf32, #tpu.memory_space<vmem>>, vector<1x1x1024xf32>
    %get3A_3 = vector.shape_cast %get3A_2 : vector<1x1x1024xf32> to vector<1024xf32>
    %get3A_4 = arith.constant 0 : index
    %get3A_5 = arith.constant 0 : index
    %get3A_6 = arith.constant 0 : index
    %get3A_7 = vector.load %arg2[%get3A_4, %get3A_5, %get3A_6] : memref<1x1x1024xf32, #tpu.memory_space<vmem>>, vector<1x1x1024xf32>
    %get3A_8 = vector.shape_cast %get3A_7 : vector<1x1x1024xf32> to vector<1024xf32>
    %add3A = arith.addf %get3A_3, %get3A_8 : vector<1024xf32>
    %add3A_9 = arith.constant 1.000000e+00 : f32
    %add3A_10 = vector.broadcast %add3A_9 : f32 to vector<1024xf32>
    %add3A_11 = arith.addf %add3A, %add3A_10 : vector<1024xf32>
    %rsqrt3A = math.rsqrt %add3A_11 : vector<1024xf32>
    %get3A_12 = arith.constant 0 : index
    %get3A_13 = arith.constant 0 : index
    %get3A_14 = vector.load %arg3[%get3A_12, %get3A_13] : memref<1024x8xf32, #tpu.memory_space<vmem>>, vector<1024x8xf32>
    %broadcast_in_dim3A = vector.shape_cast %rsqrt3A : vector<1024xf32> to vector<1024x1xf32>
    %mul3A = vector.broadcast %broadcast_in_dim3A : vector<1024x1xf32> to vector<1024x8xf32>
    %mul3A_15 = arith.mulf %get3A_14, %mul3A : vector<1024x8xf32>
    %swap3A = arith.constant 0 : index
    %swap3A_16 = arith.constant 0 : index
    %swap3A_17 = vector.load %arg4[%swap3A, %swap3A_16] : memref<1024x8xf32, #tpu.memory_space<vmem>>, vector<1024x8xf32>
    tpu.vector_store %arg4[%swap3A, %swap3A_16], %mul3A_15 {strides = array<i32>} : memref<1024x8xf32, #tpu.memory_space<vmem>>, vector<1024x8xf32>,
    return
  }
  func.func @transform_0(%arg0: i32) -> (i32, i32, i32) {
    %c0_i32 = arith.constant 0 : i32
    %c0_i32_0 = arith.constant 0 : i32
    %c0_i32_1 = arith.constant 0 : i32
    return %arg0, %c0_i32, %c0_i32_0 : i32, i32, i32
  }
  func.func @transform_1(%arg0: i32) -> (i32, i32, i32) {
    %c0_i32 = arith.constant 0 : i32
    %c0_i32_0 = arith.constant 0 : i32
    %c0_i32_1 = arith.constant 0 : i32
    return %arg0, %c0_i32, %c0_i32_0 : i32, i32, i32
  }
  func.func @transform_2(%arg0: i32) -> (i32, i32) {
    %c0_i32 = arith.constant 0 : i32
    %c0_i32_0 = arith.constant 0 : i32
    return %arg0, %c0_i32 : i32, i32
  }
  func.func @transform_3(%arg0: i32) -> (i32, i32) {
    %c0_i32 = arith.constant 0 : i32
    %c0_i32_0 = arith.constant 0 : i32
    return %arg0, %c0_i32 : i32, i32
  }
}

module attributes {stable_mosaic.version = 14 : i64} {
  func.func @_tc2_body(%arg0: i32, %arg1: memref<1024x8xf32, #tpu.memory_space<vmem>>, %arg2: memref<1024x8xf32, #tpu.memory_space<vmem>>, %arg3: memref<1024x8xf32, #tpu.memory_space<vmem>>, %arg4: memref<8x128xf32, #tpu.memory_space<vmem>>, %arg5: memref<1x128xf32, #tpu.memory_space<vmem>>, %arg6: memref<128x64xf32, #tpu.memory_space<vmem>>, %arg7: memref<1024x16xbf16, #tpu.memory_space<vmem>>, %arg8: memref<1024x16xbf16, #tpu.memory_space<vmem>>, %arg9: memref<1024x16xbf16, #tpu.memory_space<vmem>>, %arg10: memref<1024x16xbf16, #tpu.memory_space<vmem>>) attributes {dimension_semantics = [#tpu.dimension_semantics<arbitrary>], iteration_bounds = array<i64: 50>, scalar_prefetch = 0 : i64, scratch_operands = 0 : i64, tpu.core_type = #tpu.core_type<tc>, window_params = [{transform_indices = @transform_0, window_bounds = array<i64: 1024, 8>}, {transform_indices = @transform_1, window_bounds = array<i64: 1024, 8>}, {transform_indices = @transform_2, window_bounds = array<i64: 1024, 8>}, {pipeline_mode = #tpu.pipeline_mode<synchronous>, transform_indices = @transform_3, window_bounds = array<i64: 8, 128>}, {pipeline_mode = #tpu.pipeline_mode<synchronous>, transform_indices = @transform_4, window_bounds = array<i64: 1, 128>}, {pipeline_mode = #tpu.pipeline_mode<synchronous>, transform_indices = @transform_5, window_bounds = array<i64: 128, 64>}, {transform_indices = @transform_6, window_bounds = array<i64: 1024, 16>}, {transform_indices = @transform_7, window_bounds = array<i64: 1024, 16>}, {transform_indices = @transform_8, window_bounds = array<i64: 1024, 16>}, {transform_indices = @transform_9, window_bounds = array<i64: 1024, 16>}]} {
    %get3A = arith.constant 0 : index
    %get3A_0 = arith.constant 0 : index
    %get3A_1 = vector.load %arg3[%get3A, %get3A_0] : memref<1024x8xf32, #tpu.memory_space<vmem>>, vector<1024x8xf32>
    %slice3A = vector.extract_strided_slice %get3A_1 {offsets = [0, 3], sizes = [1024, 1], strides = [1, 1]} : vector<1024x8xf32> to vector<1024x1xf32>
    %get3A_2 = arith.constant 0 : index
    %get3A_3 = arith.constant 0 : index
    %get3A_4 = vector.load %arg1[%get3A_2, %get3A_3] : memref<1024x8xf32, #tpu.memory_space<vmem>>, vector<1024x8xf32>
    %get3A_5 = arith.constant 0 : index
    %get3A_6 = arith.constant 0 : index
    %get3A_7 = vector.load %arg2[%get3A_5, %get3A_6] : memref<1024x8xf32, #tpu.memory_space<vmem>>, vector<1024x8xf32>
    %add3A = arith.addf %get3A_4, %get3A_7 : vector<1024x8xf32>
    %add3A_8 = arith.addf %add3A, %get3A_1 : vector<1024x8xf32>
    %mul3A = vector.broadcast %slice3A : vector<1024x1xf32> to vector<1024x8xf32>
    %mul3A_9 = arith.mulf %add3A_8, %mul3A : vector<1024x8xf32>
    %get3A_10 = arith.constant 0 : index
    %get3A_11 = arith.constant 0 : index
    %get3A_12 = vector.load %arg4[%get3A_10, %get3A_11] : memref<8x128xf32, #tpu.memory_space<vmem>>, vector<8x128xf32>
    %dot_general3A = arith.constant dense<0.000000e+00> : vector<1024x128xf32>
    %dot_general3A_13 = tpu.matmul %mul3A_9, %get3A_12, %dot_general3A {dimension_numbers = #tpu.dot_dimension_numbers<[1], [0], [0], [1], [0, 0, 1, 1], [], []>, transpose_lhs_hint = false} : vector<1024x8xf32>, vector<8x128xf32>, vector<1024x128xf32> -> vector<1024x128xf32>
    %get3A_14 = arith.constant 0 : index
    %get3A_15 = arith.constant 0 : index
    %get3A_16 = vector.load %arg5[%get3A_14, %get3A_15] : memref<1x128xf32, #tpu.memory_space<vmem>>, vector<1x128xf32>
    %add3A_17 = vector.broadcast %get3A_16 : vector<1x128xf32> to vector<1024x128xf32>
    %add3A_18 = arith.addf %dot_general3A_13, %add3A_17 : vector<1024x128xf32>
    %max3A = arith.constant 0.000000e+00 : f32
    %max3A_19 = vector.broadcast %max3A : f32 to vector<1024x128xf32>
    %max3A_20 = arith.maximumf %add3A_18, %max3A_19 : vector<1024x128xf32>
    %mul3A_21 = vector.broadcast %slice3A : vector<1024x1xf32> to vector<1024x128xf32>
    %mul3A_22 = arith.mulf %max3A_20, %mul3A_21 : vector<1024x128xf32>
    %get3A_23 = arith.constant 0 : index
    %get3A_24 = arith.constant 0 : index
    %get3A_25 = vector.load %arg6[%get3A_23, %get3A_24] : memref<128x64xf32, #tpu.memory_space<vmem>>, vector<128x64xf32>
    %dot_general3A_26 = arith.constant dense<0.000000e+00> : vector<1024x64xf32>
    %dot_general3A_27 = tpu.matmul %mul3A_22, %get3A_25, %dot_general3A_26 {dimension_numbers = #tpu.dot_dimension_numbers<[1], [0], [0], [1], [0, 0, 1, 1], [], []>, transpose_lhs_hint = false} : vector<1024x128xf32>, vector<128x64xf32>, vector<1024x64xf32> -> vector<1024x64xf32>
    %convert_element_type3A = arith.truncf %dot_general3A_27 : vector<1024x64xf32> to vector<1024x64xbf16>
    %slice3A_28 = vector.extract_strided_slice %convert_element_type3A {offsets = [0, 0], sizes = [1024, 16], strides = [1, 1]} : vector<1024x64xbf16> to vector<1024x16xbf16>
    %swap3A = arith.constant 0 : index
    %swap3A_29 = arith.constant 0 : index
    %swap3A_30 = vector.load %arg7[%swap3A, %swap3A_29] : memref<1024x16xbf16, #tpu.memory_space<vmem>>, vector<1024x16xbf16>
    tpu.vector_store %arg7[%swap3A, %swap3A_29], %slice3A_28 {strides = array<i32>} : memref<1024x16xbf16, #tpu.memory_space<vmem>>, vector<1024x16xbf16>,
    %slice3A_31 = vector.extract_strided_slice %convert_element_type3A {offsets = [0, 16], sizes = [1024, 16], strides = [1, 1]} : vector<1024x64xbf16> to vector<1024x16xbf16>
    %swap3A_32 = arith.constant 0 : index
    %swap3A_33 = arith.constant 0 : index
    %swap3A_34 = vector.load %arg8[%swap3A_32, %swap3A_33] : memref<1024x16xbf16, #tpu.memory_space<vmem>>, vector<1024x16xbf16>
    tpu.vector_store %arg8[%swap3A_32, %swap3A_33], %slice3A_31 {strides = array<i32>} : memref<1024x16xbf16, #tpu.memory_space<vmem>>, vector<1024x16xbf16>,
    %slice3A_35 = vector.extract_strided_slice %convert_element_type3A {offsets = [0, 32], sizes = [1024, 16], strides = [1, 1]} : vector<1024x64xbf16> to vector<1024x16xbf16>
    %swap3A_36 = arith.constant 0 : index
    %swap3A_37 = arith.constant 0 : index
    %swap3A_38 = vector.load %arg9[%swap3A_36, %swap3A_37] : memref<1024x16xbf16, #tpu.memory_space<vmem>>, vector<1024x16xbf16>
    tpu.vector_store %arg9[%swap3A_36, %swap3A_37], %slice3A_35 {strides = array<i32>} : memref<1024x16xbf16, #tpu.memory_space<vmem>>, vector<1024x16xbf16>,
    %slice3A_39 = vector.extract_strided_slice %convert_element_type3A {offsets = [0, 48], sizes = [1024, 16], strides = [1, 1]} : vector<1024x64xbf16> to vector<1024x16xbf16>
    %swap3A_40 = arith.constant 0 : index
    %swap3A_41 = arith.constant 0 : index
    %swap3A_42 = vector.load %arg10[%swap3A_40, %swap3A_41] : memref<1024x16xbf16, #tpu.memory_space<vmem>>, vector<1024x16xbf16>
    tpu.vector_store %arg10[%swap3A_40, %swap3A_41], %slice3A_39 {strides = array<i32>} : memref<1024x16xbf16, #tpu.memory_space<vmem>>, vector<1024x16xbf16>,
    return
  }
  func.func @transform_0(%arg0: i32) -> (i32, i32) {
    %c0_i32 = arith.constant 0 : i32
    %c0_i32_0 = arith.constant 0 : i32
    return %arg0, %c0_i32 : i32, i32
  }
  func.func @transform_1(%arg0: i32) -> (i32, i32) {
    %c0_i32 = arith.constant 0 : i32
    %c0_i32_0 = arith.constant 0 : i32
    return %arg0, %c0_i32 : i32, i32
  }
  func.func @transform_2(%arg0: i32) -> (i32, i32) {
    %c0_i32 = arith.constant 0 : i32
    %c0_i32_0 = arith.constant 0 : i32
    return %arg0, %c0_i32 : i32, i32
  }
  func.func @transform_3(%arg0: i32) -> (i32, i32) {
    %c0_i32 = arith.constant 0 : i32
    %c0_i32_0 = arith.constant 0 : i32
    %c0_i32_1 = arith.constant 0 : i32
    return %c0_i32, %c0_i32_0 : i32, i32
  }
  func.func @transform_4(%arg0: i32) -> (i32, i32) {
    %c0_i32 = arith.constant 0 : i32
    %c0_i32_0 = arith.constant 0 : i32
    %c0_i32_1 = arith.constant 0 : i32
    return %c0_i32, %c0_i32_0 : i32, i32
  }
  func.func @transform_5(%arg0: i32) -> (i32, i32) {
    %c0_i32 = arith.constant 0 : i32
    %c0_i32_0 = arith.constant 0 : i32
    %c0_i32_1 = arith.constant 0 : i32
    return %c0_i32, %c0_i32_0 : i32, i32
  }
  func.func @transform_6(%arg0: i32) -> (i32, i32) {
    %c0_i32 = arith.constant 0 : i32
    %c0_i32_0 = arith.constant 0 : i32
    return %arg0, %c0_i32 : i32, i32
  }
  func.func @transform_7(%arg0: i32) -> (i32, i32) {
    %c0_i32 = arith.constant 0 : i32
    %c0_i32_0 = arith.constant 0 : i32
    return %arg0, %c0_i32 : i32, i32
  }
  func.func @transform_8(%arg0: i32) -> (i32, i32) {
    %c0_i32 = arith.constant 0 : i32
    %c0_i32_0 = arith.constant 0 : i32
    return %arg0, %c0_i32 : i32, i32
  }
  func.func @transform_9(%arg0: i32) -> (i32, i32) {
    %c0_i32 = arith.constant 0 : i32
    %c0_i32_0 = arith.constant 0 : i32
    return %arg0, %c0_i32 : i32, i32
  }
}

module attributes {stable_mosaic.version = 14 : i64} {
  func.func @_tc3_body(%arg0: i32, %arg1: memref<1024x16xbf16, #tpu.memory_space<vmem>>, %arg2: memref<1024x16xbf16, #tpu.memory_space<vmem>>, %arg3: memref<1024x16xbf16, #tpu.memory_space<vmem>>, %arg4: memref<1024x16xbf16, #tpu.memory_space<vmem>>, %arg5: memref<1024x16xbf16, #tpu.memory_space<vmem>>, %arg6: memref<1024x16xbf16, #tpu.memory_space<vmem>>, %arg7: memref<1024x16xbf16, #tpu.memory_space<vmem>>, %arg8: memref<1024x16xbf16, #tpu.memory_space<vmem>>, %arg9: memref<1024x8xf32, #tpu.memory_space<vmem>>, %arg10: memref<1x64xf32, #tpu.memory_space<vmem>>, %arg11: memref<64x4xf32, #tpu.memory_space<vmem>>, %arg12: memref<1x4xf32, #tpu.memory_space<vmem>>, %arg13: memref<1x4xf32, #tpu.memory_space<vmem>>, %arg14: memref<1x64xf32, #tpu.memory_space<vmem>>) attributes {dimension_semantics = [#tpu.dimension_semantics<arbitrary>], iteration_bounds = array<i64: 50>, scalar_prefetch = 0 : i64, scratch_operands = 1 : i64, tpu.core_type = #tpu.core_type<tc>, window_params = [{transform_indices = @transform_0, window_bounds = array<i64: 1024, 16>}, {transform_indices = @transform_1, window_bounds = array<i64: 1024, 16>}, {transform_indices = @transform_2, window_bounds = array<i64: 1024, 16>}, {transform_indices = @transform_3, window_bounds = array<i64: 1024, 16>}, {transform_indices = @transform_4, window_bounds = array<i64: 1024, 16>}, {transform_indices = @transform_5, window_bounds = array<i64: 1024, 16>}, {transform_indices = @transform_6, window_bounds = array<i64: 1024, 16>}, {transform_indices = @transform_7, window_bounds = array<i64: 1024, 16>}, {transform_indices = @transform_8, window_bounds = array<i64: 1024, 8>}, {pipeline_mode = #tpu.pipeline_mode<synchronous>, transform_indices = @transform_9, window_bounds = array<i64: 1, 64>}, {pipeline_mode = #tpu.pipeline_mode<synchronous>, transform_indices = @transform_10, window_bounds = array<i64: 64, 4>}, {pipeline_mode = #tpu.pipeline_mode<synchronous>, transform_indices = @transform_11, window_bounds = array<i64: 1, 4>}, {pipeline_mode = #tpu.pipeline_mode<synchronous>, transform_indices = @transform_12, window_bounds = array<i64: 1, 4>}]} {
    %get3A = arith.constant 0 : index
    %get3A_0 = arith.constant 3 : index
    %get3A_1 = vector.load %arg9[%get3A, %get3A_0] : memref<1024x8xf32, #tpu.memory_space<vmem>>, vector<1024x1xf32>
    %get3A_2 = arith.constant 0 : index
    %get3A_3 = arith.constant 0 : index
    %get3A_4 = vector.load %arg10[%get3A_2, %get3A_3] : memref<1x64xf32, #tpu.memory_space<vmem>>, vector<1x16xf32>
    %get3A_5 = arith.constant 0 : index
    %get3A_6 = arith.constant 0 : index
    %get3A_7 = vector.load %arg1[%get3A_5, %get3A_6] : memref<1024x16xbf16, #tpu.memory_space<vmem>>, vector<1024x16xbf16>
    %convert_element_type3A = arith.extf %get3A_7 : vector<1024x16xbf16> to vector<1024x16xf32>
    %get3A_8 = arith.constant 0 : index
    %get3A_9 = arith.constant 0 : index
    %get3A_10 = vector.load %arg5[%get3A_8, %get3A_9] : memref<1024x16xbf16, #tpu.memory_space<vmem>>, vector<1024x16xbf16>
    %convert_element_type3A_11 = arith.extf %get3A_10 : vector<1024x16xbf16> to vector<1024x16xf32>
    %add3A = arith.addf %convert_element_type3A, %convert_element_type3A_11 : vector<1024x16xf32>
    %mul3A = vector.broadcast %get3A_1 : vector<1024x1xf32> to vector<1024x16xf32>
    %mul3A_12 = arith.mulf %mul3A, %add3A : vector<1024x16xf32>
    %add3A_13 = vector.broadcast %get3A_4 : vector<1x16xf32> to vector<1024x16xf32>
    %add3A_14 = arith.addf %mul3A_12, %add3A_13 : vector<1024x16xf32>
    %max3A = arith.constant 0.000000e+00 : f32
    %max3A_15 = vector.broadcast %max3A : f32 to vector<1024x16xf32>
    %max3A_16 = arith.maximumf %add3A_14, %max3A_15 : vector<1024x16xf32>
    %get3A_17 = arith.constant 0 : index
    %get3A_18 = arith.constant 16 : index
    %get3A_19 = vector.load %arg10[%get3A_17, %get3A_18] : memref<1x64xf32, #tpu.memory_space<vmem>>, vector<1x16xf32>
    %get3A_20 = arith.constant 0 : index
    %get3A_21 = arith.constant 0 : index
    %get3A_22 = vector.load %arg2[%get3A_20, %get3A_21] : memref<1024x16xbf16, #tpu.memory_space<vmem>>, vector<1024x16xbf16>
    %convert_element_type3A_23 = arith.extf %get3A_22 : vector<1024x16xbf16> to vector<1024x16xf32>
    %get3A_24 = arith.constant 0 : index
    %get3A_25 = arith.constant 0 : index
    %get3A_26 = vector.load %arg6[%get3A_24, %get3A_25] : memref<1024x16xbf16, #tpu.memory_space<vmem>>, vector<1024x16xbf16>
    %convert_element_type3A_27 = arith.extf %get3A_26 : vector<1024x16xbf16> to vector<1024x16xf32>
    %add3A_28 = arith.addf %convert_element_type3A_23, %convert_element_type3A_27 : vector<1024x16xf32>
    %mul3A_29 = vector.broadcast %get3A_1 : vector<1024x1xf32> to vector<1024x16xf32>
    %mul3A_30 = arith.mulf %mul3A_29, %add3A_28 : vector<1024x16xf32>
    %add3A_31 = vector.broadcast %get3A_19 : vector<1x16xf32> to vector<1024x16xf32>
    %add3A_32 = arith.addf %mul3A_30, %add3A_31 : vector<1024x16xf32>
    %max3A_33 = arith.constant 0.000000e+00 : f32
    %max3A_34 = vector.broadcast %max3A_33 : f32 to vector<1024x16xf32>
    %max3A_35 = arith.maximumf %add3A_32, %max3A_34 : vector<1024x16xf32>
    %get3A_36 = arith.constant 0 : index
    %get3A_37 = arith.constant 32 : index
    %get3A_38 = vector.load %arg10[%get3A_36, %get3A_37] : memref<1x64xf32, #tpu.memory_space<vmem>>, vector<1x16xf32>
    %get3A_39 = arith.constant 0 : index
    %get3A_40 = arith.constant 0 : index
    %get3A_41 = vector.load %arg3[%get3A_39, %get3A_40] : memref<1024x16xbf16, #tpu.memory_space<vmem>>, vector<1024x16xbf16>
    %convert_element_type3A_42 = arith.extf %get3A_41 : vector<1024x16xbf16> to vector<1024x16xf32>
    %get3A_43 = arith.constant 0 : index
    %get3A_44 = arith.constant 0 : index
    %get3A_45 = vector.load %arg7[%get3A_43, %get3A_44] : memref<1024x16xbf16, #tpu.memory_space<vmem>>, vector<1024x16xbf16>
    %convert_element_type3A_46 = arith.extf %get3A_45 : vector<1024x16xbf16> to vector<1024x16xf32>
    %add3A_47 = arith.addf %convert_element_type3A_42, %convert_element_type3A_46 : vector<1024x16xf32>
    %mul3A_48 = vector.broadcast %get3A_1 : vector<1024x1xf32> to vector<1024x16xf32>
    %mul3A_49 = arith.mulf %mul3A_48, %add3A_47 : vector<1024x16xf32>
    %add3A_50 = vector.broadcast %get3A_38 : vector<1x16xf32> to vector<1024x16xf32>
    %add3A_51 = arith.addf %mul3A_49, %add3A_50 : vector<1024x16xf32>
    %max3A_52 = arith.constant 0.000000e+00 : f32
    %max3A_53 = vector.broadcast %max3A_52 : f32 to vector<1024x16xf32>
    %max3A_54 = arith.maximumf %add3A_51, %max3A_53 : vector<1024x16xf32>
    %get3A_55 = arith.constant 0 : index
    %get3A_56 = arith.constant 48 : index
    %get3A_57 = vector.load %arg10[%get3A_55, %get3A_56] : memref<1x64xf32, #tpu.memory_space<vmem>>, vector<1x16xf32>
    %get3A_58 = arith.constant 0 : index
    %get3A_59 = arith.constant 0 : index
    %get3A_60 = vector.load %arg4[%get3A_58, %get3A_59] : memref<1024x16xbf16, #tpu.memory_space<vmem>>, vector<1024x16xbf16>
    %convert_element_type3A_61 = arith.extf %get3A_60 : vector<1024x16xbf16> to vector<1024x16xf32>
    %get3A_62 = arith.constant 0 : index
    %get3A_63 = arith.constant 0 : index
    %get3A_64 = vector.load %arg8[%get3A_62, %get3A_63] : memref<1024x16xbf16, #tpu.memory_space<vmem>>, vector<1024x16xbf16>
    %convert_element_type3A_65 = arith.extf %get3A_64 : vector<1024x16xbf16> to vector<1024x16xf32>
    %add3A_66 = arith.addf %convert_element_type3A_61, %convert_element_type3A_65 : vector<1024x16xf32>
    %mul3A_67 = vector.broadcast %get3A_1 : vector<1024x1xf32> to vector<1024x16xf32>
    %mul3A_68 = arith.mulf %mul3A_67, %add3A_66 : vector<1024x16xf32>
    %add3A_69 = vector.broadcast %get3A_57 : vector<1x16xf32> to vector<1024x16xf32>
    %add3A_70 = arith.addf %mul3A_68, %add3A_69 : vector<1024x16xf32>
    %max3A_71 = arith.constant 0.000000e+00 : f32
    %max3A_72 = vector.broadcast %max3A_71 : f32 to vector<1024x16xf32>
    %max3A_73 = arith.maximumf %add3A_70, %max3A_72 : vector<1024x16xf32>
    %concatenate3A = tpu.concatenate %max3A_16, %max3A_35, %max3A_54, %max3A_73 in 1 : vector<1024x16xf32>, vector<1024x16xf32>, vector<1024x16xf32>, vector<1024x16xf32> -> vector<1024x64xf32>
    %iota3A = tpu.iota {dimensions = array<i32: 0>} : vector<1024x1xi32>
    %mul3A_74 = arith.constant 1024 : i32
    %mul3A_75 = arith.muli %arg0, %mul3A_74 : i32
    %add3A_76 = vector.broadcast %mul3A_75 : i32 to vector<1024x1xi32>
    %add3A_77 = arith.addi %iota3A, %add3A_76 : vector<1024x1xi32>
    %lt3A = arith.constant 50000 : i32
    %lt3A_78 = vector.broadcast %lt3A : i32 to vector<1024x1xi32>
    %lt3A_79 = arith.cmpi slt, %add3A_77, %lt3A_78 : vector<1024x1xi32>
    %jit3A = arith.constant 0.000000e+00 : f32
    %broadcast_in_dim3A = vector.shape_cast %lt3A_79 : vector<1024x1xi1> to vector<1024x1xi1>
    %broadcast_in_dim3A_80 = vector.broadcast %broadcast_in_dim3A : vector<1024x1xi1> to vector<1024x64xi1>
    %broadcast_in_dim3A_81 = vector.broadcast %jit3A : f32 to vector<1024x64xf32>
    %select_n3A = arith.select %broadcast_in_dim3A_80, %concatenate3A, %broadcast_in_dim3A_81 : vector<1024x64xi1>, vector<1024x64xf32>
    %eq3A = arith.constant 0 : i32
    %eq3A_82 = arith.cmpi eq, %arg0, %eq3A : i32
    %convert_element_type3A_83 = arith.extui %eq3A_82 : i1 to i32
    %cond3A = arith.constant 0 : i32
    %cond3A_84 = arith.cmpi ne, %convert_element_type3A_83, %cond3A : i32
    scf.if %cond3A_84 {
      %broadcast_in_dim3A_98 = arith.constant 0.000000e+00 : f32
      %broadcast_in_dim3A_99 = vector.broadcast %broadcast_in_dim3A_98 : f32 to vector<1x64xf32>
      %swap3A_100 = arith.constant 0 : index
      %swap3A_101 = arith.constant 0 : index
      %swap3A_102 = vector.load %arg14[%swap3A_100, %swap3A_101] : memref<1x64xf32, #tpu.memory_space<vmem>>, vector<1x64xf32>
      tpu.vector_store %arg14[%swap3A_100, %swap3A_101], %broadcast_in_dim3A_99 {strides = array<i32>} : memref<1x64xf32, #tpu.memory_space<vmem>>, vector<1x64xf32>,
    } else {
    }
    %get3A_85 = arith.constant 0 : index
    %get3A_86 = arith.constant 0 : index
    %get3A_87 = vector.load %arg14[%get3A_85, %get3A_86] : memref<1x64xf32, #tpu.memory_space<vmem>>, vector<1x64xf32>
    %reduce_sum3A = arith.constant dense<0.000000e+00> : vector<64xf32>
    %reduce_sum3A_88 = vector.multi_reduction <add>, %select_n3A, %reduce_sum3A [0] : vector<1024x64xf32> to vector<64xf32>
    %broadcast_in_dim3A_89 = vector.shape_cast %reduce_sum3A_88 : vector<64xf32> to vector<1x64xf32>
    %add3A_90 = arith.addf %get3A_87, %broadcast_in_dim3A_89 : vector<1x64xf32>
    %swap3A = arith.constant 0 : index
    %swap3A_91 = arith.constant 0 : index
    %swap3A_92 = vector.load %arg14[%swap3A, %swap3A_91] : memref<1x64xf32, #tpu.memory_space<vmem>>, vector<1x64xf32>
    tpu.vector_store %arg14[%swap3A, %swap3A_91], %add3A_90 {strides = array<i32>} : memref<1x64xf32, #tpu.memory_space<vmem>>, vector<1x64xf32>,
    %eq3A_93 = arith.constant 49 : i32
    %eq3A_94 = arith.cmpi eq, %arg0, %eq3A_93 : i32
    %convert_element_type3A_95 = arith.extui %eq3A_94 : i1 to i32
    %cond3A_96 = arith.constant 0 : i32
    %cond3A_97 = arith.cmpi ne, %convert_element_type3A_95, %cond3A_96 : i32
    scf.if %cond3A_97 {
      %get3A_98 = arith.constant 0 : index
      %get3A_99 = arith.constant 0 : index
      %get3A_100 = vector.load %arg14[%get3A_98, %get3A_99] : memref<1x64xf32, #tpu.memory_space<vmem>>, vector<1x64xf32>
      %mul3A_101 = arith.constant 2.000000e-05 : f32
      %mul3A_102 = vector.broadcast %mul3A_101 : f32 to vector<1x64xf32>
      %mul3A_103 = arith.mulf %get3A_100, %mul3A_102 : vector<1x64xf32>
      %get3A_104 = arith.constant 0 : index
      %get3A_105 = arith.constant 0 : index
      %get3A_106 = vector.load %arg11[%get3A_104, %get3A_105] : memref<64x4xf32, #tpu.memory_space<vmem>>, vector<64x4xf32>
      %dot_general3A = arith.constant dense<0.000000e+00> : vector<1x4xf32>
      %dot_general3A_107 = tpu.matmul %mul3A_103, %get3A_106, %dot_general3A {dimension_numbers = #tpu.dot_dimension_numbers<[1], [0], [0], [1], [0, 0, 1, 1], [], []>, transpose_lhs_hint = false} : vector<1x64xf32>, vector<64x4xf32>, vector<1x4xf32> -> vector<1x4xf32>
      %get3A_108 = arith.constant 0 : index
      %get3A_109 = arith.constant 0 : index
      %get3A_110 = vector.load %arg12[%get3A_108, %get3A_109] : memref<1x4xf32, #tpu.memory_space<vmem>>, vector<1x4xf32>
      %add3A_111 = arith.addf %dot_general3A_107, %get3A_110 : vector<1x4xf32>
      %swap3A_112 = arith.constant 0 : index
      %swap3A_113 = arith.constant 0 : index
      %swap3A_114 = vector.load %arg13[%swap3A_112, %swap3A_113] : memref<1x4xf32, #tpu.memory_space<vmem>>, vector<1x4xf32>
      tpu.vector_store %arg13[%swap3A_112, %swap3A_113], %add3A_111 {strides = array<i32>} : memref<1x4xf32, #tpu.memory_space<vmem>>, vector<1x4xf32>,
    } else {
    }
    return
  }
  func.func @transform_0(%arg0: i32) -> (i32, i32) {
    %c0_i32 = arith.constant 0 : i32
    %c0_i32_0 = arith.constant 0 : i32
    return %arg0, %c0_i32 : i32, i32
  }
  func.func @transform_1(%arg0: i32) -> (i32, i32) {
    %c0_i32 = arith.constant 0 : i32
    %c0_i32_0 = arith.constant 0 : i32
    return %arg0, %c0_i32 : i32, i32
  }
  func.func @transform_2(%arg0: i32) -> (i32, i32) {
    %c0_i32 = arith.constant 0 : i32
    %c0_i32_0 = arith.constant 0 : i32
    return %arg0, %c0_i32 : i32, i32
  }
  func.func @transform_3(%arg0: i32) -> (i32, i32) {
    %c0_i32 = arith.constant 0 : i32
    %c0_i32_0 = arith.constant 0 : i32
    return %arg0, %c0_i32 : i32, i32
  }
  func.func @transform_4(%arg0: i32) -> (i32, i32) {
    %c0_i32 = arith.constant 0 : i32
    %c0_i32_0 = arith.constant 0 : i32
    return %arg0, %c0_i32 : i32, i32
  }
  func.func @transform_5(%arg0: i32) -> (i32, i32) {
    %c0_i32 = arith.constant 0 : i32
    %c0_i32_0 = arith.constant 0 : i32
    return %arg0, %c0_i32 : i32, i32
  }
  func.func @transform_6(%arg0: i32) -> (i32, i32) {
    %c0_i32 = arith.constant 0 : i32
    %c0_i32_0 = arith.constant 0 : i32
    return %arg0, %c0_i32 : i32, i32
  }
  func.func @transform_7(%arg0: i32) -> (i32, i32) {
    %c0_i32 = arith.constant 0 : i32
    %c0_i32_0 = arith.constant 0 : i32
    return %arg0, %c0_i32 : i32, i32
  }
  func.func @transform_8(%arg0: i32) -> (i32, i32) {
    %c0_i32 = arith.constant 0 : i32
    %c0_i32_0 = arith.constant 0 : i32
    return %arg0, %c0_i32 : i32, i32
  }
  func.func @transform_9(%arg0: i32) -> (i32, i32) {
    %c0_i32 = arith.constant 0 : i32
    %c0_i32_0 = arith.constant 0 : i32
    %c0_i32_1 = arith.constant 0 : i32
    return %c0_i32, %c0_i32_0 : i32, i32
  }
  func.func @transform_10(%arg0: i32) -> (i32, i32) {
    %c0_i32 = arith.constant 0 : i32
    %c0_i32_0 = arith.constant 0 : i32
    %c0_i32_1 = arith.constant 0 : i32
    return %c0_i32, %c0_i32_0 : i32, i32
  }
  func.func @transform_11(%arg0: i32) -> (i32, i32) {
    %c0_i32 = arith.constant 0 : i32
    %c0_i32_0 = arith.constant 0 : i32
    %c0_i32_1 = arith.constant 0 : i32
    return %c0_i32, %c0_i32_0 : i32, i32
  }
  func.func @transform_12(%arg0: i32) -> (i32, i32) {
    %c0_i32 = arith.constant 0 : i32
    %c0_i32_0 = arith.constant 0 : i32
    %c0_i32_1 = arith.constant 0 : i32
    return %c0_i32, %c0_i32_0 : i32, i32
  }
}

</mosaic_0001>

<sc_bundles>
// kernel: kernel.11.cloned.1.call-start
scs
__scs_entry_jumppad:
0x0: {  	(pc) =	sbr.rel $0x88, $3  }
0x1: {  	(tag) =	ssettag $0x0;
	lr =	simm.s32 $0x1  }
0x2: {  	[smem:$0x3F99] =	sst lr;
	_ =	strace $0xD0000000  }
0x3: {  	_ = 	snop  }
0x4: {  	_ = 	snop  }
0x5: {  	_ = 	snop  }
0x6: {  	_ = 	snop  }
0x7: {  	_ = 	snop  }
__scs_overlays_trampoline_lowered:
0x8: {  	[smem:$0x3FA8] =	sst s0  }
0x9: {  	[smem:$0x3FA9] =	sst s1  }
0xa: {  	[smem:$0x3FAA] =	sst s2  }
0xb: {  	[smem:$0x3FAB] =	sst s3  }
0xc: {  	[smem:$0x3FAC] =	sst s4  }
0xd: {  	[smem:$0x3FAD] =	sst s5  }
0xe: {  	[smem:$0x3FAE] =	sst s6  }
0xf: {  	[smem:$0x3FAF] =	sst s7  }
0x10: {  	[smem:$0x3FB0] =	sst s8  }
0x11: {  	[smem:$0x3FB1] =	sst s9;
	s0 =	simm.s32 @!p0 $0x0  }
0x12: {  	s1 =	sld [smem:$0x3F97];
	s0 =	simm.s32 @p0 $0x1  }
0x13: {  	[smem:$0x3FB2] =	sst s0;
	s0 =	simm.s32 @!p1 $0x0  }
0x14: {  	s2 =	sld [smem:$0x3F96];
	s0 =	simm.s32 @p1 $0x1  }
0x15: {  	[smem:$0x3FB3] =	sst s0;
	s0 =	simm.s32 @!p2 $0x0  }
0x16: {  	s3 =	sld [smem:$0x3FDB];
	s0 =	simm.s32 @p2 $0x1  }
0x17: {  	s4 =	simm.s32 $0x1BF5;
	[smem:$0x3FB5] =	sst s0  }
0x18: {  	s0 =	sld [smem:$0x3F98];
	_ =	swait.ge [sflag:s4], $0x0  }
0x19: {  	s7 =	sld [smem:$0x3F99]  }
0x1a: {  	s8 =	sadd.s32 $0xFFFFE003, lr  }
0x1b: {  	s9 =	sadd.s32 $0xFFFFFEF7, lr;
	s5 =	simm.s32 $0xFFFFFFFF;
	p2 =	slt.u32 s8, $0xFFFFF086  }
0x1c: {  	p1 =	slt.u32 s9, $0xF7A;
	s5 =	simm.s32 @!p2 $0x0  }
0x1d: {  	s5 =	simm.s32 @p1 $0x1;
	p0 =	seq.s32 s7, s2  }
0x1e: {  	s7 =	smul.u32 @!p0 $0xF7A, s2;
	p2 =	seq.s32 @!p0 s5, $0x0  }
0x1f: {  	s9 =	smul.u32 $0xF7A, s1;
	s8 =	simm.s32 @!p0 $0x1BF5;
	p2 =	por !p2, p0  }
0x20: {  	[sflag:s8] =	ssyncset.s32 @!p0 $0xFFFFF086;
	s6 =	sadd.s32 @!p0 s3, s7;
	s7 =	simm.s32 @!p0 $0x108  }
0x21: {  	s3 =	sadd.s32 s3, s9;
	s6 =	sadd.s32 @!p0 $0x88, s6;
	s7 =	simm.s32 @p2 $0x1082  }
0x22: {  	[simem:s7], [sflag:s8] =	dma.local @!p0 [hbm:s6], $0xF7A  }
0x23: {  	s9 =	sor.u32 $0xD0000000, s2;
	s6 =	simm.s32 $0x108;
	_ =	swait.ge @!p0 [sflag:s8], $0x0  }
0x24: {  	s3 =	sadd.s32 $0x88, s3;
	s6 =	simm.s32 @!p1 $0x1082;
	[sflag:s4] =	ssyncset.s32 $0xFFFFF086  }
0x25: {  	[simem:s6], [sflag:s4] =	dma.local [hbm:s3], $0xF7A  }
0x26: {  	[smem:$0x3F99] =	sst s1;
	(tag) =	ssettag s2;
	_ =	strace s9  }
0x27: {  	s1 =	sld [smem:$0x3FA9]  }
0x28: {  	s2 =	sld [smem:$0x3FAA]  }
0x29: {  	s4 =	sld [smem:$0x3FAC]  }
0x2a: {  	p0 =	seq.s32 s5, $0x0;
	s5 =	sld [smem:$0x3FAD]  }
0x2b: {  	s6 =	sld [smem:$0x3FAE]  }
0x2c: {  	s7 =	sld [smem:$0x3FAF]  }
0x2d: {  	s3 =	simm.s32 $0x108;
	s8 =	sld [smem:$0x3FB0]  }
0x2e: {  	s3 =	simm.s32 @!p0 $0x1082;
	s9 =	sld [smem:$0x3FB1]  }
0x2f: {  	lr =	sadd.s32 s0, s3;
	s0 =	sld [smem:$0x3FA8]  }
0x30: {  	s3 =	sld [smem:$0x3FAB]  }
0x31: {  	[smem:$0x3FB4] =	sst s10  }
0x32: {  	s10 =	sld [smem:$0x3FB2];
	_ =	sdelay $0x3  }
0x33: {  	p0 =	seq.s32 s10, $0x1;
	s10 =	sld [smem:$0x3FB4];
	_ =	sdelay $0x3  }
0x34: {  	[smem:$0x3FB4] =	sst s10  }
0x35: {  	s10 =	sld [smem:$0x3FB3];
	_ =	sdelay $0x3  }
0x36: {  	p1 =	seq.s32 s10, $0x1;
	s10 =	sld [smem:$0x3FB4];
	_ =	sdelay $0x3  }
0x37: {  	[smem:$0x3FB4] =	sst s10  }
0x38: {  	s10 =	sld [smem:$0x3FB5]  }
0x39: {  	_ = 	snop;
	(pc) =	sbr.ind lr, $3  }
0x3a: {  	_ = 	snop  }
0x3b: {  	_ = 	snop  }
0x3c: {  	p2 =	seq.s32 s10, $0x1;
	s10 =	sld [smem:$0x3FB4]  }
0x3d: {  	_ =	shalt  }
0x3e: {  	_ =	shalt  }
0x3f: {  	_ =	shalt  }
0x40: {  	_ =	shalt  }
0x41: {  	_ =	shalt  }
0x42: {  	_ =	shalt  }
0x43: {  	_ =	shalt  }
0x44: {  	_ =	shalt  }
0x45: {  	_ =	shalt  }
0x46: {  	_ =	shalt  }
0x47: {  	_ =	shalt  }
0x48: {  	_ =	shalt  }
0x49: {  	_ =	shalt  }
0x4a: {  	_ =	shalt  }
0x4b: {  	_ =	shalt  }
0x4c: {  	_ =	shalt  }
0x4d: {  	_ =	shalt  }
0x4e: {  	_ =	shalt  }
0x4f: {  	_ =	shalt  }
0x50: {  	_ =	shalt  }
0x51: {  	_ =	shalt  }
0x52: {  	_ =	shalt  }
0x53: {  	_ =	shalt  }
0x54: {  	_ =	shalt  }
0x55: {  	_ =	shalt  }
0x56: {  	_ =	shalt  }
0x57: {  	_ =	shalt  }
0x58: {  	_ =	shalt  }
0x59: {  	_ =	shalt  }
0x5a: {  	_ =	shalt  }
0x5b: {  	_ =	shalt  }
0x5c: {  	_ =	shalt  }
0x5d: {  	_ =	shalt  }
0x5e: {  	_ =	shalt  }
0x5f: {  	_ =	shalt  }
0x60: {  	_ =	shalt  }
0x61: {  	_ =	shalt  }
0x62: {  	_ =	shalt  }
0x63: {  	_ =	shalt  }
0x64: {  	_ =	shalt  }
0x65: {  	_ =	shalt  }
0x66: {  	_ =	shalt  }
0x67: {  	_ =	shalt  }
0x68: {  	_ =	shalt  }
0x69: {  	_ =	shalt  }
0x6a: {  	_ =	shalt  }
0x6b: {  	_ =	shalt  }
0x6c: {  	_ =	shalt  }
0x6d: {  	_ =	shalt  }
0x6e: {  	_ =	shalt  }
0x6f: {  	_ =	shalt  }
0x70: {  	_ =	shalt  }
0x71: {  	_ =	shalt  }
0x72: {  	_ =	shalt  }
0x73: {  	_ =	shalt  }
0x74: {  	_ =	shalt  }
0x75: {  	_ =	shalt  }
0x76: {  	_ =	shalt  }
0x77: {  	_ =	shalt  }
0x78: {  	_ =	shalt  }
0x79: {  	_ =	shalt  }
0x7a: {  	_ =	shalt  }
0x7b: {  	_ =	shalt  }
0x7c: {  	_ =	shalt  }
0x7d: {  	_ =	shalt  }
0x7e: {  	_ =	shalt  }
0x7f: {  	_ =	shalt  }
0x80: {  	_ =	shalt  }
0x81: {  	_ =	shalt  }
0x82: {  	_ =	shalt  }
0x83: {  	_ =	shalt  }
0x84: {  	_ =	shalt  }
0x85: {  	_ =	shalt  }
0x86: {  	_ =	shalt  }
0x87: {  	_ =	shalt  }
.Lfunc_end0:
.L_simem_size_0:
called_computation.1_lowered:
.L_overlay_start_0:
0x88: {  	s2 =	sld [smem:$0x3FD9]  }
0x89: {  	s3 =	sld [smem:$0x3FFE];
	_ =	sdelay $0x1  }
0x8a: {  	s1 =	srdreg.scid  }
0x8b: {  	s0 =	sand.u32 $0x1, s1  }
0x8c: {  	s16 =	sshll.u32 s0, $0xA;
	s2 =	sadd.s32 s3, s2  }
0x8d: {  	s2 =	sadd.s32 s2, s16  }
0x8e: {  	[smem:$0x3FC0] =	sst s2  }
0x8f: {  	_ = 	snop  }
0x90: {  	(tm) =	ssettm $0x1  }
0x91: {  	s17 =	sld [smem:$0x3FFB];
	_ =	sdelay $0x3  }
0x92: {  	_ =	strace s17  }
0x93: {  	s2 =	sld [smem:$0x3FFC];
	_ =	sdelay $0x3  }
0x94: {  	_ =	strace s2  }
0x95: {  	s2 =	sld [smem:$0x3FFD];
	_ =	sdelay $0x3  }
0x96: {  	_ =	strace s2  }
0x97: {  	_ =	strace $0x8FFFFFFF  }
0x98: {  	s18 =	sld [smem:$0x3FDB];
	_ =	sdelay $0x1  }
0x99: {  	s19 =	simm.s32 $_scs_section_size  }
0x9a: {  	s4 =	simm.s32 $_size__tile_overlayer_lowered;
	s5 =	simm.s32 $_tile_overlayer_lowered  }
0x9b: {  	s22 =	simm.s32 $0x1BFF;
	s21 =	sshll.u32 s5, $0x1;
	s2 =	sadd.s32 s19, s18  }
0x9c: {  	s6 =	simm.s32 $0x0;
	s20 =	sshll.u32 s4, $0x1;
	s4 =	sadd.s32 s21, s2  }
0x9d: {  	[timem:s6], [sflag:s22] =	dma.local [hbm:s4], s20  }
0x9e: {  	_ =	swait.ge [sflag:s22], s20  }
0x9f: {  	s3 =	ssub.s32 $0x0, s20;
	[sflag:s22] =	ssyncset.done $0x0  }
0xa0: {  	[sflag:s22] =	ssyncadd.s32 s3;
	_ =	sdelay $0x1  }
0xa1: {  	s23 =	simm.s32 $0x1B8B  }
0xa2: {  	_ =	swait.ge [sflag:s23], $0x1  }
0xa3: {  	[sflag:s23] =	ssyncset.done $0x0  }
0xa4: {  	s25 =	simm.s32 $0x1B8E;
	s24 =	sld [smem:$0x3FFE];
	[sflag:s23] =	ssyncadd.s32 $0xFFFFFFFF  }
0xa5: {  	s26 =	simm.s32 $execute0_lowered;
	[smem:$0x3FD2] =	sst s25  }
0xa6: {  	s4 =	sshll.u32 s26, $0x1;
	_ =	strace $0x80000049;
	[dreg:$0x1] =	wrdreg $0xFFFFFFFF  }
0xa7: {  	s28 =	simm.s32 $_size_execute0_lowered;
	s2 =	sadd.s32 s2, s4;
	[dreg:$0x0] =	wrdreg $0x0  }
0xa8: {  	s4 =	sshll.u32 s28, $0x1;
	[dreg:$0x2] =	wrdreg s2  }
0xa9: {  	[dreg:$0x3] =	wrdreg s4  }
0xaa: {  	[dreg:$0x4] =	wrdreg $0xC0  }
0xab: {  	_ =	task [dreg:s6], $0x5FFFF  }
0xac: {  	[dreg:$0x1] =	wrdreg $0xFFFFFFFF  }
0xad: {  	[dreg:$0x0] =	wrdreg $0x60  }
0xae: {  	[dreg:$0x2] =	wrdreg s24  }
0xaf: {  	[dreg:$0x3] =	wrdreg $0xD0000  }
0xb0: {  	[dreg:$0x4] =	wrdreg $0x9  }
0xb1: {  	_ =	task.clear_ibuf [dreg:s6], $0x5FFFF;
	_ =	strace $0x90000049  }
0xb2: {  	s29 =	simm.s32 $0x9;
	_ =	strace $0x8000004B  }
0xb3: {  	_ =	swait.ge [sflag:s29], $0x1  }
0xb4: {  	[sflag:s29] =	ssyncadd.s32 $0xFFFFFFFF  }
0xb5: {  	_ =	strace $0x9000004B  }
0xb6: {  	_ =	sfence  }
0xb7: {  	s30 =	sld [smem:$0x0];
	_ =	sdelay $0x2  }
0xb8: {  	s31 =	sshll.u32 s1, $0xD;
	s1 =	sshrl.u32 s1, $0x2  }
0xb9: {  	s3 =	sand.u32 $0x4000, s31;
	s1 =	sadd.s32 s1, s30  }
0xba: {  	s0 =	sor.u32 s3, s0;
	s1 =	sshll.u32 s1, $0x11  }
0xbb: {  	s0 =	sor.u32 s1, s0  }
0xbc: {  	s0 =	sadd.s32 $0x8F2B, s0  }
0xbd: {  	[sflag:s0] =	ssyncadd.remote.s32 $0x1  }
0xbe: {  	_ =	sfence.sel $0xFFFF  }
0xbf: {  	[dreg:$0x0] =	wrdreg $0xFFFFFFFF;
	(pc) =	sbr.abs _section_cstart, $3  }
0xc0: {  	[dreg:$0x1] =	wrdreg $0xFFFFFFFF  }
0xc1: {  	_ =	task.clear_ibuf [dreg:s6], $0x2FFFF;
	_ =	strace $0x9FFFFFFF  }
0xc2: {  	(tm) =	ssettm $0x7FFFFFFF  }
0xc3: {  	_ =	shalt  }
tec
execute0_lowered:
.L_overlay_start_1:
0x0: {  	(tag) =	ssettag $0x1  }
0x1: {  	s1 =	srdreg.scid;
	s6 =	rddreg [dreg:$0x0]  }
0x2: {  	s0 =	stileid.u32;
	s2 =	rddreg [dreg:$0x1]  }
0x3: {  	s3 =	simm.s32 $0x0;
	s13 =	simm.s32 $0x6400;
	s14 =	simm.s32 $0x80  }
0x4: {  	s15 =	simm.s32 $0xC800;
	s16 =	simm.s32 $0x1;
	s17 =	simm.s32 $0xCC00  }
0x5: {  	s18 =	simm.s32 $0x6380;
	s19 =	simm.s32 $0xC700;
	s20 =	simm.s32 $0xC780  }
0x6: {  	s21 =	simm.s32 $0x0;
	s5 =	sand.u32 $0x1, s1;
	s29 =	sshll.u32 s0, $0x1  }
0x7: {  	s8 =	smul.u32 $0x6400, s0;
	[smem:$0x7FF] =	sst s3;
	s4 =	sadd.s32 $0x1BA00, s6  }
0x8: {  	s31 =	sshll.u32 s0, $0x6;
	s1 =	sor.u32 s5, s29;
	s9 =	smul.u32 $0x64000, s5  }
0x9: {  	s5 =	ssub.s32 $0x2, s5;
	s7 =	smul.u32 $0xC80, s1;
	s1 =	rddreg [dreg:$0x2]  }
0xa: {  	_ =	strace $0x8000004A;
	s30 =	sshrl.u32 s8, $0x3;
	s11 =	sshrl.u32 s5, $0x1  }
0xb: {  	s12 =	sadd.s32 s8, s2;
	s9 =	sadd.s32 s8, s9;
	s11 =	ssub.s32 s5, s11  }
0xc: {  	s10 =	sadd.s32 s7, s6;
	s7 =	sadd.s32 s30, s6;
	s9 =	sshrl.u32 s9, $0x3  }
0xd: {  	s9 =	sadd.s32 s9, s6;
	s5 =	sadd.s32 $0x28200, s7;
	s6 =	sor.u32 $0x1C02, s31  }
0xe: {  	s7 =	sadd.s32 $0xE8600, s10;
	s8 =	sadd.s32 $0x2A00, s10;
	s10 =	smax.u32 s11, $0x1  }
0xf: {  	s11 =	sshrl.u32 s12, $0x3;
	s12 =	simm.s32 $0x2;
	s9 =	sadd.s32 $0x34A00, s9  }
.LBB2_1:
0x10: {  	[spmem:s11], [sflag:s6] =	dma.local [hbm:s5], $0xC80  }
0x11: {  	_ =	swait.ge [sflag:s12], $0xC80  }
0x12: {  	[sflag:s12] =	ssyncset.done $0x0  }
0x13: {  	[sflag:s12] =	ssyncadd.s32 $0xFFFFF380  }
0x14: {  	[tilespmem:s3], [sflag:$0x2] =	stream.linear.gather [hbm4b:s7+s3], $0x6400, $0x38;
	[tilespmem:$0x13400] =	vst v63  }
0x15: {  	_ =	swait.ge [sflag:s12], $0x6400  }
0x16: {  	[sflag:s12] =	ssyncset.done $0x0  }
0x17: {  	[sflag:s12] =	ssyncadd.s32 $0xFFFF9C00  }
0x18: {  	[tilespmem:s13], [sflag:$0x2] =	stream.linear.gather [hbm4b:s8+s3], $0x6400, $0x38;
	[tilespmem:$0x13400] =	vst v63  }
0x19: {  	_ =	swait.ge [sflag:s12], $0x6400  }
0x1a: {  	[sflag:s12] =	ssyncset.done $0x0  }
0x1b: {  	[sflag:s12] =	ssyncadd.s32 $0xFFFF9C00  }
0x1c: {  	[bflag:$0x0] =	sbarrier.arrive $0xFFFF  }
0x1d: {  	[tilespmem:s15], [sflag:$0x1] =	stream.indirect.gather [hbm4b:s4+s14], $0x8, s3, s14, $0xb8;
	[tilespmem:$0x13400] =	vst v63  }
0x1e: {  	_ =	swait.ge [sflag:s16], $0x400  }
0x1f: {  	[sflag:s16] =	ssyncset.done $0x0  }
0x20: {  	s22 =	simm.s32 $0x80;
	[sflag:s16] =	ssyncadd.s32 $0xFFFFFC00  }
0x21: {  	[tilespmem:s17], [sflag:$0x1] =	stream.indirect.gather [hbm4b:s4+s14], $0x8, s22, s14, $0xb8;
	[tilespmem:$0x13400] =	vst v63  }
0x22: {  	s29 =	simm.s32 $0x6400  }
0x23: {  	[spmem:s2] =	stream.indirect.scatter.add.f32 [tilespmem:s15], [sflag:$0x2], $0x8, s29, s14, $0xb8;
	[tilespmem:$0x13400] =	vst v63  }
0x24: {  	_ =	swait.ge [sflag:s12], $0x400  }
0x25: {  	[sflag:s12] =	ssyncset.done $0x0  }
0x26: {  	[sflag:s12] =	ssyncadd.s32 $0xFFFFFC00  }
0x27: {  	_ =	swait.ge [sflag:s16], $0x400  }
0x28: {  	[sflag:s16] =	ssyncset.done $0x0  }
0x29: {  	s30 =	simm.s32 $0x100;
	[sflag:s16] =	ssyncadd.s32 $0xFFFFFC00  }
0x2a: {  	[tilespmem:s15], [sflag:$0x1] =	stream.indirect.gather [hbm4b:s4+s14], $0x8, s30, s14, $0xb8;
	[tilespmem:$0x13400] =	vst v63  }
0x2b: {  	s31 =	simm.s32 $0x6480  }
0x2c: {  	[spmem:s2] =	stream.indirect.scatter.add.f32 [tilespmem:s17], [sflag:$0x2], $0x8, s31, s14, $0xb8;
	[tilespmem:$0x13400] =	vst v63  }
0x2d: {  	_ =	swait.ge [sflag:s12], $0x400  }
0x2e: {  	s22 =	simm.s32 $0x400;
	[sflag:s12] =	ssyncset.done $0x0  }
.LBB2_2:
0x2f: {  	p0 =	sne.s32 s22, $0x18800  }
0x30: {  	[sflag:s12] =	ssyncadd.s32 $0xFFFFFC00;
	s23 =	smov.u32 s22;
	s22 =	sadd.s32 $0x400, s22  }
0x31: {  	_ = 	snop  }
0x32: {  	_ =	swait.ge [sflag:s16], $0x400  }
0x33: {  	s23 =	sshra.s32 s23, $0x2;
	[sflag:s16] =	ssyncset.done $0x0  }
0x34: {  	s24 =	sadd.s32 $0x80, s23;
	[sflag:s16] =	ssyncadd.s32 $0xFFFFFC00  }
0x35: {  	[tilespmem:s17], [sflag:$0x1] =	stream.indirect.gather [hbm4b:s4+s14], $0x8, s24, s14, $0xb8;
	[tilespmem:$0x13400] =	vst v63  }
0x36: {  	s24 =	sadd.s32 $0x6400, s23  }
0x37: {  	[spmem:s2] =	stream.indirect.scatter.add.f32 [tilespmem:s15], [sflag:$0x2], $0x8, s24, s14, $0xb8;
	[tilespmem:$0x13400] =	vst v63  }
0x38: {  	_ =	swait.ge [sflag:s12], $0x400  }
0x39: {  	[sflag:s12] =	ssyncset.done $0x0  }
0x3a: {  	[sflag:s12] =	ssyncadd.s32 $0xFFFFFC00  }
0x3b: {  	_ =	swait.ge [sflag:s16], $0x400  }
0x3c: {  	[sflag:s16] =	ssyncset.done $0x0  }
0x3d: {  	s24 =	sadd.s32 $0x100, s23;
	[sflag:s16] =	ssyncadd.s32 $0xFFFFFC00  }
0x3e: {  	[tilespmem:s15], [sflag:$0x1] =	stream.indirect.gather [hbm4b:s4+s14], $0x8, s24, s14, $0xb8;
	[tilespmem:$0x13400] =	vst v63  }
.Ltmp0:
0x3f: {  	_ = 	snop;
	(pc) =	sbr.rel @p0 .LBB2_2-.Ltmp0, $4  }
0x40: {  	s23 =	sadd.s32 $0x6480, s23  }
0x41: {  	[spmem:s2] =	stream.indirect.scatter.add.f32 [tilespmem:s17], [sflag:$0x2], $0x8, s23, s14, $0xb8;
	[tilespmem:$0x13400] =	vst v63  }
0x42: {  	_ =	swait.ge [sflag:s12], $0x400  }
0x43: {  	[sflag:s12] =	ssyncset.done $0x0  }
0x44: {  	[sflag:s12] =	ssyncadd.s32 $0xFFFFFC00  }
0x45: {  	_ =	swait.ge [sflag:s16], $0x400  }
0x46: {  	[sflag:s16] =	ssyncset.done $0x0  }
0x47: {  	[sflag:s16] =	ssyncadd.s32 $0xFFFFFC00  }
0x48: {  	[tilespmem:s17], [sflag:$0x1] =	stream.indirect.gather [hbm4b:s4+s14], $0x8, s18, s14, $0xb8;
	[tilespmem:$0x13400] =	vst v63  }
0x49: {  	_ = 	snop  }
0x4a: {  	[spmem:s2] =	stream.indirect.scatter.add.f32 [tilespmem:s15], [sflag:$0x2], $0x8, s19, s14, $0xb8;
	[tilespmem:$0x13400] =	vst v63  }
0x4b: {  	_ =	swait.ge [sflag:s12], $0x400  }
0x4c: {  	[sflag:s12] =	ssyncset.done $0x0  }
0x4d: {  	[sflag:s12] =	ssyncadd.s32 $0xFFFFFC00  }
0x4e: {  	_ =	swait.ge [sflag:s16], $0x400  }
0x4f: {  	[sflag:s16] =	ssyncset.done $0x0  }
0x50: {  	[sflag:s16] =	ssyncadd.s32 $0xFFFFFC00  }
0x51: {  	[spmem:s2] =	stream.indirect.scatter.add.f32 [tilespmem:s17], [sflag:$0x2], $0x8, s20, s14, $0xb8;
	[tilespmem:$0x13400] =	vst v63  }
0x52: {  	_ =	swait.ge [sflag:s12], $0x400  }
0x53: {  	s21 =	sadd.s32 $0x1, s21;
	[sflag:s12] =	ssyncset.done $0x0  }
0x54: {  	p0 =	sne.s32 s21, s10;
	[sflag:s12] =	ssyncadd.s32 $0xFFFFFC00  }
.Ltmp1:
0x55: {  	[bflag:$0x0] =	sbarrier.arrive $0xFFFF;
	(pc) =	sbr.rel @p0 .LBB2_1-.Ltmp1, $4  }
0x56: {  	[hbm:s9], [sflag:s6] =	dma.local [spmem:s11], $0xC80  }
0x57: {  	_ =	swait.ge [sflag:s12], $0xC80  }
0x58: {  	[sflag:s12] =	ssyncset.done $0x0  }
0x59: {  	[sflag:s12] =	ssyncadd.s32 $0xFFFFF380  }
0x5a: {  	_ =	sfence.sel $0x180000  }
0x5b: {  	[bflag:$0x0] =	sbarrier.arrive $0xFFFF  }
0x5c: {  	p0 =	sne.s32 s0, $0x0;
	_ =	strace $0x9000004A  }
0x5d: {  	s0 =	sadd.s32 @!p0 $0x100000, s1;
	[bflag:$0x2] =	sbarrier.arrive $0xFFFF  }
0x5e: {  	[sflag:s0] =	ssyncadd.tile.s32 @!p0 $0x1;
	_ =	shalt  }
.Lfunc_end2:
_tile_overlayer_lowered:
.L_overlay_start_2:
0x5f: {  	(tag) =	ssettag $0x2  }
0x60: {  	s0 =	rddreg [dreg:$0x0];
	s2 =	stileid.u32  }
0x61: {  	s1 =	rddreg [dreg:$0x1];
	p0 =	sne.s32 s2, $0x0  }
0x62: {  	s3 =	rddreg [dreg:$0x2];
	[bflag:$0x3] =	sbarrier.arrive $0xFFFF;
	s2 =	simm.s32 @!p0 $0x1C02  }
0x63: {  	[timem:s3], [sflag:s2] =	dma.local @!p0 [hbm:s0], s1  }
0x64: {  	s0 =	simm.s32 @!p0 $0x2  }
0x65: {  	_ =	swait.ge @!p0 [sflag:s0], s1  }
0x66: {  	s1 =	ssub.s32 @!p0 $0x0, s1;
	[sflag:s0] =	ssyncset.done @!p0 $0x0  }
0x67: {  	[sflag:s0] =	ssyncadd.s32 @!p0 s1  }
0x68: {  	[bflag:$0x3] =	sbarrier.arrive $0xFFFF  }
0x69: {  	_ =	shalt  }

// kernel: kernel.14.cloned.1.call-start
scs
__scs_entry_jumppad:
0x0: {  	(pc) =	sbr.rel $0x88, $3  }
0x1: {  	(tag) =	ssettag $0x0;
	lr =	simm.s32 $0x1  }
0x2: {  	[smem:$0x3F99] =	sst lr;
	_ =	strace $0xD0000000  }
0x3: {  	_ = 	snop  }
0x4: {  	_ = 	snop  }
0x5: {  	_ = 	snop  }
0x6: {  	_ = 	snop  }
0x7: {  	_ = 	snop  }
__scs_overlays_trampoline_lowered:
0x8: {  	[smem:$0x3FA8] =	sst s0  }
0x9: {  	[smem:$0x3FA9] =	sst s1  }
0xa: {  	[smem:$0x3FAA] =	sst s2  }
0xb: {  	[smem:$0x3FAB] =	sst s3  }
0xc: {  	[smem:$0x3FAC] =	sst s4  }
0xd: {  	[smem:$0x3FAD] =	sst s5  }
0xe: {  	[smem:$0x3FAE] =	sst s6  }
0xf: {  	[smem:$0x3FAF] =	sst s7  }
0x10: {  	[smem:$0x3FB0] =	sst s8  }
0x11: {  	[smem:$0x3FB1] =	sst s9;
	s0 =	simm.s32 @!p0 $0x0  }
0x12: {  	s1 =	sld [smem:$0x3F97];
	s0 =	simm.s32 @p0 $0x1  }
0x13: {  	[smem:$0x3FB2] =	sst s0;
	s0 =	simm.s32 @!p1 $0x0  }
0x14: {  	s2 =	sld [smem:$0x3F96];
	s0 =	simm.s32 @p1 $0x1  }
0x15: {  	[smem:$0x3FB3] =	sst s0;
	s0 =	simm.s32 @!p2 $0x0  }
0x16: {  	s3 =	sld [smem:$0x3FDB];
	s0 =	simm.s32 @p2 $0x1  }
0x17: {  	s4 =	simm.s32 $0x1BF5;
	[smem:$0x3FB5] =	sst s0  }
0x18: {  	s0 =	sld [smem:$0x3F98];
	_ =	swait.ge [sflag:s4], $0x0  }
0x19: {  	s7 =	sld [smem:$0x3F99]  }
0x1a: {  	s8 =	sadd.s32 $0xFFFFE003, lr  }
0x1b: {  	s9 =	sadd.s32 $0xFFFFFEF7, lr;
	s5 =	simm.s32 $0xFFFFFFFF;
	p2 =	slt.u32 s8, $0xFFFFF086  }
0x1c: {  	p1 =	slt.u32 s9, $0xF7A;
	s5 =	simm.s32 @!p2 $0x0  }
0x1d: {  	s5 =	simm.s32 @p1 $0x1;
	p0 =	seq.s32 s7, s2  }
0x1e: {  	s7 =	smul.u32 @!p0 $0xF7A, s2;
	p2 =	seq.s32 @!p0 s5, $0x0  }
0x1f: {  	s9 =	smul.u32 $0xF7A, s1;
	s8 =	simm.s32 @!p0 $0x1BF5;
	p2 =	por !p2, p0  }
0x20: {  	[sflag:s8] =	ssyncset.s32 @!p0 $0xFFFFF086;
	s6 =	sadd.s32 @!p0 s3, s7;
	s7 =	simm.s32 @!p0 $0x108  }
0x21: {  	s3 =	sadd.s32 s3, s9;
	s6 =	sadd.s32 @!p0 $0x88, s6;
	s7 =	simm.s32 @p2 $0x1082  }
0x22: {  	[simem:s7], [sflag:s8] =	dma.local @!p0 [hbm:s6], $0xF7A  }
0x23: {  	s9 =	sor.u32 $0xD0000000, s2;
	s6 =	simm.s32 $0x108;
	_ =	swait.ge @!p0 [sflag:s8], $0x0  }
0x24: {  	s3 =	sadd.s32 $0x88, s3;
	s6 =	simm.s32 @!p1 $0x1082;
	[sflag:s4] =	ssyncset.s32 $0xFFFFF086  }
0x25: {  	[simem:s6], [sflag:s4] =	dma.local [hbm:s3], $0xF7A  }
0x26: {  	[smem:$0x3F99] =	sst s1;
	(tag) =	ssettag s2;
	_ =	strace s9  }
0x27: {  	s1 =	sld [smem:$0x3FA9]  }
0x28: {  	s2 =	sld [smem:$0x3FAA]  }
0x29: {  	s4 =	sld [smem:$0x3FAC]  }
0x2a: {  	p0 =	seq.s32 s5, $0x0;
	s5 =	sld [smem:$0x3FAD]  }
0x2b: {  	s6 =	sld [smem:$0x3FAE]  }
0x2c: {  	s7 =	sld [smem:$0x3FAF]  }
0x2d: {  	s3 =	simm.s32 $0x108;
	s8 =	sld [smem:$0x3FB0]  }
0x2e: {  	s3 =	simm.s32 @!p0 $0x1082;
	s9 =	sld [smem:$0x3FB1]  }
0x2f: {  	lr =	sadd.s32 s0, s3;
	s0 =	sld [smem:$0x3FA8]  }
0x30: {  	s3 =	sld [smem:$0x3FAB]  }
0x31: {  	[smem:$0x3FB4] =	sst s10  }
0x32: {  	s10 =	sld [smem:$0x3FB2];
	_ =	sdelay $0x3  }
0x33: {  	p0 =	seq.s32 s10, $0x1;
	s10 =	sld [smem:$0x3FB4];
	_ =	sdelay $0x3  }
0x34: {  	[smem:$0x3FB4] =	sst s10  }
0x35: {  	s10 =	sld [smem:$0x3FB3];
	_ =	sdelay $0x3  }
0x36: {  	p1 =	seq.s32 s10, $0x1;
	s10 =	sld [smem:$0x3FB4];
	_ =	sdelay $0x3  }
0x37: {  	[smem:$0x3FB4] =	sst s10  }
0x38: {  	s10 =	sld [smem:$0x3FB5]  }
0x39: {  	_ = 	snop;
	(pc) =	sbr.ind lr, $3  }
0x3a: {  	_ = 	snop  }
0x3b: {  	_ = 	snop  }
0x3c: {  	p2 =	seq.s32 s10, $0x1;
	s10 =	sld [smem:$0x3FB4]  }
0x3d: {  	_ =	shalt  }
0x3e: {  	_ =	shalt  }
0x3f: {  	_ =	shalt  }
0x40: {  	_ =	shalt  }
0x41: {  	_ =	shalt  }
0x42: {  	_ =	shalt  }
0x43: {  	_ =	shalt  }
0x44: {  	_ =	shalt  }
0x45: {  	_ =	shalt  }
0x46: {  	_ =	shalt  }
0x47: {  	_ =	shalt  }
0x48: {  	_ =	shalt  }
0x49: {  	_ =	shalt  }
0x4a: {  	_ =	shalt  }
0x4b: {  	_ =	shalt  }
0x4c: {  	_ =	shalt  }
0x4d: {  	_ =	shalt  }
0x4e: {  	_ =	shalt  }
0x4f: {  	_ =	shalt  }
0x50: {  	_ =	shalt  }
0x51: {  	_ =	shalt  }
0x52: {  	_ =	shalt  }
0x53: {  	_ =	shalt  }
0x54: {  	_ =	shalt  }
0x55: {  	_ =	shalt  }
0x56: {  	_ =	shalt  }
0x57: {  	_ =	shalt  }
0x58: {  	_ =	shalt  }
0x59: {  	_ =	shalt  }
0x5a: {  	_ =	shalt  }
0x5b: {  	_ =	shalt  }
0x5c: {  	_ =	shalt  }
0x5d: {  	_ =	shalt  }
0x5e: {  	_ =	shalt  }
0x5f: {  	_ =	shalt  }
0x60: {  	_ =	shalt  }
0x61: {  	_ =	shalt  }
0x62: {  	_ =	shalt  }
0x63: {  	_ =	shalt  }
0x64: {  	_ =	shalt  }
0x65: {  	_ =	shalt  }
0x66: {  	_ =	shalt  }
0x67: {  	_ =	shalt  }
0x68: {  	_ =	shalt  }
0x69: {  	_ =	shalt  }
0x6a: {  	_ =	shalt  }
0x6b: {  	_ =	shalt  }
0x6c: {  	_ =	shalt  }
0x6d: {  	_ =	shalt  }
0x6e: {  	_ =	shalt  }
0x6f: {  	_ =	shalt  }
0x70: {  	_ =	shalt  }
0x71: {  	_ =	shalt  }
0x72: {  	_ =	shalt  }
0x73: {  	_ =	shalt  }
0x74: {  	_ =	shalt  }
0x75: {  	_ =	shalt  }
0x76: {  	_ =	shalt  }
0x77: {  	_ =	shalt  }
0x78: {  	_ =	shalt  }
0x79: {  	_ =	shalt  }
0x7a: {  	_ =	shalt  }
0x7b: {  	_ =	shalt  }
0x7c: {  	_ =	shalt  }
0x7d: {  	_ =	shalt  }
0x7e: {  	_ =	shalt  }
0x7f: {  	_ =	shalt  }
0x80: {  	_ =	shalt  }
0x81: {  	_ =	shalt  }
0x82: {  	_ =	shalt  }
0x83: {  	_ =	shalt  }
0x84: {  	_ =	shalt  }
0x85: {  	_ =	shalt  }
0x86: {  	_ =	shalt  }
0x87: {  	_ =	shalt  }
.Lfunc_end0:
.L_simem_size_0:
called_computation.2_lowered:
.L_overlay_start_0:
0x88: {  	s2 =	sld [smem:$0x3FD9]  }
0x89: {  	s3 =	sld [smem:$0x3FFE];
	_ =	sdelay $0x1  }
0x8a: {  	s1 =	srdreg.scid  }
0x8b: {  	s0 =	sand.u32 $0x1, s1  }
0x8c: {  	s16 =	sshll.u32 s0, $0xA;
	s2 =	sadd.s32 s3, s2  }
0x8d: {  	s2 =	sadd.s32 s2, s16  }
0x8e: {  	[smem:$0x3FC0] =	sst s2  }
0x8f: {  	_ = 	snop  }
0x90: {  	(tm) =	ssettm $0x1  }
0x91: {  	s17 =	sld [smem:$0x3FFB];
	_ =	sdelay $0x3  }
0x92: {  	_ =	strace s17  }
0x93: {  	s2 =	sld [smem:$0x3FFC];
	_ =	sdelay $0x3  }
0x94: {  	_ =	strace s2  }
0x95: {  	s2 =	sld [smem:$0x3FFD];
	_ =	sdelay $0x3  }
0x96: {  	_ =	strace s2  }
0x97: {  	_ =	strace $0x8FFFFFFF  }
0x98: {  	s18 =	sld [smem:$0x3FDB];
	_ =	sdelay $0x1  }
0x99: {  	s19 =	simm.s32 $_scs_section_size  }
0x9a: {  	s4 =	simm.s32 $_size__tile_overlayer_lowered;
	s5 =	simm.s32 $_tile_overlayer_lowered  }
0x9b: {  	s22 =	simm.s32 $0x1BFF;
	s21 =	sshll.u32 s5, $0x1;
	s2 =	sadd.s32 s19, s18  }
0x9c: {  	s6 =	simm.s32 $0x0;
	s20 =	sshll.u32 s4, $0x1;
	s4 =	sadd.s32 s21, s2  }
0x9d: {  	[timem:s6], [sflag:s22] =	dma.local [hbm:s4], s20  }
0x9e: {  	_ =	swait.ge [sflag:s22], s20  }
0x9f: {  	s3 =	ssub.s32 $0x0, s20;
	[sflag:s22] =	ssyncset.done $0x0  }
0xa0: {  	[sflag:s22] =	ssyncadd.s32 s3;
	_ =	sdelay $0x1  }
0xa1: {  	s23 =	simm.s32 $0x1B8B  }
0xa2: {  	_ =	swait.ge [sflag:s23], $0x1  }
0xa3: {  	[sflag:s23] =	ssyncset.done $0x0  }
0xa4: {  	s25 =	simm.s32 $0x1B8E;
	s24 =	sld [smem:$0x3FFE];
	[sflag:s23] =	ssyncadd.s32 $0xFFFFFFFF  }
0xa5: {  	s26 =	simm.s32 $execute0_lowered;
	[smem:$0x3FD2] =	sst s25  }
0xa6: {  	s4 =	sshll.u32 s26, $0x1;
	_ =	strace $0x8000004C;
	[dreg:$0x1] =	wrdreg $0xFFFFFFFF  }
0xa7: {  	s28 =	simm.s32 $_size_execute0_lowered;
	s2 =	sadd.s32 s2, s4;
	[dreg:$0x0] =	wrdreg $0x0  }
0xa8: {  	s4 =	sshll.u32 s28, $0x1;
	[dreg:$0x2] =	wrdreg s2  }
0xa9: {  	[dreg:$0x3] =	wrdreg s4  }
0xaa: {  	[dreg:$0x4] =	wrdreg $0xC0  }
0xab: {  	_ =	task [dreg:s6], $0x5FFFF  }
0xac: {  	[dreg:$0x1] =	wrdreg $0xFFFFFFFF  }
0xad: {  	[dreg:$0x0] =	wrdreg $0x60  }
0xae: {  	[dreg:$0x2] =	wrdreg s24  }
0xaf: {  	[dreg:$0x3] =	wrdreg $0x198000  }
0xb0: {  	[dreg:$0x4] =	wrdreg $0x9  }
0xb1: {  	_ =	task.clear_ibuf [dreg:s6], $0x5FFFF;
	_ =	strace $0x9000004C  }
0xb2: {  	s29 =	simm.s32 $0x9;
	_ =	strace $0x8000004E  }
0xb3: {  	_ =	swait.ge [sflag:s29], $0x1  }
0xb4: {  	[sflag:s29] =	ssyncadd.s32 $0xFFFFFFFF  }
0xb5: {  	_ =	strace $0x9000004E  }
0xb6: {  	_ =	sfence  }
0xb7: {  	s30 =	sld [smem:$0x0];
	_ =	sdelay $0x2  }
0xb8: {  	s31 =	sshll.u32 s1, $0xD;
	s1 =	sshrl.u32 s1, $0x2  }
0xb9: {  	s3 =	sand.u32 $0x4000, s31;
	s1 =	sadd.s32 s1, s30  }
0xba: {  	s0 =	sor.u32 s3, s0;
	s1 =	sshll.u32 s1, $0x11  }
0xbb: {  	s0 =	sor.u32 s1, s0  }
0xbc: {  	s0 =	sadd.s32 $0x8F2B, s0  }
0xbd: {  	[sflag:s0] =	ssyncadd.remote.s32 $0x1  }
0xbe: {  	_ =	sfence.sel $0xFFFF  }
0xbf: {  	[dreg:$0x0] =	wrdreg $0xFFFFFFFF;
	(pc) =	sbr.abs _section_cstart, $3  }
0xc0: {  	[dreg:$0x1] =	wrdreg $0xFFFFFFFF  }
0xc1: {  	_ =	task.clear_ibuf [dreg:s6], $0x2FFFF;
	_ =	strace $0x9FFFFFFF  }
0xc2: {  	(tm) =	ssettm $0x7FFFFFFF  }
0xc3: {  	_ =	shalt  }
tec
execute0_lowered:
.L_overlay_start_1:
0x0: {  	(tag) =	ssettag $0x1  }
0x1: {  	s8 =	rddreg [dreg:$0x0]  }
0x2: {  	s2 =	rddreg [dreg:$0x1]  }
0x3: {  	s0 =	rddreg [dreg:$0x2]  }
0x4: {  	s3 =	simm.s32 $0x0;
	s1 =	stileid.u32;
	s4 =	srdreg.scid  }
0x5: {  	s18 =	simm.s32 $0x80;
	s19 =	simm.s32 $0x19000;
	s20 =	simm.s32 $0x1  }
0x6: {  	s21 =	simm.s32 $0x19400;
	s22 =	simm.s32 $0xC780;
	s23 =	simm.s32 $0x18F00  }
0x7: {  	s24 =	simm.s32 $0x18F80;
	s25 =	simm.s32 $0x0;
	s9 =	smul.u32 $0x1900, s1  }
0x8: {  	[smem:$0x7FF] =	sst s3;
	s10 =	smul.u32 $0xC800, s1;
	s14 =	sand.u32 $0x1, s4  }
0x9: {  	s4 =	sadd.s32 $0x1BA00, s8;
	s5 =	sadd.s32 $0xD7200, s8;
	s6 =	sadd.s32 $0xCAA00, s8  }
0xa: {  	s7 =	sadd.s32 $0xBE200, s8;
	s31 =	sshll.u32 s1, $0x6;
	_ =	strace $0x8000004D  }
0xb: {  	s11 =	smul.u32 $0x190000, s14;
	s13 =	ssub.s32 $0x2, s14;
	p0 =	sne.s32 s14, $0x0  }
0xc: {  	s14 =	simm.s32 $0x2;
	s9 =	sadd.s32 s9, s8;
	s12 =	sshrl.u32 s10, $0x4  }
0xd: {  	s15 =	sshrl.u32 s13, $0x1;
	s30 =	sshrl.u32 s10, $0x1;
	s11 =	sadd.s32 s10, s11  }
.Ltmp0:
0xe: {  	s12 =	sadd.s32 s12, s8;
	s13 =	ssub.s32 s13, s15;
	(pc) =	sbr.rel .LBB2_1-.Ltmp0, $4  }
0xf: {  	s17 =	sadd.s32 s30, s2;
	s15 =	simm.s32 $0xC800;
	s11 =	sshrl.u32 s11, $0x4  }
0x10: {  	s10 =	sadd.s32 $0x4DA00, s12;
	s13 =	smax.u32 s13, $0x1;
	s16 =	sadd.s32 s11, s8  }
0x11: {  	s17 =	sshrl.u32 s17, $0x3;
	s8 =	sadd.s32 $0xE8600, s9;
	s11 =	sadd.s32 $0x2F5600, s16  }
0x12: {  	s9 =	sadd.s32 $0x2A00, s9;
	s12 =	sadd.s32 $0x301E00, s16;
	s16 =	sor.u32 $0x1C02, s31  }
.LBB2_14:
0x13: {  	[sflag:s14] =	ssyncadd.s32 $0xFFFFFC00  }
0x14: {  	_ =	swait.ge [sflag:s20], $0x400  }
0x15: {  	[sflag:s20] =	ssyncset.done $0x0  }
0x16: {  	[sflag:s20] =	ssyncadd.s32 $0xFFFFFC00  }
0x17: {  	[tilespmem:s21], [sflag:$0x1] =	stream.indirect.gather [hbm4b:s7+s18], $0x8, s22, s18, $0xb8;
	[tilespmem:$0x1FC00] =	vst v63  }
.LBB2_15:
0x18: {  	[spmem:s2] =	stream.indirect.scatter.add.bf16 [tilespmem:s19], [sflag:$0x2], $0x8, s23, s18, $0xb8;
	[tilespmem:$0x1FC00] =	vst v63  }
0x19: {  	_ =	swait.ge [sflag:s14], $0x400  }
0x1a: {  	[sflag:s14] =	ssyncset.done $0x0  }
0x1b: {  	[sflag:s14] =	ssyncadd.s32 $0xFFFFFC00  }
0x1c: {  	_ =	swait.ge [sflag:s20], $0x400  }
0x1d: {  	[sflag:s20] =	ssyncset.done $0x0  }
0x1e: {  	[sflag:s20] =	ssyncadd.s32 $0xFFFFFC00  }
0x1f: {  	[spmem:s2] =	stream.indirect.scatter.add.bf16 [tilespmem:s21], [sflag:$0x2], $0x8, s24, s18, $0xb8;
	[tilespmem:$0x1FC00] =	vst v63  }
0x20: {  	_ =	swait.ge [sflag:s14], $0x400  }
0x21: {  	s25 =	sadd.s32 $0x1, s25;
	[sflag:s14] =	ssyncset.done $0x0  }
0x22: {  	p1 =	sne.s32 s25, s13;
	[sflag:s14] =	ssyncadd.s32 $0xFFFFFC00  }
.Ltmp1:
0x23: {  	[bflag:$0x0] =	sbarrier.arrive $0xFFFF;
	(pc) =	sbr.rel @!p1 .LBB2_16-.Ltmp1, $4  }
0x24: {  	[hbm:s12], [sflag:s16] =	dma.local [spmem:s17], $0xC80  }
0x25: {  	_ =	swait.ge [sflag:s14], $0xC80  }
0x26: {  	[sflag:s14] =	ssyncset.done $0x0  }
0x27: {  	[sflag:s14] =	ssyncadd.s32 $0xFFFFF380  }
.LBB2_1:
0x28: {  	[tilespmem:s3], [sflag:$0x2] =	stream.linear.gather [hbm4b:s8+s3], $0xC800, $0x38;
	[tilespmem:$0x1FC00] =	vst v63  }
0x29: {  	_ =	swait.ge [sflag:s14], $0xC800  }
0x2a: {  	[sflag:s14] =	ssyncset.done $0x0  }
0x2b: {  	[sflag:s14] =	ssyncadd.s32 $0xFFFF3800  }
0x2c: {  	[tilespmem:s15], [sflag:$0x2] =	stream.linear.gather [hbm4b:s9+s3], $0xC800, $0x38;
	[tilespmem:$0x1FC00] =	vst v63  }
0x2d: {  	_ =	swait.ge [sflag:s14], $0xC800  }
0x2e: {  	[sflag:s14] =	ssyncset.done $0x0  }
0x2f: {  	[sflag:s14] =	ssyncadd.s32 $0xFFFF3800  }
0x30: {  	[spmem:s17], [sflag:s16] =	dma.local [hbm:s10], $0xC80  }
.Ltmp2:
0x31: {  	_ =	swait.ge [sflag:s14], $0xC80;
	(pc) =	sbr.rel @p0 .LBB2_5-.Ltmp2, $4  }
0x32: {  	[sflag:s14] =	ssyncset.done $0x0  }
0x33: {  	[sflag:s14] =	ssyncadd.s32 $0xFFFFF380  }
0x34: {  	[bflag:$0x0] =	sbarrier.arrive $0xFFFF  }
0x35: {  	s26 =	simm.s32 $0x0  }
0x36: {  	[tilespmem:s19], [sflag:$0x1] =	stream.indirect.gather [hbm4b:s4+s18], $0x8, s26, s18, $0xb8;
	[tilespmem:$0x1FC00] =	vst v63  }
0x37: {  	_ =	swait.ge [sflag:s20], $0x400  }
0x38: {  	[sflag:s20] =	ssyncset.done $0x0  }
0x39: {  	s28 =	simm.s32 $0x80;
	[sflag:s20] =	ssyncadd.s32 $0xFFFFFC00  }
0x3a: {  	[tilespmem:s21], [sflag:$0x1] =	stream.indirect.gather [hbm4b:s4+s18], $0x8, s28, s18, $0xb8;
	[tilespmem:$0x1FC00] =	vst v63  }
0x3b: {  	s29 =	simm.s32 $0xC800  }
0x3c: {  	[spmem:s2] =	stream.indirect.scatter.add.bf16 [tilespmem:s19], [sflag:$0x2], $0x8, s29, s18, $0xb8;
	[tilespmem:$0x1FC00] =	vst v63  }
0x3d: {  	_ =	swait.ge [sflag:s14], $0x400  }
0x3e: {  	[sflag:s14] =	ssyncset.done $0x0  }
0x3f: {  	[sflag:s14] =	ssyncadd.s32 $0xFFFFFC00  }
0x40: {  	_ =	swait.ge [sflag:s20], $0x400  }
0x41: {  	[sflag:s20] =	ssyncset.done $0x0  }
0x42: {  	s30 =	simm.s32 $0x100;
	[sflag:s20] =	ssyncadd.s32 $0xFFFFFC00  }
0x43: {  	[tilespmem:s19], [sflag:$0x1] =	stream.indirect.gather [hbm4b:s4+s18], $0x8, s30, s18, $0xb8;
	[tilespmem:$0x1FC00] =	vst v63  }
0x44: {  	s31 =	simm.s32 $0xC880  }
0x45: {  	[spmem:s2] =	stream.indirect.scatter.add.bf16 [tilespmem:s21], [sflag:$0x2], $0x8, s31, s18, $0xb8;
	[tilespmem:$0x1FC00] =	vst v63  }
0x46: {  	_ =	swait.ge [sflag:s14], $0x400  }
0x47: {  	s26 =	simm.s32 $0x400;
	[sflag:s14] =	ssyncset.done $0x0  }
.LBB2_3:
0x48: {  	p1 =	seq.s32 s26, $0x31800  }
0x49: {  	[sflag:s14] =	ssyncadd.s32 $0xFFFFFC00;
	s28 =	smov.u32 s26;
	s26 =	sadd.s32 $0x400, s26  }
0x4a: {  	_ = 	snop  }
0x4b: {  	_ =	swait.ge [sflag:s20], $0x400  }
0x4c: {  	s28 =	sshra.s32 s28, $0x2;
	[sflag:s20] =	ssyncset.done $0x0  }
0x4d: {  	s29 =	sadd.s32 $0x80, s28;
	[sflag:s20] =	ssyncadd.s32 $0xFFFFFC00  }
0x4e: {  	[tilespmem:s21], [sflag:$0x1] =	stream.indirect.gather [hbm4b:s4+s18], $0x8, s29, s18, $0xb8;
	[tilespmem:$0x1FC00] =	vst v63  }
0x4f: {  	s29 =	sadd.s32 $0xC800, s28  }
0x50: {  	[spmem:s2] =	stream.indirect.scatter.add.bf16 [tilespmem:s19], [sflag:$0x2], $0x8, s29, s18, $0xb8;
	[tilespmem:$0x1FC00] =	vst v63  }
0x51: {  	_ =	swait.ge [sflag:s14], $0x400  }
0x52: {  	[sflag:s14] =	ssyncset.done $0x0  }
0x53: {  	[sflag:s14] =	ssyncadd.s32 $0xFFFFFC00  }
0x54: {  	_ =	swait.ge [sflag:s20], $0x400  }
0x55: {  	[sflag:s20] =	ssyncset.done $0x0  }
0x56: {  	s29 =	sadd.s32 $0x100, s28;
	[sflag:s20] =	ssyncadd.s32 $0xFFFFFC00  }
0x57: {  	[tilespmem:s19], [sflag:$0x1] =	stream.indirect.gather [hbm4b:s4+s18], $0x8, s29, s18, $0xb8;
	[tilespmem:$0x1FC00] =	vst v63  }
.Ltmp3:
0x58: {  	_ = 	snop;
	(pc) =	sbr.rel @!p1 .LBB2_3-.Ltmp3, $4  }
0x59: {  	s28 =	sadd.s32 $0xC880, s28  }
0x5a: {  	[spmem:s2] =	stream.indirect.scatter.add.bf16 [tilespmem:s21], [sflag:$0x2], $0x8, s28, s18, $0xb8;
	[tilespmem:$0x1FC00] =	vst v63  }
0x5b: {  	_ =	swait.ge [sflag:s14], $0x400  }
0x5c: {  	[sflag:s14] =	ssyncset.done $0x0  }
.Ltmp4:
0x5d: {  	[sflag:s14] =	ssyncadd.s32 $0xFFFFFC00;
	(pc) =	sbr.rel .LBB2_8-.Ltmp4, $4  }
0x5e: {  	_ =	swait.ge [sflag:s20], $0x400  }
0x5f: {  	[sflag:s20] =	ssyncset.done $0x0  }
0x60: {  	[sflag:s20] =	ssyncadd.s32 $0xFFFFFC00  }
0x61: {  	[tilespmem:s21], [sflag:$0x1] =	stream.indirect.gather [hbm4b:s4+s18], $0x8, s22, s18, $0xb8;
	[tilespmem:$0x1FC00] =	vst v63  }
.LBB2_5:
0x62: {  	[tilespmem:s19], [sflag:$0x1] =	stream.indirect.gather [hbm4b:s6+s18], $0x8, s26, s18, $0xb8;
	[tilespmem:$0x1FC00] =	vst v63  }
0x63: {  	_ =	swait.ge [sflag:s20], $0x400  }
0x64: {  	[sflag:s20] =	ssyncset.done $0x0  }
0x65: {  	s28 =	simm.s32 $0x80;
	[sflag:s20] =	ssyncadd.s32 $0xFFFFFC00  }
0x66: {  	[tilespmem:s21], [sflag:$0x1] =	stream.indirect.gather [hbm4b:s6+s18], $0x8, s28, s18, $0xb8;
	[tilespmem:$0x1FC00] =	vst v63  }
0x67: {  	s29 =	simm.s32 $0xC800  }
0x68: {  	[spmem:s2] =	stream.indirect.scatter.add.bf16 [tilespmem:s19], [sflag:$0x2], $0x8, s29, s18, $0xb8;
	[tilespmem:$0x1FC00] =	vst v63  }
0x69: {  	_ =	swait.ge [sflag:s14], $0x400  }
0x6a: {  	[sflag:s14] =	ssyncset.done $0x0  }
0x6b: {  	[sflag:s14] =	ssyncadd.s32 $0xFFFFFC00  }
0x6c: {  	_ =	swait.ge [sflag:s20], $0x400  }
0x6d: {  	[sflag:s20] =	ssyncset.done $0x0  }
0x6e: {  	s30 =	simm.s32 $0x100;
	[sflag:s20] =	ssyncadd.s32 $0xFFFFFC00  }
0x6f: {  	[tilespmem:s19], [sflag:$0x1] =	stream.indirect.gather [hbm4b:s6+s18], $0x8, s30, s18, $0xb8;
	[tilespmem:$0x1FC00] =	vst v63  }
0x70: {  	s31 =	simm.s32 $0xC880  }
0x71: {  	[spmem:s2] =	stream.indirect.scatter.add.bf16 [tilespmem:s21], [sflag:$0x2], $0x8, s31, s18, $0xb8;
	[tilespmem:$0x1FC00] =	vst v63  }
0x72: {  	_ =	swait.ge [sflag:s14], $0x400  }
0x73: {  	s26 =	simm.s32 $0x400;
	[sflag:s14] =	ssyncset.done $0x0  }
.LBB2_6:
0x74: {  	p1 =	seq.s32 s26, $0x31800  }
0x75: {  	[sflag:s14] =	ssyncadd.s32 $0xFFFFFC00;
	s28 =	smov.u32 s26;
	s26 =	sadd.s32 $0x400, s26  }
0x76: {  	_ = 	snop  }
0x77: {  	_ =	swait.ge [sflag:s20], $0x400  }
0x78: {  	s28 =	sshra.s32 s28, $0x2;
	[sflag:s20] =	ssyncset.done $0x0  }
0x79: {  	s29 =	sadd.s32 $0x80, s28;
	[sflag:s20] =	ssyncadd.s32 $0xFFFFFC00  }
0x7a: {  	[tilespmem:s21], [sflag:$0x1] =	stream.indirect.gather [hbm4b:s6+s18], $0x8, s29, s18, $0xb8;
	[tilespmem:$0x1FC00] =	vst v63  }
0x7b: {  	s29 =	sadd.s32 $0xC800, s28  }
0x7c: {  	[spmem:s2] =	stream.indirect.scatter.add.bf16 [tilespmem:s19], [sflag:$0x2], $0x8, s29, s18, $0xb8;
	[tilespmem:$0x1FC00] =	vst v63  }
0x7d: {  	_ =	swait.ge [sflag:s14], $0x400  }
0x7e: {  	[sflag:s14] =	ssyncset.done $0x0  }
0x7f: {  	[sflag:s14] =	ssyncadd.s32 $0xFFFFFC00  }
0x80: {  	_ =	swait.ge [sflag:s20], $0x400  }
0x81: {  	[sflag:s20] =	ssyncset.done $0x0  }
0x82: {  	s29 =	sadd.s32 $0x100, s28;
	[sflag:s20] =	ssyncadd.s32 $0xFFFFFC00  }
0x83: {  	[tilespmem:s19], [sflag:$0x1] =	stream.indirect.gather [hbm4b:s6+s18], $0x8, s29, s18, $0xb8;
	[tilespmem:$0x1FC00] =	vst v63  }
.Ltmp5:
0x84: {  	_ = 	snop;
	(pc) =	sbr.rel @!p1 .LBB2_6-.Ltmp5, $4  }
0x85: {  	s28 =	sadd.s32 $0xC880, s28  }
0x86: {  	[spmem:s2] =	stream.indirect.scatter.add.bf16 [tilespmem:s21], [sflag:$0x2], $0x8, s28, s18, $0xb8;
	[tilespmem:$0x1FC00] =	vst v63  }
0x87: {  	_ =	swait.ge [sflag:s14], $0x400  }
0x88: {  	[sflag:s14] =	ssyncset.done $0x0  }
0x89: {  	[sflag:s14] =	ssyncadd.s32 $0xFFFFFC00  }
0x8a: {  	_ =	swait.ge [sflag:s20], $0x400  }
0x8b: {  	[sflag:s20] =	ssyncset.done $0x0  }
0x8c: {  	[sflag:s20] =	ssyncadd.s32 $0xFFFFFC00  }
0x8d: {  	[tilespmem:s21], [sflag:$0x1] =	stream.indirect.gather [hbm4b:s6+s18], $0x8, s22, s18, $0xb8;
	[tilespmem:$0x1FC00] =	vst v63  }
.LBB2_8:
0x8e: {  	[spmem:s2] =	stream.indirect.scatter.add.bf16 [tilespmem:s19], [sflag:$0x2], $0x8, s23, s18, $0xb8;
	[tilespmem:$0x1FC00] =	vst v63  }
0x8f: {  	_ =	swait.ge [sflag:s14], $0x400  }
0x90: {  	[sflag:s14] =	ssyncset.done $0x0  }
0x91: {  	[sflag:s14] =	ssyncadd.s32 $0xFFFFFC00  }
0x92: {  	_ =	swait.ge [sflag:s20], $0x400  }
0x93: {  	[sflag:s20] =	ssyncset.done $0x0  }
0x94: {  	[sflag:s20] =	ssyncadd.s32 $0xFFFFFC00  }
0x95: {  	[spmem:s2] =	stream.indirect.scatter.add.bf16 [tilespmem:s21], [sflag:$0x2], $0x8, s24, s18, $0xb8;
	[tilespmem:$0x1FC00] =	vst v63  }
0x96: {  	_ =	swait.ge [sflag:s14], $0x400  }
0x97: {  	[sflag:s14] =	ssyncset.done $0x0  }
0x98: {  	[sflag:s14] =	ssyncadd.s32 $0xFFFFFC00  }
0x99: {  	[bflag:$0x0] =	sbarrier.arrive $0xFFFF  }
0x9a: {  	[hbm:s11], [sflag:s16] =	dma.local [spmem:s17], $0xC80  }
0x9b: {  	_ =	swait.ge [sflag:s14], $0xC80  }
0x9c: {  	[sflag:s14] =	ssyncset.done $0x0  }
0x9d: {  	[sflag:s14] =	ssyncadd.s32 $0xFFFFF380  }
0x9e: {  	[spmem:s17], [sflag:s16] =	dma.local [hbm:s10], $0xC80  }
.Ltmp6:
0x9f: {  	_ =	swait.ge [sflag:s14], $0xC80;
	(pc) =	sbr.rel @p0 .LBB2_12-.Ltmp6, $4  }
0xa0: {  	[sflag:s14] =	ssyncset.done $0x0  }
0xa1: {  	[sflag:s14] =	ssyncadd.s32 $0xFFFFF380  }
0xa2: {  	[bflag:$0x0] =	sbarrier.arrive $0xFFFF  }
0xa3: {  	s26 =	simm.s32 $0x0  }
0xa4: {  	[tilespmem:s19], [sflag:$0x1] =	stream.indirect.gather [hbm4b:s5+s18], $0x8, s26, s18, $0xb8;
	[tilespmem:$0x1FC00] =	vst v63  }
0xa5: {  	_ =	swait.ge [sflag:s20], $0x400  }
0xa6: {  	[sflag:s20] =	ssyncset.done $0x0  }
0xa7: {  	s28 =	simm.s32 $0x80;
	[sflag:s20] =	ssyncadd.s32 $0xFFFFFC00  }
0xa8: {  	[tilespmem:s21], [sflag:$0x1] =	stream.indirect.gather [hbm4b:s5+s18], $0x8, s28, s18, $0xb8;
	[tilespmem:$0x1FC00] =	vst v63  }
0xa9: {  	s29 =	simm.s32 $0xC800  }
0xaa: {  	[spmem:s2] =	stream.indirect.scatter.add.bf16 [tilespmem:s19], [sflag:$0x2], $0x8, s29, s18, $0xb8;
	[tilespmem:$0x1FC00] =	vst v63  }
0xab: {  	_ =	swait.ge [sflag:s14], $0x400  }
0xac: {  	[sflag:s14] =	ssyncset.done $0x0  }
0xad: {  	[sflag:s14] =	ssyncadd.s32 $0xFFFFFC00  }
0xae: {  	_ =	swait.ge [sflag:s20], $0x400  }
0xaf: {  	[sflag:s20] =	ssyncset.done $0x0  }
0xb0: {  	s30 =	simm.s32 $0x100;
	[sflag:s20] =	ssyncadd.s32 $0xFFFFFC00  }
0xb1: {  	[tilespmem:s19], [sflag:$0x1] =	stream.indirect.gather [hbm4b:s5+s18], $0x8, s30, s18, $0xb8;
	[tilespmem:$0x1FC00] =	vst v63  }
0xb2: {  	s31 =	simm.s32 $0xC880  }
0xb3: {  	[spmem:s2] =	stream.indirect.scatter.add.bf16 [tilespmem:s21], [sflag:$0x2], $0x8, s31, s18, $0xb8;
	[tilespmem:$0x1FC00] =	vst v63  }
0xb4: {  	_ =	swait.ge [sflag:s14], $0x400  }
0xb5: {  	s26 =	simm.s32 $0x400;
	[sflag:s14] =	ssyncset.done $0x0  }
.LBB2_10:
0xb6: {  	p1 =	seq.s32 s26, $0x31800  }
0xb7: {  	[sflag:s14] =	ssyncadd.s32 $0xFFFFFC00;
	s28 =	smov.u32 s26;
	s26 =	sadd.s32 $0x400, s26  }
0xb8: {  	_ = 	snop  }
0xb9: {  	_ =	swait.ge [sflag:s20], $0x400  }
0xba: {  	s28 =	sshra.s32 s28, $0x2;
	[sflag:s20] =	ssyncset.done $0x0  }
0xbb: {  	s29 =	sadd.s32 $0x80, s28;
	[sflag:s20] =	ssyncadd.s32 $0xFFFFFC00  }
0xbc: {  	[tilespmem:s21], [sflag:$0x1] =	stream.indirect.gather [hbm4b:s5+s18], $0x8, s29, s18, $0xb8;
	[tilespmem:$0x1FC00] =	vst v63  }
0xbd: {  	s29 =	sadd.s32 $0xC800, s28  }
0xbe: {  	[spmem:s2] =	stream.indirect.scatter.add.bf16 [tilespmem:s19], [sflag:$0x2], $0x8, s29, s18, $0xb8;
	[tilespmem:$0x1FC00] =	vst v63  }
0xbf: {  	_ =	swait.ge [sflag:s14], $0x400  }
0xc0: {  	[sflag:s14] =	ssyncset.done $0x0  }
0xc1: {  	[sflag:s14] =	ssyncadd.s32 $0xFFFFFC00  }
0xc2: {  	_ =	swait.ge [sflag:s20], $0x400  }
0xc3: {  	[sflag:s20] =	ssyncset.done $0x0  }
0xc4: {  	s29 =	sadd.s32 $0x100, s28;
	[sflag:s20] =	ssyncadd.s32 $0xFFFFFC00  }
0xc5: {  	[tilespmem:s19], [sflag:$0x1] =	stream.indirect.gather [hbm4b:s5+s18], $0x8, s29, s18, $0xb8;
	[tilespmem:$0x1FC00] =	vst v63  }
.Ltmp7:
0xc6: {  	_ = 	snop;
	(pc) =	sbr.rel @!p1 .LBB2_10-.Ltmp7, $4  }
0xc7: {  	s28 =	sadd.s32 $0xC880, s28  }
0xc8: {  	[spmem:s2] =	stream.indirect.scatter.add.bf16 [tilespmem:s21], [sflag:$0x2], $0x8, s28, s18, $0xb8;
	[tilespmem:$0x1FC00] =	vst v63  }
0xc9: {  	_ =	swait.ge [sflag:s14], $0x400  }
0xca: {  	[sflag:s14] =	ssyncset.done $0x0  }
.Ltmp8:
0xcb: {  	[sflag:s14] =	ssyncadd.s32 $0xFFFFFC00;
	(pc) =	sbr.rel .LBB2_15-.Ltmp8, $4  }
0xcc: {  	_ =	swait.ge [sflag:s20], $0x400  }
0xcd: {  	[sflag:s20] =	ssyncset.done $0x0  }
0xce: {  	[sflag:s20] =	ssyncadd.s32 $0xFFFFFC00  }
0xcf: {  	[tilespmem:s21], [sflag:$0x1] =	stream.indirect.gather [hbm4b:s5+s18], $0x8, s22, s18, $0xb8;
	[tilespmem:$0x1FC00] =	vst v63  }
.LBB2_12:
0xd0: {  	[tilespmem:s19], [sflag:$0x1] =	stream.indirect.gather [hbm4b:s7+s18], $0x8, s26, s18, $0xb8;
	[tilespmem:$0x1FC00] =	vst v63  }
0xd1: {  	_ =	swait.ge [sflag:s20], $0x400  }
0xd2: {  	[sflag:s20] =	ssyncset.done $0x0  }
0xd3: {  	s28 =	simm.s32 $0x80;
	[sflag:s20] =	ssyncadd.s32 $0xFFFFFC00  }
0xd4: {  	[tilespmem:s21], [sflag:$0x1] =	stream.indirect.gather [hbm4b:s7+s18], $0x8, s28, s18, $0xb8;
	[tilespmem:$0x1FC00] =	vst v63  }
0xd5: {  	s29 =	simm.s32 $0xC800  }
0xd6: {  	[spmem:s2] =	stream.indirect.scatter.add.bf16 [tilespmem:s19], [sflag:$0x2], $0x8, s29, s18, $0xb8;
	[tilespmem:$0x1FC00] =	vst v63  }
0xd7: {  	_ =	swait.ge [sflag:s14], $0x400  }
0xd8: {  	[sflag:s14] =	ssyncset.done $0x0  }
0xd9: {  	[sflag:s14] =	ssyncadd.s32 $0xFFFFFC00  }
0xda: {  	_ =	swait.ge [sflag:s20], $0x400  }
0xdb: {  	[sflag:s20] =	ssyncset.done $0x0  }
0xdc: {  	s30 =	simm.s32 $0x100;
	[sflag:s20] =	ssyncadd.s32 $0xFFFFFC00  }
0xdd: {  	[tilespmem:s19], [sflag:$0x1] =	stream.indirect.gather [hbm4b:s7+s18], $0x8, s30, s18, $0xb8;
	[tilespmem:$0x1FC00] =	vst v63  }
0xde: {  	s31 =	simm.s32 $0xC880  }
0xdf: {  	[spmem:s2] =	stream.indirect.scatter.add.bf16 [tilespmem:s21], [sflag:$0x2], $0x8, s31, s18, $0xb8;
	[tilespmem:$0x1FC00] =	vst v63  }
0xe0: {  	_ =	swait.ge [sflag:s14], $0x400  }
0xe1: {  	s26 =	simm.s32 $0x400;
	[sflag:s14] =	ssyncset.done $0x0  }
.LBB2_13:
0xe2: {  	p1 =	seq.s32 s26, $0x31800  }
0xe3: {  	[sflag:s14] =	ssyncadd.s32 $0xFFFFFC00;
	s28 =	smov.u32 s26;
	s26 =	sadd.s32 $0x400, s26  }
0xe4: {  	_ = 	snop  }
0xe5: {  	_ =	swait.ge [sflag:s20], $0x400  }
0xe6: {  	s28 =	sshra.s32 s28, $0x2;
	[sflag:s20] =	ssyncset.done $0x0  }
0xe7: {  	s29 =	sadd.s32 $0x80, s28;
	[sflag:s20] =	ssyncadd.s32 $0xFFFFFC00  }
0xe8: {  	[tilespmem:s21], [sflag:$0x1] =	stream.indirect.gather [hbm4b:s7+s18], $0x8, s29, s18, $0xb8;
	[tilespmem:$0x1FC00] =	vst v63  }
0xe9: {  	s29 =	sadd.s32 $0xC800, s28  }
0xea: {  	[spmem:s2] =	stream.indirect.scatter.add.bf16 [tilespmem:s19], [sflag:$0x2], $0x8, s29, s18, $0xb8;
	[tilespmem:$0x1FC00] =	vst v63  }
0xeb: {  	_ =	swait.ge [sflag:s14], $0x400  }
0xec: {  	[sflag:s14] =	ssyncset.done $0x0  }
0xed: {  	[sflag:s14] =	ssyncadd.s32 $0xFFFFFC00  }
0xee: {  	_ =	swait.ge [sflag:s20], $0x400  }
0xef: {  	[sflag:s20] =	ssyncset.done $0x0  }
0xf0: {  	s29 =	sadd.s32 $0x100, s28;
	[sflag:s20] =	ssyncadd.s32 $0xFFFFFC00  }
0xf1: {  	[tilespmem:s19], [sflag:$0x1] =	stream.indirect.gather [hbm4b:s7+s18], $0x8, s29, s18, $0xb8;
	[tilespmem:$0x1FC00] =	vst v63  }
.Ltmp9:
0xf2: {  	_ = 	snop;
	(pc) =	sbr.rel @!p1 .LBB2_13-.Ltmp9, $4  }
0xf3: {  	s28 =	sadd.s32 $0xC880, s28  }
0xf4: {  	[spmem:s2] =	stream.indirect.scatter.add.bf16 [tilespmem:s21], [sflag:$0x2], $0x8, s28, s18, $0xb8;
	[tilespmem:$0x1FC00] =	vst v63  }
0xf5: {  	_ =	swait.ge [sflag:s14], $0x400  }
0xf6: {  	[sflag:s14] =	ssyncset.done $0x0  }
.Ltmp10:
0xf7: {  	_ = 	snop;
	(pc) =	sbr.rel .LBB2_14-.Ltmp10, $1  }
0xf8: {  	_ =	sdelay $0x3  }
.LBB2_16:
0xf9: {  	_ =	sfence.sel $0x180000  }
0xfa: {  	[bflag:$0x0] =	sbarrier.arrive $0xFFFF  }
0xfb: {  	p0 =	sne.s32 s1, $0x0;
	_ =	strace $0x9000004D  }
0xfc: {  	s0 =	sadd.s32 @!p0 $0x100000, s0;
	[bflag:$0x2] =	sbarrier.arrive $0xFFFF  }
0xfd: {  	[sflag:s0] =	ssyncadd.tile.s32 @!p0 $0x1;
	_ =	shalt  }
.Lfunc_end2:
_tile_overlayer_lowered:
.L_overlay_start_2:
0xfe: {  	(tag) =	ssettag $0x2  }
0xff: {  	s0 =	rddreg [dreg:$0x0];
	s2 =	stileid.u32  }
0x100: {  	s1 =	rddreg [dreg:$0x1];
	p0 =	sne.s32 s2, $0x0  }
0x101: {  	s3 =	rddreg [dreg:$0x2];
	[bflag:$0x3] =	sbarrier.arrive $0xFFFF;
	s2 =	simm.s32 @!p0 $0x1C02  }
0x102: {  	[timem:s3], [sflag:s2] =	dma.local @!p0 [hbm:s0], s1  }
0x103: {  	s0 =	simm.s32 @!p0 $0x2  }
0x104: {  	_ =	swait.ge @!p0 [sflag:s0], s1  }
0x105: {  	s1 =	ssub.s32 @!p0 $0x0, s1;
	[sflag:s0] =	ssyncset.done @!p0 $0x0  }
0x106: {  	[sflag:s0] =	ssyncadd.s32 @!p0 s1  }
0x107: {  	[bflag:$0x3] =	sbarrier.arrive $0xFFFF  }
0x108: {  	_ =	shalt  }

// kernel: kernel.8.cloned.1.call-start
scs
__scs_entry_jumppad:
0x0: {  	(pc) =	sbr.rel $0x88, $3  }
0x1: {  	(tag) =	ssettag $0x0;
	lr =	simm.s32 $0x1  }
0x2: {  	[smem:$0x3F99] =	sst lr;
	_ =	strace $0xD0000000  }
0x3: {  	_ = 	snop  }
0x4: {  	_ = 	snop  }
0x5: {  	_ = 	snop  }
0x6: {  	_ = 	snop  }
0x7: {  	_ = 	snop  }
__scs_overlays_trampoline_lowered:
0x8: {  	[smem:$0x3FA8] =	sst s0  }
0x9: {  	[smem:$0x3FA9] =	sst s1  }
0xa: {  	[smem:$0x3FAA] =	sst s2  }
0xb: {  	[smem:$0x3FAB] =	sst s3  }
0xc: {  	[smem:$0x3FAC] =	sst s4  }
0xd: {  	[smem:$0x3FAD] =	sst s5  }
0xe: {  	[smem:$0x3FAE] =	sst s6  }
0xf: {  	[smem:$0x3FAF] =	sst s7  }
0x10: {  	[smem:$0x3FB0] =	sst s8  }
0x11: {  	[smem:$0x3FB1] =	sst s9;
	s0 =	simm.s32 @!p0 $0x0  }
0x12: {  	s1 =	sld [smem:$0x3F97];
	s0 =	simm.s32 @p0 $0x1  }
0x13: {  	[smem:$0x3FB2] =	sst s0;
	s0 =	simm.s32 @!p1 $0x0  }
0x14: {  	s2 =	sld [smem:$0x3F96];
	s0 =	simm.s32 @p1 $0x1  }
0x15: {  	[smem:$0x3FB3] =	sst s0;
	s0 =	simm.s32 @!p2 $0x0  }
0x16: {  	s3 =	sld [smem:$0x3FDB];
	s0 =	simm.s32 @p2 $0x1  }
0x17: {  	s4 =	simm.s32 $0x1BF5;
	[smem:$0x3FB5] =	sst s0  }
0x18: {  	s0 =	sld [smem:$0x3F98];
	_ =	swait.ge [sflag:s4], $0x0  }
0x19: {  	s7 =	sld [smem:$0x3F99]  }
0x1a: {  	s8 =	sadd.s32 $0xFFFFE003, lr  }
0x1b: {  	s9 =	sadd.s32 $0xFFFFFEF7, lr;
	s5 =	simm.s32 $0xFFFFFFFF;
	p2 =	slt.u32 s8, $0xFFFFF086  }
0x1c: {  	p1 =	slt.u32 s9, $0xF7A;
	s5 =	simm.s32 @!p2 $0x0  }
0x1d: {  	s5 =	simm.s32 @p1 $0x1;
	p0 =	seq.s32 s7, s2  }
0x1e: {  	s7 =	smul.u32 @!p0 $0xF7A, s2;
	p2 =	seq.s32 @!p0 s5, $0x0  }
0x1f: {  	s9 =	smul.u32 $0xF7A, s1;
	s8 =	simm.s32 @!p0 $0x1BF5;
	p2 =	por !p2, p0  }
0x20: {  	[sflag:s8] =	ssyncset.s32 @!p0 $0xFFFFF086;
	s6 =	sadd.s32 @!p0 s3, s7;
	s7 =	simm.s32 @!p0 $0x108  }
0x21: {  	s3 =	sadd.s32 s3, s9;
	s6 =	sadd.s32 @!p0 $0x88, s6;
	s7 =	simm.s32 @p2 $0x1082  }
0x22: {  	[simem:s7], [sflag:s8] =	dma.local @!p0 [hbm:s6], $0xF7A  }
0x23: {  	s9 =	sor.u32 $0xD0000000, s2;
	s6 =	simm.s32 $0x108;
	_ =	swait.ge @!p0 [sflag:s8], $0x0  }
0x24: {  	s3 =	sadd.s32 $0x88, s3;
	s6 =	simm.s32 @!p1 $0x1082;
	[sflag:s4] =	ssyncset.s32 $0xFFFFF086  }
0x25: {  	[simem:s6], [sflag:s4] =	dma.local [hbm:s3], $0xF7A  }
0x26: {  	[smem:$0x3F99] =	sst s1;
	(tag) =	ssettag s2;
	_ =	strace s9  }
0x27: {  	s1 =	sld [smem:$0x3FA9]  }
0x28: {  	s2 =	sld [smem:$0x3FAA]  }
0x29: {  	s4 =	sld [smem:$0x3FAC]  }
0x2a: {  	p0 =	seq.s32 s5, $0x0;
	s5 =	sld [smem:$0x3FAD]  }
0x2b: {  	s6 =	sld [smem:$0x3FAE]  }
0x2c: {  	s7 =	sld [smem:$0x3FAF]  }
0x2d: {  	s3 =	simm.s32 $0x108;
	s8 =	sld [smem:$0x3FB0]  }
0x2e: {  	s3 =	simm.s32 @!p0 $0x1082;
	s9 =	sld [smem:$0x3FB1]  }
0x2f: {  	lr =	sadd.s32 s0, s3;
	s0 =	sld [smem:$0x3FA8]  }
0x30: {  	s3 =	sld [smem:$0x3FAB]  }
0x31: {  	[smem:$0x3FB4] =	sst s10  }
0x32: {  	s10 =	sld [smem:$0x3FB2];
	_ =	sdelay $0x3  }
0x33: {  	p0 =	seq.s32 s10, $0x1;
	s10 =	sld [smem:$0x3FB4];
	_ =	sdelay $0x3  }
0x34: {  	[smem:$0x3FB4] =	sst s10  }
0x35: {  	s10 =	sld [smem:$0x3FB3];
	_ =	sdelay $0x3  }
0x36: {  	p1 =	seq.s32 s10, $0x1;
	s10 =	sld [smem:$0x3FB4];
	_ =	sdelay $0x3  }
0x37: {  	[smem:$0x3FB4] =	sst s10  }
0x38: {  	s10 =	sld [smem:$0x3FB5]  }
0x39: {  	_ = 	snop;
	(pc) =	sbr.ind lr, $3  }
0x3a: {  	_ = 	snop  }
0x3b: {  	_ = 	snop  }
0x3c: {  	p2 =	seq.s32 s10, $0x1;
	s10 =	sld [smem:$0x3FB4]  }
0x3d: {  	_ =	shalt  }
0x3e: {  	_ =	shalt  }
0x3f: {  	_ =	shalt  }
0x40: {  	_ =	shalt  }
0x41: {  	_ =	shalt  }
0x42: {  	_ =	shalt  }
0x43: {  	_ =	shalt  }
0x44: {  	_ =	shalt  }
0x45: {  	_ =	shalt  }
0x46: {  	_ =	shalt  }
0x47: {  	_ =	shalt  }
0x48: {  	_ =	shalt  }
0x49: {  	_ =	shalt  }
0x4a: {  	_ =	shalt  }
0x4b: {  	_ =	shalt  }
0x4c: {  	_ =	shalt  }
0x4d: {  	_ =	shalt  }
0x4e: {  	_ =	shalt  }
0x4f: {  	_ =	shalt  }
0x50: {  	_ =	shalt  }
0x51: {  	_ =	shalt  }
0x52: {  	_ =	shalt  }
0x53: {  	_ =	shalt  }
0x54: {  	_ =	shalt  }
0x55: {  	_ =	shalt  }
0x56: {  	_ =	shalt  }
0x57: {  	_ =	shalt  }
0x58: {  	_ =	shalt  }
0x59: {  	_ =	shalt  }
0x5a: {  	_ =	shalt  }
0x5b: {  	_ =	shalt  }
0x5c: {  	_ =	shalt  }
0x5d: {  	_ =	shalt  }
0x5e: {  	_ =	shalt  }
0x5f: {  	_ =	shalt  }
0x60: {  	_ =	shalt  }
0x61: {  	_ =	shalt  }
0x62: {  	_ =	shalt  }
0x63: {  	_ =	shalt  }
0x64: {  	_ =	shalt  }
0x65: {  	_ =	shalt  }
0x66: {  	_ =	shalt  }
0x67: {  	_ =	shalt  }
0x68: {  	_ =	shalt  }
0x69: {  	_ =	shalt  }
0x6a: {  	_ =	shalt  }
0x6b: {  	_ =	shalt  }
0x6c: {  	_ =	shalt  }
0x6d: {  	_ =	shalt  }
0x6e: {  	_ =	shalt  }
0x6f: {  	_ =	shalt  }
0x70: {  	_ =	shalt  }
0x71: {  	_ =	shalt  }
0x72: {  	_ =	shalt  }
0x73: {  	_ =	shalt  }
0x74: {  	_ =	shalt  }
0x75: {  	_ =	shalt  }
0x76: {  	_ =	shalt  }
0x77: {  	_ =	shalt  }
0x78: {  	_ =	shalt  }
0x79: {  	_ =	shalt  }
0x7a: {  	_ =	shalt  }
0x7b: {  	_ =	shalt  }
0x7c: {  	_ =	shalt  }
0x7d: {  	_ =	shalt  }
0x7e: {  	_ =	shalt  }
0x7f: {  	_ =	shalt  }
0x80: {  	_ =	shalt  }
0x81: {  	_ =	shalt  }
0x82: {  	_ =	shalt  }
0x83: {  	_ =	shalt  }
0x84: {  	_ =	shalt  }
0x85: {  	_ =	shalt  }
0x86: {  	_ =	shalt  }
0x87: {  	_ =	shalt  }
.Lfunc_end0:
.L_simem_size_0:
called_computation_lowered:
.L_overlay_start_0:
0x88: {  	s2 =	sld [smem:$0x3FD9]  }
0x89: {  	s3 =	sld [smem:$0x3FFE];
	_ =	sdelay $0x1  }
0x8a: {  	s1 =	srdreg.scid  }
0x8b: {  	s0 =	sand.u32 $0x1, s1  }
0x8c: {  	s16 =	sshll.u32 s0, $0xA;
	s2 =	sadd.s32 s3, s2  }
0x8d: {  	s2 =	sadd.s32 s2, s16  }
0x8e: {  	[smem:$0x3FC0] =	sst s2  }
0x8f: {  	_ = 	snop  }
0x90: {  	(tm) =	ssettm $0x1  }
0x91: {  	s17 =	sld [smem:$0x3FFB];
	_ =	sdelay $0x3  }
0x92: {  	_ =	strace s17  }
0x93: {  	s2 =	sld [smem:$0x3FFC];
	_ =	sdelay $0x3  }
0x94: {  	_ =	strace s2  }
0x95: {  	s2 =	sld [smem:$0x3FFD];
	_ =	sdelay $0x3  }
0x96: {  	_ =	strace s2  }
0x97: {  	_ =	strace $0x8FFFFFFF  }
0x98: {  	s18 =	sld [smem:$0x3FDB];
	_ =	sdelay $0x1  }
0x99: {  	s19 =	simm.s32 $_scs_section_size  }
0x9a: {  	s4 =	simm.s32 $_size__tile_overlayer_lowered;
	s5 =	simm.s32 $_tile_overlayer_lowered  }
0x9b: {  	s22 =	simm.s32 $0x1BFF;
	s21 =	sshll.u32 s5, $0x1;
	s2 =	sadd.s32 s19, s18  }
0x9c: {  	s6 =	simm.s32 $0x0;
	s20 =	sshll.u32 s4, $0x1;
	s4 =	sadd.s32 s21, s2  }
0x9d: {  	[timem:s6], [sflag:s22] =	dma.local [hbm:s4], s20  }
0x9e: {  	_ =	swait.ge [sflag:s22], s20  }
0x9f: {  	s3 =	ssub.s32 $0x0, s20;
	[sflag:s22] =	ssyncset.done $0x0  }
0xa0: {  	[sflag:s22] =	ssyncadd.s32 s3;
	_ =	sdelay $0x1  }
0xa1: {  	s23 =	simm.s32 $0x1B8B  }
0xa2: {  	_ =	swait.ge [sflag:s23], $0x1  }
0xa3: {  	[sflag:s23] =	ssyncset.done $0x0  }
0xa4: {  	s25 =	simm.s32 $0x1B8E;
	s24 =	sld [smem:$0x3FFE];
	[sflag:s23] =	ssyncadd.s32 $0xFFFFFFFF  }
0xa5: {  	s26 =	simm.s32 $execute0_lowered;
	[smem:$0x3FD2] =	sst s25  }
0xa6: {  	s4 =	sshll.u32 s26, $0x1;
	_ =	strace $0x80000046;
	[dreg:$0x1] =	wrdreg $0xFFFFFFFF  }
0xa7: {  	s28 =	simm.s32 $_size_execute0_lowered;
	s2 =	sadd.s32 s2, s4;
	[dreg:$0x0] =	wrdreg $0x0  }
0xa8: {  	s4 =	sshll.u32 s28, $0x1;
	[dreg:$0x2] =	wrdreg s2  }
0xa9: {  	[dreg:$0x3] =	wrdreg s4  }
0xaa: {  	[dreg:$0x4] =	wrdreg $0xC0  }
0xab: {  	_ =	task [dreg:s6], $0x5FFFF  }
0xac: {  	[dreg:$0x1] =	wrdreg $0xFFFFFFFF  }
0xad: {  	[dreg:$0x0] =	wrdreg $0x60  }
0xae: {  	[dreg:$0x2] =	wrdreg s24  }
0xaf: {  	[dreg:$0x3] =	wrdreg $0x64800  }
0xb0: {  	[dreg:$0x4] =	wrdreg $0x9  }
0xb1: {  	_ =	task.clear_ibuf [dreg:s6], $0x5FFFF;
	_ =	strace $0x90000046  }
0xb2: {  	s29 =	simm.s32 $0x9;
	_ =	strace $0x80000048  }
0xb3: {  	_ =	swait.ge [sflag:s29], $0x1  }
0xb4: {  	[sflag:s29] =	ssyncadd.s32 $0xFFFFFFFF  }
0xb5: {  	_ =	strace $0x90000048  }
0xb6: {  	_ =	sfence  }
0xb7: {  	s30 =	sld [smem:$0x0];
	_ =	sdelay $0x2  }
0xb8: {  	s31 =	sshll.u32 s1, $0xD;
	s1 =	sshrl.u32 s1, $0x2  }
0xb9: {  	s3 =	sand.u32 $0x4000, s31;
	s1 =	sadd.s32 s1, s30  }
0xba: {  	s0 =	sor.u32 s3, s0;
	s1 =	sshll.u32 s1, $0x11  }
0xbb: {  	s0 =	sor.u32 s1, s0  }
0xbc: {  	s0 =	sadd.s32 $0x8F2B, s0  }
0xbd: {  	[sflag:s0] =	ssyncadd.remote.s32 $0x1  }
0xbe: {  	_ =	sfence.sel $0xFFFF  }
0xbf: {  	[dreg:$0x0] =	wrdreg $0xFFFFFFFF;
	(pc) =	sbr.abs _section_cstart, $3  }
0xc0: {  	[dreg:$0x1] =	wrdreg $0xFFFFFFFF  }
0xc1: {  	_ =	task.clear_ibuf [dreg:s6], $0x2FFFF;
	_ =	strace $0x9FFFFFFF  }
0xc2: {  	(tm) =	ssettm $0x7FFFFFFF  }
0xc3: {  	_ =	shalt  }
tec
execute0_lowered:
.L_overlay_start_1:
0x0: {  	(tag) =	ssettag $0x1  }
0x1: {  	s1 =	srdreg.scid;
	s5 =	rddreg [dreg:$0x0]  }
0x2: {  	s0 =	stileid.u32;
	s2 =	rddreg [dreg:$0x1];
	s3 =	simm.s32 $0x0  }
0x3: {  	s12 =	simm.s32 $0x6400;
	s13 =	simm.s32 $0x0;
	s4 =	sand.u32 $0x1, s1  }
0x4: {  	s30 =	sshll.u32 s0, $0x1;
	s7 =	smul.u32 $0xC80, s0;
	[smem:$0x7FF] =	sst s3  }
0x5: {  	s31 =	sshll.u32 s0, $0x6;
	s1 =	sor.u32 s4, s30;
	s8 =	smul.u32 $0xC800, s4  }
0x6: {  	s4 =	ssub.s32 $0x2, s4;
	s6 =	smul.u32 $0xC80, s1;
	s1 =	rddreg [dreg:$0x2]  }
0x7: {  	_ =	strace $0x80000047;
	s9 =	sshrl.u32 s7, $0x3;
	s10 =	sshrl.u32 s4, $0x1  }
0x8: {  	s11 =	sadd.s32 s7, s2;
	s8 =	sadd.s32 s7, s8;
	s9 =	sadd.s32 s9, s5  }
0x9: {  	s10 =	ssub.s32 s4, s10;
	s6 =	sadd.s32 s6, s5;
	s8 =	sshrl.u32 s8, $0x3  }
0xa: {  	s4 =	sadd.s32 $0x1BA00, s9;
	s9 =	sshrl.u32 s11, $0x3;
	s11 =	simm.s32 $0x80  }
0xb: {  	s8 =	sadd.s32 s8, s5;
	s5 =	sor.u32 $0x1C01, s31;
	s6 =	sadd.s32 $0x2A00, s6  }
0xc: {  	v0 =	vimm.f32 $1.000000000e+00;
	s7 =	sadd.s32 $0x1D400, s8;
	s8 =	smax.u32 s10, $0x1;
	s10 =	simm.s32 $0x1  }
.LBB2_1:
0xd: {  	[spmem:s9], [sflag:s5] =	dma.local [hbm:s4], $0x190  }
0xe: {  	_ =	swait.ge [sflag:s10], $0x190  }
0xf: {  	[sflag:s10] =	ssyncset.done $0x0  }
0x10: {  	[sflag:s10] =	ssyncadd.s32 $0xFFFFFE70  }
0x11: {  	[tilespmem:$0x6400] =	vst v0  }
0x12: {  	[tilespmem:$0x6410] =	vst v0  }
0x13: {  	[tilespmem:$0x6420] =	vst v0  }
0x14: {  	[tilespmem:$0x6430] =	vst v0  }
0x15: {  	[tilespmem:$0x6440] =	vst v0  }
0x16: {  	[tilespmem:$0x6450] =	vst v0  }
0x17: {  	[tilespmem:$0x6460] =	vst v0  }
0x18: {  	[tilespmem:$0x6470] =	vst v0  }
0x19: {  	[tilespmem:s3], [sflag:$0x1] =	stream.linear.gather [hbm4b:s6+s3], $0x6400, $0x38;
	[tilespmem:$0x7100] =	vst v63  }
0x1a: {  	_ =	swait.ge [sflag:s10], $0x6400  }
0x1b: {  	[sflag:s10] =	ssyncset.done $0x0  }
0x1c: {  	[sflag:s10] =	ssyncadd.s32 $0xFFFF9C00  }
0x1d: {  	s14 =	simm.s32 $0x0;
	[bflag:$0x0] =	sbarrier.arrive $0xFFFF  }
0x1e: {  	[spmem:s2] =	stream.indirect.scatter.add.f32 [tilespmem:s12], [sflag:$0x1], $0x1, s14, s11, $0xb8;
	[tilespmem:$0x7100] =	vst v63  }
0x1f: {  	_ =	swait.ge [sflag:s10], $0x80  }
0x20: {  	s14 =	simm.s32 $0x200;
	[sflag:s10] =	ssyncset.done $0x0  }
.LBB2_2:
0x21: {  	s15 =	sshra.s32 s14, $0x2;
	[sflag:s10] =	ssyncadd.s32 $0xFFFFFF80;
	p0 =	sne.s32 s14, $0x18E00  }
0x22: {  	[spmem:s2] =	stream.indirect.scatter.add.f32 [tilespmem:s12], [sflag:$0x1], $0x1, s15, s11, $0xb8;
	[tilespmem:$0x7100] =	vst v63  }
.Ltmp0:
0x23: {  	_ = 	snop;
	(pc) =	sbr.rel @p0 .LBB2_2-.Ltmp0, $4  }
0x24: {  	_ = 	snop  }
0x25: {  	s14 =	sadd.s32 $0x200, s14  }
0x26: {  	_ =	swait.ge [sflag:s10], $0x80  }
0x27: {  	[sflag:s10] =	ssyncset.done $0x0  }
0x28: {  	s13 =	sadd.s32 $0x1, s13  }
0x29: {  	[sflag:s10] =	ssyncadd.s32 $0xFFFFFF80;
	p0 =	sne.s32 s13, s8  }
.Ltmp1:
0x2a: {  	[bflag:$0x0] =	sbarrier.arrive $0xFFFF;
	(pc) =	sbr.rel @p0 .LBB2_1-.Ltmp1, $4  }
0x2b: {  	[hbm:s7], [sflag:s5] =	dma.local [spmem:s9], $0x190  }
0x2c: {  	_ =	swait.ge [sflag:s10], $0x190  }
0x2d: {  	[sflag:s10] =	ssyncset.done $0x0  }
0x2e: {  	[sflag:s10] =	ssyncadd.s32 $0xFFFFFE70  }
0x2f: {  	_ =	sfence.sel $0x180000  }
0x30: {  	[bflag:$0x0] =	sbarrier.arrive $0xFFFF  }
0x31: {  	p0 =	sne.s32 s0, $0x0;
	_ =	strace $0x90000047  }
0x32: {  	s0 =	sadd.s32 @!p0 $0x100000, s1;
	[bflag:$0x2] =	sbarrier.arrive $0xFFFF  }
0x33: {  	[sflag:s0] =	ssyncadd.tile.s32 @!p0 $0x1;
	_ =	shalt  }
.Lfunc_end2:
_tile_overlayer_lowered:
.L_overlay_start_2:
0x34: {  	(tag) =	ssettag $0x2  }
0x35: {  	s0 =	rddreg [dreg:$0x0];
	s2 =	stileid.u32  }
0x36: {  	s1 =	rddreg [dreg:$0x1];
	p0 =	sne.s32 s2, $0x0  }
0x37: {  	s3 =	rddreg [dreg:$0x2];
	[bflag:$0x3] =	sbarrier.arrive $0xFFFF;
	s2 =	simm.s32 @!p0 $0x1C01  }
0x38: {  	[timem:s3], [sflag:s2] =	dma.local @!p0 [hbm:s0], s1  }
0x39: {  	s0 =	simm.s32 @!p0 $0x1  }
0x3a: {  	_ =	swait.ge @!p0 [sflag:s0], s1  }
0x3b: {  	s1 =	ssub.s32 @!p0 $0x0, s1;
	[sflag:s0] =	ssyncset.done @!p0 $0x0  }
0x3c: {  	[sflag:s0] =	ssyncadd.s32 @!p0 s1  }
0x3d: {  	[bflag:$0x3] =	sbarrier.arrive $0xFFFF  }
0x3e: {  	_ =	shalt  }

</sc_bundles>
